<compile_context>
chip_gen: v7x
topology: tpu7x:2x2x1
jax: 0.10.2.dev20260603
libtpu: 0.0.44.dev20260713+nightly
codegen_flags: <defaults>
</compile_context>

<pallas_src>
import functools

import jax
import jax.numpy as jnp
from jax import lax
from jax.experimental import pallas as pl
from jax.experimental.pallas import tpu as pltpu
from jax.experimental.pallas import tpu_sc as plsc

N_NODES = 10000
N_EDGES = 320000
D_FEAT = 128
D_HID = 128
D_OUT = 64

NC = 2
NS = 16
NW = NC * NS

EPW = N_EDGES // NW
K = 80
NITER = EPW // K
N_PAD = 10240
RPT = N_PAD // NS
RB = 80
DCH = 8
SCH = 16
DEPTH = 4


@functools.lru_cache(maxsize=None)
def _make_sc_scatter(D):
    mesh = plsc.VectorSubcoreMesh(core_axis_name="c", subcore_axis_name="s")

    @functools.partial(
        pl.kernel,
        mesh=mesh,
        out_type=jax.ShapeDtypeStruct((NC, N_PAD, D), jnp.float32),
        scratch_types=[
            pltpu.VMEM((2, SCH, K), jnp.int32),
            pltpu.VMEM((2, DCH, K), jnp.int32),
            pltpu.VMEM((RB, D), jnp.float32),
            pltpu.VMEM((RB, D), jnp.float32),
            pltpu.VMEM((RB, D), jnp.float32),
            pltpu.VMEM((RB, D), jnp.float32),
            pltpu.VMEM_SHARED((N_PAD, D), jnp.float32),
            pltpu.SemaphoreType.DMA,
            pltpu.SemaphoreType.DMA,
            pltpu.SemaphoreType.DMA,
            pltpu.SemaphoreType.DMA,
            pltpu.SemaphoreType.DMA,
            pltpu.SemaphoreType.DMA,
        ],
    )
    def sc_kernel(y_hbm, src_hbm, dst_hbm, out_hbm,
                  src_v, dst_v, rows_a, rows_b, rows_c, rows_d, agg_sh,
                  sem_a, sem_b, sem_c, sem_dd, sem_i, sem_d):
        c = lax.axis_index("c")
        s = lax.axis_index("s")
        wid = c * NS + s
        zz = jnp.zeros((16,), jnp.float32)
        bufs = (rows_a, rows_b, rows_c, rows_d)
        sems = (sem_a, sem_b, sem_c, sem_dd)

        pltpu.sync_copy(src_hbm.at[wid, pl.ds(0, SCH)], src_v.at[0])
        pltpu.async_copy(src_hbm.at[wid, pl.ds(SCH, SCH)], src_v.at[1], sem_i)
        pltpu.async_copy(dst_hbm.at[wid, pl.ds(0, DCH)], dst_v.at[0], sem_d)

        @pl.loop(0, RB)
        def _(r):
            @pl.loop(0, D // 16)
            def _(j):
                rows_d[r, pl.ds(j * 16, 16)] = zz

        for b in range(RPT // RB):
            pltpu.async_copy(
                rows_d, agg_sh.at[pl.ds(s * RPT + b * RB, RB)], sem_dd)

        for t in range(DEPTH - 1):
            pltpu.async_copy(y_hbm.at[src_v.at[0, t]], bufs[t], sems[t])

        for b in range(RPT // RB):
            pltpu.make_async_copy(
                rows_d, agg_sh.at[pl.ds(s * RPT + b * RB, RB)], sem_dd).wait()
        pltpu.async_copy(y_hbm.at[src_v.at[0, DEPTH - 1]],
                         rows_d, sem_dd)
        plsc.subcore_barrier()

        NFULL = (NITER - 1) // DEPTH

        @pl.loop(0, NFULL)
        def _(j):
            for t in range(DEPTH):
                i = DEPTH * j + t
                buf, sem = bufs[t], sems[t]
                par = lax.rem(lax.div(i, DCH), 2)

                @pl.when(lax.rem(i, DCH) == 0)
                def _():
                    i8 = pl.multiple_of(i, DCH)
                    pltpu.make_async_copy(
                        dst_hbm.at[wid, pl.ds(i8, DCH)],
                        dst_v.at[par], sem_d).wait()

                    @pl.when(i + DCH < NITER)
                    def _():
                        pltpu.async_copy(
                            dst_hbm.at[wid, pl.ds(i8 + DCH, DCH)],
                            dst_v.at[1 - par], sem_d)

                g = i + DEPTH
                gpar = lax.rem(lax.div(g, SCH), 2)

                @pl.when((lax.rem(g, SCH) == 0) & (g < NITER))
                def _():
                    pltpu.make_async_copy(
                        src_hbm.at[wid, pl.ds(pl.multiple_of(g, SCH), SCH)],
                        src_v.at[gpar], sem_i).wait()

                @pl.when((lax.rem(g, SCH) == DEPTH) &
                         (g - DEPTH + SCH < NITER))
                def _():
                    g16 = pl.multiple_of(g - DEPTH, SCH)
                    pltpu.async_copy(
                        src_hbm.at[wid, pl.ds(g16 + SCH, SCH)],
                        src_v.at[1 - gpar], sem_i)

                ipar = lax.rem(lax.div(i, SCH), 2)
                pltpu.make_async_copy(
                    y_hbm.at[src_v.at[ipar, lax.rem(i, SCH)]], buf, sem).wait()
                pltpu.sync_copy(
                    buf, agg_sh.at[dst_v.at[par, lax.rem(i, DCH)]], add=True)

                @pl.when(g < NITER)
                def _():
                    pltpu.async_copy(
                        y_hbm.at[src_v.at[gpar, lax.rem(g, SCH)]], buf, sem)

        for t, i in ((0, NITER - 1),):
            buf, sem = bufs[t], sems[t]
            par = (i // DCH) % 2
            ipar = (i // SCH) % 2
            pltpu.make_async_copy(
                y_hbm.at[src_v.at[ipar, lax.rem(i, SCH)]], buf, sem).wait()
            pltpu.sync_copy(
                buf, agg_sh.at[dst_v.at[par, lax.rem(i, DCH)]], add=True)

        plsc.subcore_barrier()

        nwo = RPT // RB
        for b in range(nwo):
            r0 = s * RPT + b * RB
            pltpu.async_copy(
                agg_sh.at[pl.ds(r0, RB)], out_hbm.at[c, pl.ds(r0, RB)], sem_a)
        for b in range(nwo):
            r0 = s * RPT + b * RB
            pltpu.make_async_copy(
                agg_sh.at[pl.ds(r0, RB)], out_hbm.at[c, pl.ds(r0, RB)],
                sem_a).wait()

    return sc_kernel


_ROW_BLK = 5000
_GRID = N_NODES // _ROW_BLK


def _mid_body(x_ref, p_ref, b_ref, w_ref, o_ref):
    g = x_ref[...] + p_ref[0] + p_ref[1]
    z = jnp.dot(g, w_ref[...], preferred_element_type=jnp.float32) + b_ref[...]
    o_ref[...] = jnp.maximum(z, 0.0)


def _final_body(h_ref, q_ref, b_ref, w_ref, o_ref):
    g = h_ref[...] + q_ref[0] + q_ref[1]
    z = jnp.dot(g, w_ref[...], preferred_element_type=jnp.float32) + b_ref[...]
    m = jnp.max(z, axis=1, keepdims=True)
    lse = jnp.log(jnp.sum(jnp.exp(z - m), axis=1, keepdims=True)) + m
    o_ref[...] = z - lse


def _combine(body, x, p, b, w):
    n, d = x.shape
    dout = w.shape[1]
    return pl.pallas_call(
        body,
        grid=(_GRID,),
        in_specs=[
            pl.BlockSpec((_ROW_BLK, d), lambda i: (i, 0)),
            pl.BlockSpec((NC, _ROW_BLK, d), lambda i: (0, i, 0)),
            pl.BlockSpec((1, dout), lambda i: (0, 0)),
            pl.BlockSpec((d, dout), lambda i: (0, 0)),
        ],
        out_specs=pl.BlockSpec((_ROW_BLK, dout), lambda i: (i, 0)),
        out_shape=jax.ShapeDtypeStruct((n, dout), jnp.float32),
    )(x, p, b, w)


def kernel(features, edges, W1, b1, W2, b2):
    src = edges[0].astype(jnp.int32).reshape(NW, NITER, K)
    dst = edges[1].astype(jnp.int32).reshape(NW, NITER, K)
    b1r = b1.reshape(1, D_HID)
    b2r = b2.reshape(1, D_OUT)

    p = _make_sc_scatter(D_FEAT)(features, src, dst)
    h = _combine(_mid_body, features, p, b1r, W1)
    q = _make_sc_scatter(D_HID)(h, src, dst)
    return _combine(_final_body, h, q, b2r, W2)

# --- scband reference (transcript-rebuilt; emitter-appended) ---
"""Pipeline reference for scband-gin-84645215470228 (READ-ONLY COPY).

The authoritative reference and input builder live on the scoring server;
editing this copy changes nothing except your own understanding.
"""

import jax, jax.numpy as jnp
import numpy as np

N_NODES = 10000
N_EDGES = 320000
D_FEAT = 128
D_HID = 128
D_OUT = 64


def setup_inputs(seed: int = 0) -> dict:
    key = jax.random.key(seed)
    k1, k2, k3, k4, k5, k6 = jax.random.split(key, 6)
    features = jax.random.normal(k1, (N_NODES, D_FEAT), dtype=jnp.float32)
    edges = jax.random.randint(k2, (2, N_EDGES), 0, N_NODES, dtype=jnp.int64)
    # GINConv linear weights (eps=0 GIN: W @ ((1+eps)*x + sum_neighbors))
    W1 = jax.random.normal(k3, (D_FEAT, D_HID), dtype=jnp.float32) * (1.0 / np.sqrt(D_FEAT))
    b1 = jax.random.normal(k4, (D_HID,), dtype=jnp.float32) * 0.01
    W2 = jax.random.normal(k5, (D_HID, D_OUT), dtype=jnp.float32) * (1.0 / np.sqrt(D_HID))
    b2 = jax.random.normal(k6, (D_OUT,), dtype=jnp.float32) * 0.01
    return {"features": features, "edges": edges, "W1": W1, "b1": b1, "W2": W2, "b2": b2}


def _gin_conv(x, edges, W, b, eps=0.0):
    src = edges[0]
    dst = edges[1]
    # sum aggregation over incoming edges (scatter-add)
    agg = jnp.zeros_like(x).at[dst].add(x[src])
    h = (1.0 + eps) * x + agg
    return h @ W + b


def reference(features, edges, W1, b1, W2, b2):
    h = _gin_conv(features, edges, W1, b1)
    h = jax.nn.relu(h)
    # dropout is identity in eval mode (self.training == False)
    h = _gin_conv(h, edges, W2, b2)
    return jax.nn.log_softmax(h, axis=1)

if __name__ == "__main__":
    import jax
    _d = setup_inputs()
    print(jax.jit(kernel)(*tuple(_d.values())))

</pallas_src>

<mosaic_0001>
#map = affine_map<(d0, d1) -> (0, 0)>
#map1 = affine_map<(d0, d1) -> (0, 0, 0)>
module attributes {stable_mosaic.version = 14 : i64} {
  func.func @sc_kernel(%arg0: i32, %arg1: i32, %arg2: memref<10000x128xf32, #tpu.memory_space<hbm>>, %arg3: memref<32x125x80xi32, #tpu.memory_space<hbm>>, %arg4: memref<32x125x80xi32, #tpu.memory_space<hbm>>, %arg5: memref<2x10240x128xf32, #tpu.memory_space<hbm>>, %arg6: memref<2x16x80xi32, #tpu.memory_space<vmem>>, %arg7: memref<2x8x80xi32, #tpu.memory_space<vmem>>, %arg8: memref<80x128xf32, #tpu.memory_space<vmem>>, %arg9: memref<80x128xf32, #tpu.memory_space<vmem>>, %arg10: memref<80x128xf32, #tpu.memory_space<vmem>>, %arg11: memref<80x128xf32, #tpu.memory_space<vmem>>, %arg12: memref<10240x128xf32, #tpu.memory_space<vmem_shared>>, %arg13: memref<!tpu.dma_semaphore, #tpu.memory_space<semaphore_mem>>, %arg14: memref<!tpu.dma_semaphore, #tpu.memory_space<semaphore_mem>>, %arg15: memref<!tpu.dma_semaphore, #tpu.memory_space<semaphore_mem>>, %arg16: memref<!tpu.dma_semaphore, #tpu.memory_space<semaphore_mem>>, %arg17: memref<!tpu.dma_semaphore, #tpu.memory_space<semaphore_mem>>, %arg18: memref<!tpu.dma_semaphore, #tpu.memory_space<semaphore_mem>>) attributes {dimension_semantics = [#tpu.dimension_semantics<core_parallel>, #tpu.dimension_semantics<subcore_parallel>], iteration_bounds = array<i64: 2, 16>, scalar_prefetch = 0 : i64, scratch_operands = 13 : i64, tpu.core_type = #tpu.core_type<sc_vector_subcore>, window_params = [{transform_indices = #map}, {transform_indices = #map1}, {transform_indices = #map1}, {transform_indices = #map1}]} {
    %mul3A = arith.constant 16 : i32
    %mul3A_0 = arith.muli %arg0, %mul3A : i32
    %add3A = arith.addi %mul3A_0, %arg1 : i32
    %broadcast_in_dim3A = arith.constant 0.000000e+00 : f32
    %broadcast_in_dim3A_1 = vector.broadcast %broadcast_in_dim3A : f32 to vector<16xf32>
    %run_scoped3A = arith.constant 0 : i32
    "tpu.region"() ({
      %run_scoped3A_361 = tpu.sem_alloc : memref<!tpu.dma_semaphore, #tpu.memory_space<semaphore_mem>>
      %dma_start3A_362 = arith.constant 0 : i32
      %dma_start3A_363 = arith.constant 0 : i32
      %dma_start3A_364 = tpu.memref_slice %arg6[%run_scoped3A, %dma_start3A_362, %dma_start3A_363] : memref<2x16x80xi32, #tpu.memory_space<vmem>> -> memref<1x16x80xi32, #tpu.memory_space<vmem>>
      %dma_start3A_365 = tpu.memref_squeeze %dma_start3A_364 : memref<1x16x80xi32, #tpu.memory_space<vmem>> -> memref<16x80xi32, #tpu.memory_space<vmem>>
      %dma_start3A_366 = arith.constant 0 : i32
      %dma_start3A_367 = arith.constant 0 : i32
      %dma_start3A_368 = tpu.memref_slice %arg3[%add3A, %dma_start3A_366, %dma_start3A_367] : memref<32x125x80xi32, #tpu.memory_space<hbm>> -> memref<1x16x80xi32, #tpu.memory_space<hbm>>
      %dma_start3A_369 = tpu.memref_squeeze %dma_start3A_368 : memref<1x16x80xi32, #tpu.memory_space<hbm>> -> memref<16x80xi32, #tpu.memory_space<hbm>>
      %dma_start3A_370 = arith.constant 0 : i32
      %dma_start3A_371 = arith.constant 0 : i32
      %dma_start3A_372 = tpu.memref_slice %arg6[%run_scoped3A, %dma_start3A_370, %dma_start3A_371] : memref<2x16x80xi32, #tpu.memory_space<vmem>> -> memref<1x16x80xi32, #tpu.memory_space<vmem>>
      %dma_start3A_373 = tpu.memref_squeeze %dma_start3A_372 : memref<1x16x80xi32, #tpu.memory_space<vmem>> -> memref<16x80xi32, #tpu.memory_space<vmem>>
      %dma_start3A_374 = arith.constant 0 : i32
      %dma_start3A_375 = arith.constant 0 : i32
      %dma_start3A_376 = tpu.memref_slice %arg3[%add3A, %dma_start3A_374, %dma_start3A_375] : memref<32x125x80xi32, #tpu.memory_space<hbm>> -> memref<1x16x80xi32, #tpu.memory_space<hbm>>
      %dma_start3A_377 = tpu.memref_squeeze %dma_start3A_376 : memref<1x16x80xi32, #tpu.memory_space<hbm>> -> memref<16x80xi32, #tpu.memory_space<hbm>>
      tpu.enqueue_dma source(%dma_start3A_377 : memref<16x80xi32, #tpu.memory_space<hbm>>) target(%dma_start3A_373 : memref<16x80xi32, #tpu.memory_space<vmem>>) target_semaphore(%run_scoped3A_361 : memref<!tpu.dma_semaphore, #tpu.memory_space<semaphore_mem>>)
      %dma_wait3A_378 = arith.constant 0 : i32
      %dma_wait3A_379 = arith.constant 0 : i32
      %dma_wait3A_380 = tpu.memref_slice %arg6[%run_scoped3A, %dma_wait3A_378, %dma_wait3A_379] : memref<2x16x80xi32, #tpu.memory_space<vmem>> -> memref<1x16x80xi32, #tpu.memory_space<vmem>>
      %dma_wait3A_381 = tpu.memref_squeeze %dma_wait3A_380 : memref<1x16x80xi32, #tpu.memory_space<vmem>> -> memref<16x80xi32, #tpu.memory_space<vmem>>
      %dma_wait3A_382 = arith.constant 0 : i32
      %dma_wait3A_383 = arith.constant 0 : i32
      %dma_wait3A_384 = tpu.memref_slice %arg3[%add3A, %dma_wait3A_382, %dma_wait3A_383] : memref<32x125x80xi32, #tpu.memory_space<hbm>> -> memref<1x16x80xi32, #tpu.memory_space<hbm>>
      %dma_wait3A_385 = tpu.memref_squeeze %dma_wait3A_384 : memref<1x16x80xi32, #tpu.memory_space<hbm>> -> memref<16x80xi32, #tpu.memory_space<hbm>>
      %dma_wait3A_386 = arith.constant 0 : i32
      %dma_wait3A_387 = arith.constant 0 : i32
      %dma_wait3A_388 = tpu.memref_slice %arg6[%run_scoped3A, %dma_wait3A_386, %dma_wait3A_387] : memref<2x16x80xi32, #tpu.memory_space<vmem>> -> memref<1x16x80xi32, #tpu.memory_space<vmem>>
      %dma_wait3A_389 = tpu.memref_squeeze %dma_wait3A_388 : memref<1x16x80xi32, #tpu.memory_space<vmem>> -> memref<16x80xi32, #tpu.memory_space<vmem>>
      %dma_wait3A_390 = arith.constant 0 : i32
      %dma_wait3A_391 = arith.constant 0 : i32
      %dma_wait3A_392 = tpu.memref_slice %arg3[%add3A, %dma_wait3A_390, %dma_wait3A_391] : memref<32x125x80xi32, #tpu.memory_space<hbm>> -> memref<1x16x80xi32, #tpu.memory_space<hbm>>
      %dma_wait3A_393 = tpu.memref_squeeze %dma_wait3A_392 : memref<1x16x80xi32, #tpu.memory_space<hbm>> -> memref<16x80xi32, #tpu.memory_space<hbm>>
      tpu.wait_dma2 semaphore(%run_scoped3A_361 : memref<!tpu.dma_semaphore, #tpu.memory_space<semaphore_mem>>) src(%dma_wait3A_393 : memref<16x80xi32, #tpu.memory_space<hbm>>) dst(%dma_wait3A_389 : memref<16x80xi32, #tpu.memory_space<vmem>>)
      tpu.yield
    }) : () -> ()
    %dma_start3A = arith.constant 1 : i32
    %dma_start3A_2 = arith.constant 0 : i32
    %dma_start3A_3 = arith.constant 0 : i32
    %dma_start3A_4 = tpu.memref_slice %arg6[%dma_start3A, %dma_start3A_2, %dma_start3A_3] : memref<2x16x80xi32, #tpu.memory_space<vmem>> -> memref<1x16x80xi32, #tpu.memory_space<vmem>>
    %dma_start3A_5 = tpu.memref_squeeze %dma_start3A_4 : memref<1x16x80xi32, #tpu.memory_space<vmem>> -> memref<16x80xi32, #tpu.memory_space<vmem>>
    %dma_start3A_6 = arith.constant 16 : i32
    %dma_start3A_7 = arith.constant 0 : i32
    %dma_start3A_8 = tpu.memref_slice %arg3[%add3A, %dma_start3A_6, %dma_start3A_7] : memref<32x125x80xi32, #tpu.memory_space<hbm>> -> memref<1x16x80xi32, #tpu.memory_space<hbm>>
    %dma_start3A_9 = tpu.memref_squeeze %dma_start3A_8 : memref<1x16x80xi32, #tpu.memory_space<hbm>> -> memref<16x80xi32, #tpu.memory_space<hbm>>
    %dma_start3A_10 = arith.constant 0 : i32
    %dma_start3A_11 = arith.constant 0 : i32
    %dma_start3A_12 = tpu.memref_slice %arg6[%dma_start3A, %dma_start3A_10, %dma_start3A_11] : memref<2x16x80xi32, #tpu.memory_space<vmem>> -> memref<1x16x80xi32, #tpu.memory_space<vmem>>
    %dma_start3A_13 = tpu.memref_squeeze %dma_start3A_12 : memref<1x16x80xi32, #tpu.memory_space<vmem>> -> memref<16x80xi32, #tpu.memory_space<vmem>>
    %dma_start3A_14 = arith.constant 16 : i32
    %dma_start3A_15 = arith.constant 0 : i32
    %dma_start3A_16 = tpu.memref_slice %arg3[%add3A, %dma_start3A_14, %dma_start3A_15] : memref<32x125x80xi32, #tpu.memory_space<hbm>> -> memref<1x16x80xi32, #tpu.memory_space<hbm>>
    %dma_start3A_17 = tpu.memref_squeeze %dma_start3A_16 : memref<1x16x80xi32, #tpu.memory_space<hbm>> -> memref<16x80xi32, #tpu.memory_space<hbm>>
    tpu.enqueue_dma source(%dma_start3A_17 : memref<16x80xi32, #tpu.memory_space<hbm>>) target(%dma_start3A_13 : memref<16x80xi32, #tpu.memory_space<vmem>>) target_semaphore(%arg17 : memref<!tpu.dma_semaphore, #tpu.memory_space<semaphore_mem>>)
    %dma_start3A_18 = arith.constant 0 : i32
    %dma_start3A_19 = arith.constant 0 : i32
    %dma_start3A_20 = arith.constant 0 : i32
    %dma_start3A_21 = tpu.memref_slice %arg7[%dma_start3A_18, %dma_start3A_19, %dma_start3A_20] : memref<2x8x80xi32, #tpu.memory_space<vmem>> -> memref<1x8x80xi32, #tpu.memory_space<vmem>>
    %dma_start3A_22 = tpu.memref_squeeze %dma_start3A_21 : memref<1x8x80xi32, #tpu.memory_space<vmem>> -> memref<8x80xi32, #tpu.memory_space<vmem>>
    %dma_start3A_23 = arith.constant 0 : i32
    %dma_start3A_24 = arith.constant 0 : i32
    %dma_start3A_25 = tpu.memref_slice %arg4[%add3A, %dma_start3A_23, %dma_start3A_24] : memref<32x125x80xi32, #tpu.memory_space<hbm>> -> memref<1x8x80xi32, #tpu.memory_space<hbm>>
    %dma_start3A_26 = tpu.memref_squeeze %dma_start3A_25 : memref<1x8x80xi32, #tpu.memory_space<hbm>> -> memref<8x80xi32, #tpu.memory_space<hbm>>
    %dma_start3A_27 = arith.constant 0 : i32
    %dma_start3A_28 = arith.constant 0 : i32
    %dma_start3A_29 = tpu.memref_slice %arg7[%dma_start3A_18, %dma_start3A_27, %dma_start3A_28] : memref<2x8x80xi32, #tpu.memory_space<vmem>> -> memref<1x8x80xi32, #tpu.memory_space<vmem>>
    %dma_start3A_30 = tpu.memref_squeeze %dma_start3A_29 : memref<1x8x80xi32, #tpu.memory_space<vmem>> -> memref<8x80xi32, #tpu.memory_space<vmem>>
    %dma_start3A_31 = arith.constant 0 : i32
    %dma_start3A_32 = arith.constant 0 : i32
    %dma_start3A_33 = tpu.memref_slice %arg4[%add3A, %dma_start3A_31, %dma_start3A_32] : memref<32x125x80xi32, #tpu.memory_space<hbm>> -> memref<1x8x80xi32, #tpu.memory_space<hbm>>
    %dma_start3A_34 = tpu.memref_squeeze %dma_start3A_33 : memref<1x8x80xi32, #tpu.memory_space<hbm>> -> memref<8x80xi32, #tpu.memory_space<hbm>>
    tpu.enqueue_dma source(%dma_start3A_34 : memref<8x80xi32, #tpu.memory_space<hbm>>) target(%dma_start3A_30 : memref<8x80xi32, #tpu.memory_space<vmem>>) target_semaphore(%arg18 : memref<!tpu.dma_semaphore, #tpu.memory_space<semaphore_mem>>)
    %scan3A = arith.constant 0 : i32
    %scan3A_35 = arith.constant 80 : i32
    %scan3A_36 = arith.addi %scan3A, %scan3A_35 : i32
    %scan3A_37 = arith.constant 1 : i32
    scf.for %scan3A_361 = %scan3A to %scan3A_36 step %scan3A_37  : i32 {
      %mul3A_362 = arith.constant 1 : i32
      %mul3A_363 = arith.muli %scan3A_361, %mul3A_362 : i32
      %add3A_364 = arith.constant 0 : i32
      %add3A_365 = arith.addi %add3A_364, %mul3A_363 : i32
      %scan3A_366 = arith.constant 0 : i32
      %scan3A_367 = arith.constant 8 : i32
      %scan3A_368 = arith.addi %scan3A_366, %scan3A_367 : i32
      %scan3A_369 = arith.constant 1 : i32
      scf.for %scan3A_371 = %scan3A_366 to %scan3A_368 step %scan3A_369  : i32 {
        %mul3A_372 = arith.constant 1 : i32
        %mul3A_373 = arith.muli %scan3A_371, %mul3A_372 : i32
        %add3A_374 = arith.constant 0 : i32
        %add3A_375 = arith.addi %add3A_374, %mul3A_373 : i32
        %mul3A_376 = arith.constant 16 : i32
        %mul3A_377 = arith.muli %add3A_375, %mul3A_376 : i32
        %swap3A = arith.index_cast %add3A_365 : i32 to index
        %swap3A_378 = arith.index_cast %mul3A_377 : i32 to index
        %swap3A_379 = tpu.vector_load %arg11[%swap3A, %swap3A_378] {strides = array<i32>} : memref<80x128xf32, #tpu.memory_space<vmem>>, vector<1x16xf32>,
        %swap3A_380 = vector.shape_cast %swap3A_379 : vector<1x16xf32> to vector<16xf32>
        %swap3A_381 = vector.shape_cast %broadcast_in_dim3A_1 : vector<16xf32> to vector<1x16xf32>
        tpu.vector_store %arg11[%swap3A, %swap3A_378], %swap3A_381 {strides = array<i32>} : memref<80x128xf32, #tpu.memory_space<vmem>>, vector<1x16xf32>,
      }
      %scan3A_370 = arith.constant 8 : i32
    }
    %scan3A_38 = arith.constant 80 : i32
    %mul3A_39 = arith.constant 640 : i32
    %mul3A_40 = arith.muli %arg1, %mul3A_39 : i32
    %add3A_41 = arith.constant 0 : i32
    %add3A_42 = arith.addi %mul3A_40, %add3A_41 : i32
    %dma_start3A_43 = arith.constant 0 : i32
    %dma_start3A_44 = tpu.memref_slice %arg12[%add3A_42, %dma_start3A_43] : memref<10240x128xf32, #tpu.memory_space<vmem_shared>> -> memref<80x128xf32, #tpu.memory_space<vmem_shared>>
    %dma_start3A_45 = arith.constant 0 : i32
    %dma_start3A_46 = tpu.memref_slice %arg12[%add3A_42, %dma_start3A_45] : memref<10240x128xf32, #tpu.memory_space<vmem_shared>> -> memref<80x128xf32, #tpu.memory_space<vmem_shared>>
    tpu.enqueue_dma source(%arg11 : memref<80x128xf32, #tpu.memory_space<vmem>>) target(%dma_start3A_46 : memref<80x128xf32, #tpu.memory_space<vmem_shared>>) target_semaphore(%arg16 : memref<!tpu.dma_semaphore, #tpu.memory_space<semaphore_mem>>)
    %mul3A_47 = arith.constant 640 : i32
    %mul3A_48 = arith.muli %arg1, %mul3A_47 : i32
    %add3A_49 = arith.constant 80 : i32
    %add3A_50 = arith.addi %mul3A_48, %add3A_49 : i32
    %dma_start3A_51 = arith.constant 0 : i32
    %dma_start3A_52 = tpu.memref_slice %arg12[%add3A_50, %dma_start3A_51] : memref<10240x128xf32, #tpu.memory_space<vmem_shared>> -> memref<80x128xf32, #tpu.memory_space<vmem_shared>>
    %dma_start3A_53 = arith.constant 0 : i32
    %dma_start3A_54 = tpu.memref_slice %arg12[%add3A_50, %dma_start3A_53] : memref<10240x128xf32, #tpu.memory_space<vmem_shared>> -> memref<80x128xf32, #tpu.memory_space<vmem_shared>>
    tpu.enqueue_dma source(%arg11 : memref<80x128xf32, #tpu.memory_space<vmem>>) target(%dma_start3A_54 : memref<80x128xf32, #tpu.memory_space<vmem_shared>>) target_semaphore(%arg16 : memref<!tpu.dma_semaphore, #tpu.memory_space<semaphore_mem>>)
    %mul3A_55 = arith.constant 640 : i32
    %mul3A_56 = arith.muli %arg1, %mul3A_55 : i32
    %add3A_57 = arith.constant 160 : i32
    %add3A_58 = arith.addi %mul3A_56, %add3A_57 : i32
    %dma_start3A_59 = arith.constant 0 : i32
    %dma_start3A_60 = tpu.memref_slice %arg12[%add3A_58, %dma_start3A_59] : memref<10240x128xf32, #tpu.memory_space<vmem_shared>> -> memref<80x128xf32, #tpu.memory_space<vmem_shared>>
    %dma_start3A_61 = arith.constant 0 : i32
    %dma_start3A_62 = tpu.memref_slice %arg12[%add3A_58, %dma_start3A_61] : memref<10240x128xf32, #tpu.memory_space<vmem_shared>> -> memref<80x128xf32, #tpu.memory_space<vmem_shared>>
    tpu.enqueue_dma source(%arg11 : memref<80x128xf32, #tpu.memory_space<vmem>>) target(%dma_start3A_62 : memref<80x128xf32, #tpu.memory_space<vmem_shared>>) target_semaphore(%arg16 : memref<!tpu.dma_semaphore, #tpu.memory_space<semaphore_mem>>)
    %mul3A_63 = arith.constant 640 : i32
    %mul3A_64 = arith.muli %arg1, %mul3A_63 : i32
    %add3A_65 = arith.constant 240 : i32
    %add3A_66 = arith.addi %mul3A_64, %add3A_65 : i32
    %dma_start3A_67 = arith.constant 0 : i32
    %dma_start3A_68 = tpu.memref_slice %arg12[%add3A_66, %dma_start3A_67] : memref<10240x128xf32, #tpu.memory_space<vmem_shared>> -> memref<80x128xf32, #tpu.memory_space<vmem_shared>>
    %dma_start3A_69 = arith.constant 0 : i32
    %dma_start3A_70 = tpu.memref_slice %arg12[%add3A_66, %dma_start3A_69] : memref<10240x128xf32, #tpu.memory_space<vmem_shared>> -> memref<80x128xf32, #tpu.memory_space<vmem_shared>>
    tpu.enqueue_dma source(%arg11 : memref<80x128xf32, #tpu.memory_space<vmem>>) target(%dma_start3A_70 : memref<80x128xf32, #tpu.memory_space<vmem_shared>>) target_semaphore(%arg16 : memref<!tpu.dma_semaphore, #tpu.memory_space<semaphore_mem>>)
    %mul3A_71 = arith.constant 640 : i32
    %mul3A_72 = arith.muli %arg1, %mul3A_71 : i32
    %add3A_73 = arith.constant 320 : i32
    %add3A_74 = arith.addi %mul3A_72, %add3A_73 : i32
    %dma_start3A_75 = arith.constant 0 : i32
    %dma_start3A_76 = tpu.memref_slice %arg12[%add3A_74, %dma_start3A_75] : memref<10240x128xf32, #tpu.memory_space<vmem_shared>> -> memref<80x128xf32, #tpu.memory_space<vmem_shared>>
    %dma_start3A_77 = arith.constant 0 : i32
    %dma_start3A_78 = tpu.memref_slice %arg12[%add3A_74, %dma_start3A_77] : memref<10240x128xf32, #tpu.memory_space<vmem_shared>> -> memref<80x128xf32, #tpu.memory_space<vmem_shared>>
    tpu.enqueue_dma source(%arg11 : memref<80x128xf32, #tpu.memory_space<vmem>>) target(%dma_start3A_78 : memref<80x128xf32, #tpu.memory_space<vmem_shared>>) target_semaphore(%arg16 : memref<!tpu.dma_semaphore, #tpu.memory_space<semaphore_mem>>)
    %mul3A_79 = arith.constant 640 : i32
    %mul3A_80 = arith.muli %arg1, %mul3A_79 : i32
    %add3A_81 = arith.constant 400 : i32
    %add3A_82 = arith.addi %mul3A_80, %add3A_81 : i32
    %dma_start3A_83 = arith.constant 0 : i32
    %dma_start3A_84 = tpu.memref_slice %arg12[%add3A_82, %dma_start3A_83] : memref<10240x128xf32, #tpu.memory_space<vmem_shared>> -> memref<80x128xf32, #tpu.memory_space<vmem_shared>>
    %dma_start3A_85 = arith.constant 0 : i32
    %dma_start3A_86 = tpu.memref_slice %arg12[%add3A_82, %dma_start3A_85] : memref<10240x128xf32, #tpu.memory_space<vmem_shared>> -> memref<80x128xf32, #tpu.memory_space<vmem_shared>>
    tpu.enqueue_dma source(%arg11 : memref<80x128xf32, #tpu.memory_space<vmem>>) target(%dma_start3A_86 : memref<80x128xf32, #tpu.memory_space<vmem_shared>>) target_semaphore(%arg16 : memref<!tpu.dma_semaphore, #tpu.memory_space<semaphore_mem>>)
    %mul3A_87 = arith.constant 640 : i32
    %mul3A_88 = arith.muli %arg1, %mul3A_87 : i32
    %add3A_89 = arith.constant 480 : i32
    %add3A_90 = arith.addi %mul3A_88, %add3A_89 : i32
    %dma_start3A_91 = arith.constant 0 : i32
    %dma_start3A_92 = tpu.memref_slice %arg12[%add3A_90, %dma_start3A_91] : memref<10240x128xf32, #tpu.memory_space<vmem_shared>> -> memref<80x128xf32, #tpu.memory_space<vmem_shared>>
    %dma_start3A_93 = arith.constant 0 : i32
    %dma_start3A_94 = tpu.memref_slice %arg12[%add3A_90, %dma_start3A_93] : memref<10240x128xf32, #tpu.memory_space<vmem_shared>> -> memref<80x128xf32, #tpu.memory_space<vmem_shared>>
    tpu.enqueue_dma source(%arg11 : memref<80x128xf32, #tpu.memory_space<vmem>>) target(%dma_start3A_94 : memref<80x128xf32, #tpu.memory_space<vmem_shared>>) target_semaphore(%arg16 : memref<!tpu.dma_semaphore, #tpu.memory_space<semaphore_mem>>)
    %mul3A_95 = arith.constant 640 : i32
    %mul3A_96 = arith.muli %arg1, %mul3A_95 : i32
    %add3A_97 = arith.constant 560 : i32
    %add3A_98 = arith.addi %mul3A_96, %add3A_97 : i32
    %dma_start3A_99 = arith.constant 0 : i32
    %dma_start3A_100 = tpu.memref_slice %arg12[%add3A_98, %dma_start3A_99] : memref<10240x128xf32, #tpu.memory_space<vmem_shared>> -> memref<80x128xf32, #tpu.memory_space<vmem_shared>>
    %dma_start3A_101 = arith.constant 0 : i32
    %dma_start3A_102 = tpu.memref_slice %arg12[%add3A_98, %dma_start3A_101] : memref<10240x128xf32, #tpu.memory_space<vmem_shared>> -> memref<80x128xf32, #tpu.memory_space<vmem_shared>>
    tpu.enqueue_dma source(%arg11 : memref<80x128xf32, #tpu.memory_space<vmem>>) target(%dma_start3A_102 : memref<80x128xf32, #tpu.memory_space<vmem_shared>>) target_semaphore(%arg16 : memref<!tpu.dma_semaphore, #tpu.memory_space<semaphore_mem>>)
    %dma_start3A_103 = arith.constant 0 : i32
    %dma_start3A_104 = arith.constant 0 : i32
    %dma_start3A_105 = arith.constant 0 : i32
    %dma_start3A_106 = tpu.memref_slice %arg6[%dma_start3A_103, %dma_start3A_104, %dma_start3A_105] : memref<2x16x80xi32, #tpu.memory_space<vmem>> -> memref<1x1x80xi32, #tpu.memory_space<vmem>>
    %dma_start3A_107 = tpu.memref_squeeze %dma_start3A_106 : memref<1x1x80xi32, #tpu.memory_space<vmem>> -> memref<80xi32, #tpu.memory_space<vmem>>
    %dma_start3A_108 = arith.constant 0 : i32
    %dma_start3A_109 = arith.constant 0 : i32
    %dma_start3A_110 = tpu.memref_slice %arg2[%dma_start3A_108, %dma_start3A_109] : memref<10000x128xf32, #tpu.memory_space<hbm>> -> memref<10000x128xf32, #tpu.memory_space<hbm>>
    tpu.enqueue_indirect_dma source(%dma_start3A_110 : memref<10000x128xf32, #tpu.memory_space<hbm>>) target(%arg8 : memref<80x128xf32, #tpu.memory_space<vmem>>) offsets(%dma_start3A_107 : memref<80xi32, #tpu.memory_space<vmem>>) semaphore(%arg13 : memref<!tpu.dma_semaphore, #tpu.memory_space<semaphore_mem>>)
    %dma_start3A_111 = arith.constant 0 : i32
    %dma_start3A_112 = arith.constant 1 : i32
    %dma_start3A_113 = arith.constant 0 : i32
    %dma_start3A_114 = tpu.memref_slice %arg6[%dma_start3A_111, %dma_start3A_112, %dma_start3A_113] : memref<2x16x80xi32, #tpu.memory_space<vmem>> -> memref<1x1x80xi32, #tpu.memory_space<vmem>>
    %dma_start3A_115 = tpu.memref_squeeze %dma_start3A_114 : memref<1x1x80xi32, #tpu.memory_space<vmem>> -> memref<80xi32, #tpu.memory_space<vmem>>
    %dma_start3A_116 = arith.constant 0 : i32
    %dma_start3A_117 = arith.constant 0 : i32
    %dma_start3A_118 = tpu.memref_slice %arg2[%dma_start3A_116, %dma_start3A_117] : memref<10000x128xf32, #tpu.memory_space<hbm>> -> memref<10000x128xf32, #tpu.memory_space<hbm>>
    tpu.enqueue_indirect_dma source(%dma_start3A_118 : memref<10000x128xf32, #tpu.memory_space<hbm>>) target(%arg9 : memref<80x128xf32, #tpu.memory_space<vmem>>) offsets(%dma_start3A_115 : memref<80xi32, #tpu.memory_space<vmem>>) semaphore(%arg14 : memref<!tpu.dma_semaphore, #tpu.memory_space<semaphore_mem>>)
    %dma_start3A_119 = arith.constant 0 : i32
    %dma_start3A_120 = arith.constant 2 : i32
    %dma_start3A_121 = arith.constant 0 : i32
    %dma_start3A_122 = tpu.memref_slice %arg6[%dma_start3A_119, %dma_start3A_120, %dma_start3A_121] : memref<2x16x80xi32, #tpu.memory_space<vmem>> -> memref<1x1x80xi32, #tpu.memory_space<vmem>>
    %dma_start3A_123 = tpu.memref_squeeze %dma_start3A_122 : memref<1x1x80xi32, #tpu.memory_space<vmem>> -> memref<80xi32, #tpu.memory_space<vmem>>
    %dma_start3A_124 = arith.constant 0 : i32
    %dma_start3A_125 = arith.constant 0 : i32
    %dma_start3A_126 = tpu.memref_slice %arg2[%dma_start3A_124, %dma_start3A_125] : memref<10000x128xf32, #tpu.memory_space<hbm>> -> memref<10000x128xf32, #tpu.memory_space<hbm>>
    tpu.enqueue_indirect_dma source(%dma_start3A_126 : memref<10000x128xf32, #tpu.memory_space<hbm>>) target(%arg10 : memref<80x128xf32, #tpu.memory_space<vmem>>) offsets(%dma_start3A_123 : memref<80xi32, #tpu.memory_space<vmem>>) semaphore(%arg15 : memref<!tpu.dma_semaphore, #tpu.memory_space<semaphore_mem>>)
    %mul3A_127 = arith.constant 640 : i32
    %mul3A_128 = arith.muli %arg1, %mul3A_127 : i32
    %add3A_129 = arith.constant 0 : i32
    %add3A_130 = arith.addi %mul3A_128, %add3A_129 : i32
    %dma_wait3A = arith.constant 0 : i32
    %dma_wait3A_131 = tpu.memref_slice %arg12[%add3A_130, %dma_wait3A] : memref<10240x128xf32, #tpu.memory_space<vmem_shared>> -> memref<80x128xf32, #tpu.memory_space<vmem_shared>>
    %dma_wait3A_132 = arith.constant 0 : i32
    %dma_wait3A_133 = tpu.memref_slice %arg12[%add3A_130, %dma_wait3A_132] : memref<10240x128xf32, #tpu.memory_space<vmem_shared>> -> memref<80x128xf32, #tpu.memory_space<vmem_shared>>
    tpu.wait_dma2 semaphore(%arg16 : memref<!tpu.dma_semaphore, #tpu.memory_space<semaphore_mem>>) src(%arg11 : memref<80x128xf32, #tpu.memory_space<vmem>>) dst(%dma_wait3A_133 : memref<80x128xf32, #tpu.memory_space<vmem_shared>>)
    %mul3A_134 = arith.constant 640 : i32
    %mul3A_135 = arith.muli %arg1, %mul3A_134 : i32
    %add3A_136 = arith.constant 80 : i32
    %add3A_137 = arith.addi %mul3A_135, %add3A_136 : i32
    %dma_wait3A_138 = arith.constant 0 : i32
    %dma_wait3A_139 = tpu.memref_slice %arg12[%add3A_137, %dma_wait3A_138] : memref<10240x128xf32, #tpu.memory_space<vmem_shared>> -> memref<80x128xf32, #tpu.memory_space<vmem_shared>>
    %dma_wait3A_140 = arith.constant 0 : i32
    %dma_wait3A_141 = tpu.memref_slice %arg12[%add3A_137, %dma_wait3A_140] : memref<10240x128xf32, #tpu.memory_space<vmem_shared>> -> memref<80x128xf32, #tpu.memory_space<vmem_shared>>
    tpu.wait_dma2 semaphore(%arg16 : memref<!tpu.dma_semaphore, #tpu.memory_space<semaphore_mem>>) src(%arg11 : memref<80x128xf32, #tpu.memory_space<vmem>>) dst(%dma_wait3A_141 : memref<80x128xf32, #tpu.memory_space<vmem_shared>>)
    %mul3A_142 = arith.constant 640 : i32
    %mul3A_143 = arith.muli %arg1, %mul3A_142 : i32
    %add3A_144 = arith.constant 160 : i32
    %add3A_145 = arith.addi %mul3A_143, %add3A_144 : i32
    %dma_wait3A_146 = arith.constant 0 : i32
    %dma_wait3A_147 = tpu.memref_slice %arg12[%add3A_145, %dma_wait3A_146] : memref<10240x128xf32, #tpu.memory_space<vmem_shared>> -> memref<80x128xf32, #tpu.memory_space<vmem_shared>>
    %dma_wait3A_148 = arith.constant 0 : i32
    %dma_wait3A_149 = tpu.memref_slice %arg12[%add3A_145, %dma_wait3A_148] : memref<10240x128xf32, #tpu.memory_space<vmem_shared>> -> memref<80x128xf32, #tpu.memory_space<vmem_shared>>
    tpu.wait_dma2 semaphore(%arg16 : memref<!tpu.dma_semaphore, #tpu.memory_space<semaphore_mem>>) src(%arg11 : memref<80x128xf32, #tpu.memory_space<vmem>>) dst(%dma_wait3A_149 : memref<80x128xf32, #tpu.memory_space<vmem_shared>>)
    %mul3A_150 = arith.constant 640 : i32
    %mul3A_151 = arith.muli %arg1, %mul3A_150 : i32
    %add3A_152 = arith.constant 240 : i32
    %add3A_153 = arith.addi %mul3A_151, %add3A_152 : i32
    %dma_wait3A_154 = arith.constant 0 : i32
    %dma_wait3A_155 = tpu.memref_slice %arg12[%add3A_153, %dma_wait3A_154] : memref<10240x128xf32, #tpu.memory_space<vmem_shared>> -> memref<80x128xf32, #tpu.memory_space<vmem_shared>>
    %dma_wait3A_156 = arith.constant 0 : i32
    %dma_wait3A_157 = tpu.memref_slice %arg12[%add3A_153, %dma_wait3A_156] : memref<10240x128xf32, #tpu.memory_space<vmem_shared>> -> memref<80x128xf32, #tpu.memory_space<vmem_shared>>
    tpu.wait_dma2 semaphore(%arg16 : memref<!tpu.dma_semaphore, #tpu.memory_space<semaphore_mem>>) src(%arg11 : memref<80x128xf32, #tpu.memory_space<vmem>>) dst(%dma_wait3A_157 : memref<80x128xf32, #tpu.memory_space<vmem_shared>>)
    %mul3A_158 = arith.constant 640 : i32
    %mul3A_159 = arith.muli %arg1, %mul3A_158 : i32
    %add3A_160 = arith.constant 320 : i32
    %add3A_161 = arith.addi %mul3A_159, %add3A_160 : i32
    %dma_wait3A_162 = arith.constant 0 : i32
    %dma_wait3A_163 = tpu.memref_slice %arg12[%add3A_161, %dma_wait3A_162] : memref<10240x128xf32, #tpu.memory_space<vmem_shared>> -> memref<80x128xf32, #tpu.memory_space<vmem_shared>>
    %dma_wait3A_164 = arith.constant 0 : i32
    %dma_wait3A_165 = tpu.memref_slice %arg12[%add3A_161, %dma_wait3A_164] : memref<10240x128xf32, #tpu.memory_space<vmem_shared>> -> memref<80x128xf32, #tpu.memory_space<vmem_shared>>
    tpu.wait_dma2 semaphore(%arg16 : memref<!tpu.dma_semaphore, #tpu.memory_space<semaphore_mem>>) src(%arg11 : memref<80x128xf32, #tpu.memory_space<vmem>>) dst(%dma_wait3A_165 : memref<80x128xf32, #tpu.memory_space<vmem_shared>>)
    %mul3A_166 = arith.constant 640 : i32
    %mul3A_167 = arith.muli %arg1, %mul3A_166 : i32
    %add3A_168 = arith.constant 400 : i32
    %add3A_169 = arith.addi %mul3A_167, %add3A_168 : i32
    %dma_wait3A_170 = arith.constant 0 : i32
    %dma_wait3A_171 = tpu.memref_slice %arg12[%add3A_169, %dma_wait3A_170] : memref<10240x128xf32, #tpu.memory_space<vmem_shared>> -> memref<80x128xf32, #tpu.memory_space<vmem_shared>>
    %dma_wait3A_172 = arith.constant 0 : i32
    %dma_wait3A_173 = tpu.memref_slice %arg12[%add3A_169, %dma_wait3A_172] : memref<10240x128xf32, #tpu.memory_space<vmem_shared>> -> memref<80x128xf32, #tpu.memory_space<vmem_shared>>
    tpu.wait_dma2 semaphore(%arg16 : memref<!tpu.dma_semaphore, #tpu.memory_space<semaphore_mem>>) src(%arg11 : memref<80x128xf32, #tpu.memory_space<vmem>>) dst(%dma_wait3A_173 : memref<80x128xf32, #tpu.memory_space<vmem_shared>>)
    %mul3A_174 = arith.constant 640 : i32
    %mul3A_175 = arith.muli %arg1, %mul3A_174 : i32
    %add3A_176 = arith.constant 480 : i32
    %add3A_177 = arith.addi %mul3A_175, %add3A_176 : i32
    %dma_wait3A_178 = arith.constant 0 : i32
    %dma_wait3A_179 = tpu.memref_slice %arg12[%add3A_177, %dma_wait3A_178] : memref<10240x128xf32, #tpu.memory_space<vmem_shared>> -> memref<80x128xf32, #tpu.memory_space<vmem_shared>>
    %dma_wait3A_180 = arith.constant 0 : i32
    %dma_wait3A_181 = tpu.memref_slice %arg12[%add3A_177, %dma_wait3A_180] : memref<10240x128xf32, #tpu.memory_space<vmem_shared>> -> memref<80x128xf32, #tpu.memory_space<vmem_shared>>
    tpu.wait_dma2 semaphore(%arg16 : memref<!tpu.dma_semaphore, #tpu.memory_space<semaphore_mem>>) src(%arg11 : memref<80x128xf32, #tpu.memory_space<vmem>>) dst(%dma_wait3A_181 : memref<80x128xf32, #tpu.memory_space<vmem_shared>>)
    %mul3A_182 = arith.constant 640 : i32
    %mul3A_183 = arith.muli %arg1, %mul3A_182 : i32
    %add3A_184 = arith.constant 560 : i32
    %add3A_185 = arith.addi %mul3A_183, %add3A_184 : i32
    %dma_wait3A_186 = arith.constant 0 : i32
    %dma_wait3A_187 = tpu.memref_slice %arg12[%add3A_185, %dma_wait3A_186] : memref<10240x128xf32, #tpu.memory_space<vmem_shared>> -> memref<80x128xf32, #tpu.memory_space<vmem_shared>>
    %dma_wait3A_188 = arith.constant 0 : i32
    %dma_wait3A_189 = tpu.memref_slice %arg12[%add3A_185, %dma_wait3A_188] : memref<10240x128xf32, #tpu.memory_space<vmem_shared>> -> memref<80x128xf32, #tpu.memory_space<vmem_shared>>
    tpu.wait_dma2 semaphore(%arg16 : memref<!tpu.dma_semaphore, #tpu.memory_space<semaphore_mem>>) src(%arg11 : memref<80x128xf32, #tpu.memory_space<vmem>>) dst(%dma_wait3A_189 : memref<80x128xf32, #tpu.memory_space<vmem_shared>>)
    %dma_start3A_190 = arith.constant 0 : i32
    %dma_start3A_191 = arith.constant 3 : i32
    %dma_start3A_192 = arith.constant 0 : i32
    %dma_start3A_193 = tpu.memref_slice %arg6[%dma_start3A_190, %dma_start3A_191, %dma_start3A_192] : memref<2x16x80xi32, #tpu.memory_space<vmem>> -> memref<1x1x80xi32, #tpu.memory_space<vmem>>
    %dma_start3A_194 = tpu.memref_squeeze %dma_start3A_193 : memref<1x1x80xi32, #tpu.memory_space<vmem>> -> memref<80xi32, #tpu.memory_space<vmem>>
    %dma_start3A_195 = arith.constant 0 : i32
    %dma_start3A_196 = arith.constant 0 : i32
    %dma_start3A_197 = tpu.memref_slice %arg2[%dma_start3A_195, %dma_start3A_196] : memref<10000x128xf32, #tpu.memory_space<hbm>> -> memref<10000x128xf32, #tpu.memory_space<hbm>>
    tpu.enqueue_indirect_dma source(%dma_start3A_197 : memref<10000x128xf32, #tpu.memory_space<hbm>>) target(%arg11 : memref<80x128xf32, #tpu.memory_space<vmem>>) offsets(%dma_start3A_194 : memref<80xi32, #tpu.memory_space<vmem>>) semaphore(%arg16 : memref<!tpu.dma_semaphore, #tpu.memory_space<semaphore_mem>>)
    %barrier3A = arith.constant 0 : index
    tpu.barrier barrier_id(%barrier3A)
    %scan3A_198 = arith.constant 0 : i32
    %scan3A_199 = arith.constant 31 : i32
    %scan3A_200 = arith.addi %scan3A_198, %scan3A_199 : i32
    %scan3A_201 = arith.constant 1 : i32
    scf.for %scan3A_361 = %scan3A_198 to %scan3A_200 step %scan3A_201  : i32 {
      %mul3A_362 = arith.constant 1 : i32
      %mul3A_363 = arith.muli %scan3A_361, %mul3A_362 : i32
      %add3A_364 = arith.constant 0 : i32
      %add3A_365 = arith.addi %add3A_364, %mul3A_363 : i32
      %mul3A_366 = arith.constant 4 : i32
      %mul3A_367 = arith.muli %mul3A_366, %add3A_365 : i32
      %add3A_368 = arith.constant 0 : i32
      %add3A_369 = arith.addi %mul3A_367, %add3A_368 : i32
      %div3A = arith.constant 8 : i32
      %div3A_370 = arith.divsi %add3A_369, %div3A : i32
      %rem3A_371 = arith.constant 2 : i32
      %rem3A_372 = arith.remsi %div3A_370, %rem3A_371 : i32
      %rem3A_373 = arith.constant 8 : i32
      %rem3A_374 = arith.remsi %add3A_369, %rem3A_373 : i32
      %eq3A = arith.constant 0 : i32
      %eq3A_375 = arith.cmpi eq, %rem3A_374, %eq3A : i32
      %convert_element_type3A = arith.extui %eq3A_375 : i1 to i32
      %cond3A = arith.constant 0 : i32
      %cond3A_376 = arith.cmpi ne, %convert_element_type3A, %cond3A : i32
      scf.if %cond3A_376 {
        %multiple_of3A = tpu.assume_multiple %add3A_369, 8 : i32
        %dma_wait3A_615 = arith.constant 0 : i32
        %dma_wait3A_616 = arith.constant 0 : i32
        %dma_wait3A_617 = tpu.memref_slice %arg7[%rem3A_372, %dma_wait3A_615, %dma_wait3A_616] : memref<2x8x80xi32, #tpu.memory_space<vmem>> -> memref<1x8x80xi32, #tpu.memory_space<vmem>>
        %dma_wait3A_618 = tpu.memref_squeeze %dma_wait3A_617 : memref<1x8x80xi32, #tpu.memory_space<vmem>> -> memref<8x80xi32, #tpu.memory_space<vmem>>
        %dma_wait3A_619 = arith.constant 0 : i32
        %dma_wait3A_620 = tpu.memref_slice %arg4[%add3A, %multiple_of3A, %dma_wait3A_619] : memref<32x125x80xi32, #tpu.memory_space<hbm>> -> memref<1x8x80xi32, #tpu.memory_space<hbm>>
        %dma_wait3A_621 = tpu.memref_squeeze %dma_wait3A_620 : memref<1x8x80xi32, #tpu.memory_space<hbm>> -> memref<8x80xi32, #tpu.memory_space<hbm>>
        %dma_wait3A_622 = arith.constant 0 : i32
        %dma_wait3A_623 = arith.constant 0 : i32
        %dma_wait3A_624 = tpu.memref_slice %arg7[%rem3A_372, %dma_wait3A_622, %dma_wait3A_623] : memref<2x8x80xi32, #tpu.memory_space<vmem>> -> memref<1x8x80xi32, #tpu.memory_space<vmem>>
        %dma_wait3A_625 = tpu.memref_squeeze %dma_wait3A_624 : memref<1x8x80xi32, #tpu.memory_space<vmem>> -> memref<8x80xi32, #tpu.memory_space<vmem>>
        %dma_wait3A_626 = arith.constant 0 : i32
        %dma_wait3A_627 = tpu.memref_slice %arg4[%add3A, %multiple_of3A, %dma_wait3A_626] : memref<32x125x80xi32, #tpu.memory_space<hbm>> -> memref<1x8x80xi32, #tpu.memory_space<hbm>>
        %dma_wait3A_628 = tpu.memref_squeeze %dma_wait3A_627 : memref<1x8x80xi32, #tpu.memory_space<hbm>> -> memref<8x80xi32, #tpu.memory_space<hbm>>
        tpu.wait_dma2 semaphore(%arg18 : memref<!tpu.dma_semaphore, #tpu.memory_space<semaphore_mem>>) src(%dma_wait3A_628 : memref<8x80xi32, #tpu.memory_space<hbm>>) dst(%dma_wait3A_625 : memref<8x80xi32, #tpu.memory_space<vmem>>)
        %add3A_629 = arith.constant 8 : i32
        %add3A_630 = arith.addi %add3A_369, %add3A_629 : i32
        %lt3A_631 = arith.constant 125 : i32
        %lt3A_632 = arith.cmpi slt, %add3A_630, %lt3A_631 : i32
        %convert_element_type3A_633 = arith.extui %lt3A_632 : i1 to i32
        %cond3A_634 = arith.constant 0 : i32
        %cond3A_635 = arith.cmpi ne, %convert_element_type3A_633, %cond3A_634 : i32
        scf.if %cond3A_635 {
          %add3A_636 = arith.constant 8 : i32
          %add3A_637 = arith.addi %multiple_of3A, %add3A_636 : i32
          %sub3A_638 = arith.constant 1 : i32
          %sub3A_639 = arith.subi %sub3A_638, %rem3A_372 : i32
          %dma_start3A_640 = arith.constant 0 : i32
          %dma_start3A_641 = arith.constant 0 : i32
          %dma_start3A_642 = tpu.memref_slice %arg7[%sub3A_639, %dma_start3A_640, %dma_start3A_641] : memref<2x8x80xi32, #tpu.memory_space<vmem>> -> memref<1x8x80xi32, #tpu.memory_space<vmem>>
          %dma_start3A_643 = tpu.memref_squeeze %dma_start3A_642 : memref<1x8x80xi32, #tpu.memory_space<vmem>> -> memref<8x80xi32, #tpu.memory_space<vmem>>
          %dma_start3A_644 = arith.constant 0 : i32
          %dma_start3A_645 = tpu.memref_slice %arg4[%add3A, %add3A_637, %dma_start3A_644] : memref<32x125x80xi32, #tpu.memory_space<hbm>> -> memref<1x8x80xi32, #tpu.memory_space<hbm>>
          %dma_start3A_646 = tpu.memref_squeeze %dma_start3A_645 : memref<1x8x80xi32, #tpu.memory_space<hbm>> -> memref<8x80xi32, #tpu.memory_space<hbm>>
          %dma_start3A_647 = arith.constant 0 : i32
          %dma_start3A_648 = arith.constant 0 : i32
          %dma_start3A_649 = tpu.memref_slice %arg7[%sub3A_639, %dma_start3A_647, %dma_start3A_648] : memref<2x8x80xi32, #tpu.memory_space<vmem>> -> memref<1x8x80xi32, #tpu.memory_space<vmem>>
          %dma_start3A_650 = tpu.memref_squeeze %dma_start3A_649 : memref<1x8x80xi32, #tpu.memory_space<vmem>> -> memref<8x80xi32, #tpu.memory_space<vmem>>
          %dma_start3A_651 = arith.constant 0 : i32
          %dma_start3A_652 = tpu.memref_slice %arg4[%add3A, %add3A_637, %dma_start3A_651] : memref<32x125x80xi32, #tpu.memory_space<hbm>> -> memref<1x8x80xi32, #tpu.memory_space<hbm>>
          %dma_start3A_653 = tpu.memref_squeeze %dma_start3A_652 : memref<1x8x80xi32, #tpu.memory_space<hbm>> -> memref<8x80xi32, #tpu.memory_space<hbm>>
          tpu.enqueue_dma source(%dma_start3A_653 : memref<8x80xi32, #tpu.memory_space<hbm>>) target(%dma_start3A_650 : memref<8x80xi32, #tpu.memory_space<vmem>>) target_semaphore(%arg18 : memref<!tpu.dma_semaphore, #tpu.memory_space<semaphore_mem>>)
        } else {
        }
      } else {
      }
      %add3A_377 = arith.constant 4 : i32
      %add3A_378 = arith.addi %add3A_369, %add3A_377 : i32
      %div3A_379 = arith.constant 16 : i32
      %div3A_380 = arith.divsi %add3A_378, %div3A_379 : i32
      %rem3A_381 = arith.constant 2 : i32
      %rem3A_382 = arith.remsi %div3A_380, %rem3A_381 : i32
      %rem3A_383 = arith.constant 16 : i32
      %rem3A_384 = arith.remsi %add3A_378, %rem3A_383 : i32
      %eq3A_385 = arith.constant 0 : i32
      %eq3A_386 = arith.cmpi eq, %rem3A_384, %eq3A_385 : i32
      %lt3A = arith.constant 125 : i32
      %lt3A_387 = arith.cmpi slt, %add3A_378, %lt3A : i32
      %and3A = arith.andi %eq3A_386, %lt3A_387 : i1
      %convert_element_type3A_388 = arith.extui %and3A : i1 to i32
      %cond3A_389 = arith.constant 0 : i32
      %cond3A_390 = arith.cmpi ne, %convert_element_type3A_388, %cond3A_389 : i32
      scf.if %cond3A_390 {
        %multiple_of3A = tpu.assume_multiple %add3A_378, 16 : i32
        %dma_wait3A_615 = arith.constant 0 : i32
        %dma_wait3A_616 = arith.constant 0 : i32
        %dma_wait3A_617 = tpu.memref_slice %arg6[%rem3A_382, %dma_wait3A_615, %dma_wait3A_616] : memref<2x16x80xi32, #tpu.memory_space<vmem>> -> memref<1x16x80xi32, #tpu.memory_space<vmem>>
        %dma_wait3A_618 = tpu.memref_squeeze %dma_wait3A_617 : memref<1x16x80xi32, #tpu.memory_space<vmem>> -> memref<16x80xi32, #tpu.memory_space<vmem>>
        %dma_wait3A_619 = arith.constant 0 : i32
        %dma_wait3A_620 = tpu.memref_slice %arg3[%add3A, %multiple_of3A, %dma_wait3A_619] : memref<32x125x80xi32, #tpu.memory_space<hbm>> -> memref<1x16x80xi32, #tpu.memory_space<hbm>>
        %dma_wait3A_621 = tpu.memref_squeeze %dma_wait3A_620 : memref<1x16x80xi32, #tpu.memory_space<hbm>> -> memref<16x80xi32, #tpu.memory_space<hbm>>
        %dma_wait3A_622 = arith.constant 0 : i32
        %dma_wait3A_623 = arith.constant 0 : i32
        %dma_wait3A_624 = tpu.memref_slice %arg6[%rem3A_382, %dma_wait3A_622, %dma_wait3A_623] : memref<2x16x80xi32, #tpu.memory_space<vmem>> -> memref<1x16x80xi32, #tpu.memory_space<vmem>>
        %dma_wait3A_625 = tpu.memref_squeeze %dma_wait3A_624 : memref<1x16x80xi32, #tpu.memory_space<vmem>> -> memref<16x80xi32, #tpu.memory_space<vmem>>
        %dma_wait3A_626 = arith.constant 0 : i32
        %dma_wait3A_627 = tpu.memref_slice %arg3[%add3A, %multiple_of3A, %dma_wait3A_626] : memref<32x125x80xi32, #tpu.memory_space<hbm>> -> memref<1x16x80xi32, #tpu.memory_space<hbm>>
        %dma_wait3A_628 = tpu.memref_squeeze %dma_wait3A_627 : memref<1x16x80xi32, #tpu.memory_space<hbm>> -> memref<16x80xi32, #tpu.memory_space<hbm>>
        tpu.wait_dma2 semaphore(%arg17 : memref<!tpu.dma_semaphore, #tpu.memory_space<semaphore_mem>>) src(%dma_wait3A_628 : memref<16x80xi32, #tpu.memory_space<hbm>>) dst(%dma_wait3A_625 : memref<16x80xi32, #tpu.memory_space<vmem>>)
      } else {
      }
      %rem3A_391 = arith.constant 16 : i32
      %rem3A_392 = arith.remsi %add3A_378, %rem3A_391 : i32
      %eq3A_393 = arith.constant 4 : i32
      %eq3A_394 = arith.cmpi eq, %rem3A_392, %eq3A_393 : i32
      %sub3A = arith.constant 4 : i32
      %sub3A_395 = arith.subi %add3A_378, %sub3A : i32
      %add3A_396 = arith.constant 16 : i32
      %add3A_397 = arith.addi %sub3A_395, %add3A_396 : i32
      %lt3A_398 = arith.constant 125 : i32
      %lt3A_399 = arith.cmpi slt, %add3A_397, %lt3A_398 : i32
      %and3A_400 = arith.andi %eq3A_394, %lt3A_399 : i1
      %convert_element_type3A_401 = arith.extui %and3A_400 : i1 to i32
      %cond3A_402 = arith.constant 0 : i32
      %cond3A_403 = arith.cmpi ne, %convert_element_type3A_401, %cond3A_402 : i32
      scf.if %cond3A_403 {
        %sub3A_615 = arith.constant 4 : i32
        %sub3A_616 = arith.subi %add3A_378, %sub3A_615 : i32
        %multiple_of3A = tpu.assume_multiple %sub3A_616, 16 : i32
        %add3A_617 = arith.constant 16 : i32
        %add3A_618 = arith.addi %multiple_of3A, %add3A_617 : i32
        %sub3A_619 = arith.constant 1 : i32
        %sub3A_620 = arith.subi %sub3A_619, %rem3A_382 : i32
        %dma_start3A_621 = arith.constant 0 : i32
        %dma_start3A_622 = arith.constant 0 : i32
        %dma_start3A_623 = tpu.memref_slice %arg6[%sub3A_620, %dma_start3A_621, %dma_start3A_622] : memref<2x16x80xi32, #tpu.memory_space<vmem>> -> memref<1x16x80xi32, #tpu.memory_space<vmem>>
        %dma_start3A_624 = tpu.memref_squeeze %dma_start3A_623 : memref<1x16x80xi32, #tpu.memory_space<vmem>> -> memref<16x80xi32, #tpu.memory_space<vmem>>
        %dma_start3A_625 = arith.constant 0 : i32
        %dma_start3A_626 = tpu.memref_slice %arg3[%add3A, %add3A_618, %dma_start3A_625] : memref<32x125x80xi32, #tpu.memory_space<hbm>> -> memref<1x16x80xi32, #tpu.memory_space<hbm>>
        %dma_start3A_627 = tpu.memref_squeeze %dma_start3A_626 : memref<1x16x80xi32, #tpu.memory_space<hbm>> -> memref<16x80xi32, #tpu.memory_space<hbm>>
        %dma_start3A_628 = arith.constant 0 : i32
        %dma_start3A_629 = arith.constant 0 : i32
        %dma_start3A_630 = tpu.memref_slice %arg6[%sub3A_620, %dma_start3A_628, %dma_start3A_629] : memref<2x16x80xi32, #tpu.memory_space<vmem>> -> memref<1x16x80xi32, #tpu.memory_space<vmem>>
        %dma_start3A_631 = tpu.memref_squeeze %dma_start3A_630 : memref<1x16x80xi32, #tpu.memory_space<vmem>> -> memref<16x80xi32, #tpu.memory_space<vmem>>
        %dma_start3A_632 = arith.constant 0 : i32
        %dma_start3A_633 = tpu.memref_slice %arg3[%add3A, %add3A_618, %dma_start3A_632] : memref<32x125x80xi32, #tpu.memory_space<hbm>> -> memref<1x16x80xi32, #tpu.memory_space<hbm>>
        %dma_start3A_634 = tpu.memref_squeeze %dma_start3A_633 : memref<1x16x80xi32, #tpu.memory_space<hbm>> -> memref<16x80xi32, #tpu.memory_space<hbm>>
        tpu.enqueue_dma source(%dma_start3A_634 : memref<16x80xi32, #tpu.memory_space<hbm>>) target(%dma_start3A_631 : memref<16x80xi32, #tpu.memory_space<vmem>>) target_semaphore(%arg17 : memref<!tpu.dma_semaphore, #tpu.memory_space<semaphore_mem>>)
      } else {
      }
      %div3A_404 = arith.constant 16 : i32
      %div3A_405 = arith.divsi %add3A_369, %div3A_404 : i32
      %rem3A_406 = arith.constant 2 : i32
      %rem3A_407 = arith.remsi %div3A_405, %rem3A_406 : i32
      %rem3A_408 = arith.constant 16 : i32
      %rem3A_409 = arith.remsi %add3A_369, %rem3A_408 : i32
      %dma_wait3A_410 = arith.constant 0 : i32
      %dma_wait3A_411 = tpu.memref_slice %arg6[%rem3A_407, %rem3A_409, %dma_wait3A_410] : memref<2x16x80xi32, #tpu.memory_space<vmem>> -> memref<1x1x80xi32, #tpu.memory_space<vmem>>
      %dma_wait3A_412 = tpu.memref_squeeze %dma_wait3A_411 : memref<1x1x80xi32, #tpu.memory_space<vmem>> -> memref<80xi32, #tpu.memory_space<vmem>>
      %dma_wait3A_413 = arith.constant 0 : i32
      %dma_wait3A_414 = arith.constant 0 : i32
      %dma_wait3A_415 = tpu.memref_slice %arg2[%dma_wait3A_413, %dma_wait3A_414] : memref<10000x128xf32, #tpu.memory_space<hbm>> -> memref<10000x128xf32, #tpu.memory_space<hbm>>
      tpu.wait_indirect_dma semaphore(%arg13 : memref<!tpu.dma_semaphore, #tpu.memory_space<semaphore_mem>>) src(%dma_wait3A_415 : memref<10000x128xf32, #tpu.memory_space<hbm>>) dst(%arg8 : memref<80x128xf32, #tpu.memory_space<vmem>>)
      %rem3A_416 = arith.constant 8 : i32
      %rem3A_417 = arith.remsi %add3A_369, %rem3A_416 : i32
      "tpu.region"() ({
        %run_scoped3A_615 = tpu.sem_alloc : memref<!tpu.dma_semaphore, #tpu.memory_space<semaphore_mem>>
        %dma_start3A_616 = arith.constant 0 : i32
        %dma_start3A_617 = tpu.memref_slice %arg7[%rem3A_372, %rem3A_417, %dma_start3A_616] : memref<2x8x80xi32, #tpu.memory_space<vmem>> -> memref<1x1x80xi32, #tpu.memory_space<vmem>>
        %dma_start3A_618 = tpu.memref_squeeze %dma_start3A_617 : memref<1x1x80xi32, #tpu.memory_space<vmem>> -> memref<80xi32, #tpu.memory_space<vmem>>
        %dma_start3A_619 = arith.constant 0 : i32
        %dma_start3A_620 = arith.constant 0 : i32
        %dma_start3A_621 = tpu.memref_slice %arg12[%dma_start3A_619, %dma_start3A_620] : memref<10240x128xf32, #tpu.memory_space<vmem_shared>> -> memref<10240x128xf32, #tpu.memory_space<vmem_shared>>
        tpu.enqueue_indirect_dma source(%arg8 : memref<80x128xf32, #tpu.memory_space<vmem>>) target(%dma_start3A_621 : memref<10240x128xf32, #tpu.memory_space<vmem_shared>>) offsets(%dma_start3A_618 : memref<80xi32, #tpu.memory_space<vmem>>) semaphore(%run_scoped3A_615 : memref<!tpu.dma_semaphore, #tpu.memory_space<semaphore_mem>>) {add = true}
        %dma_wait3A_622 = arith.constant 0 : i32
        %dma_wait3A_623 = tpu.memref_slice %arg7[%rem3A_372, %rem3A_417, %dma_wait3A_622] : memref<2x8x80xi32, #tpu.memory_space<vmem>> -> memref<1x1x80xi32, #tpu.memory_space<vmem>>
        %dma_wait3A_624 = tpu.memref_squeeze %dma_wait3A_623 : memref<1x1x80xi32, #tpu.memory_space<vmem>> -> memref<80xi32, #tpu.memory_space<vmem>>
        %dma_wait3A_625 = arith.constant 0 : i32
        %dma_wait3A_626 = arith.constant 0 : i32
        %dma_wait3A_627 = tpu.memref_slice %arg12[%dma_wait3A_625, %dma_wait3A_626] : memref<10240x128xf32, #tpu.memory_space<vmem_shared>> -> memref<10240x128xf32, #tpu.memory_space<vmem_shared>>
        tpu.wait_indirect_dma semaphore(%run_scoped3A_615 : memref<!tpu.dma_semaphore, #tpu.memory_space<semaphore_mem>>) src(%arg8 : memref<80x128xf32, #tpu.memory_space<vmem>>) dst(%dma_wait3A_627 : memref<10240x128xf32, #tpu.memory_space<vmem_shared>>)
        tpu.yield
      }) : () -> ()
      %lt3A_418 = arith.constant 125 : i32
      %lt3A_419 = arith.cmpi slt, %add3A_378, %lt3A_418 : i32
      %convert_element_type3A_420 = arith.extui %lt3A_419 : i1 to i32
      %cond3A_421 = arith.constant 0 : i32
      %cond3A_422 = arith.cmpi ne, %convert_element_type3A_420, %cond3A_421 : i32
      scf.if %cond3A_422 {
        %rem3A_615 = arith.constant 16 : i32
        %rem3A_616 = arith.remsi %add3A_378, %rem3A_615 : i32
        %dma_start3A_617 = arith.constant 0 : i32
        %dma_start3A_618 = tpu.memref_slice %arg6[%rem3A_382, %rem3A_616, %dma_start3A_617] : memref<2x16x80xi32, #tpu.memory_space<vmem>> -> memref<1x1x80xi32, #tpu.memory_space<vmem>>
        %dma_start3A_619 = tpu.memref_squeeze %dma_start3A_618 : memref<1x1x80xi32, #tpu.memory_space<vmem>> -> memref<80xi32, #tpu.memory_space<vmem>>
        %dma_start3A_620 = arith.constant 0 : i32
        %dma_start3A_621 = arith.constant 0 : i32
        %dma_start3A_622 = tpu.memref_slice %arg2[%dma_start3A_620, %dma_start3A_621] : memref<10000x128xf32, #tpu.memory_space<hbm>> -> memref<10000x128xf32, #tpu.memory_space<hbm>>
        tpu.enqueue_indirect_dma source(%dma_start3A_622 : memref<10000x128xf32, #tpu.memory_space<hbm>>) target(%arg8 : memref<80x128xf32, #tpu.memory_space<vmem>>) offsets(%dma_start3A_619 : memref<80xi32, #tpu.memory_space<vmem>>) semaphore(%arg13 : memref<!tpu.dma_semaphore, #tpu.memory_space<semaphore_mem>>)
      } else {
      }
      %mul3A_423 = arith.constant 4 : i32
      %mul3A_424 = arith.muli %mul3A_423, %add3A_365 : i32
      %add3A_425 = arith.constant 1 : i32
      %add3A_426 = arith.addi %mul3A_424, %add3A_425 : i32
      %div3A_427 = arith.constant 8 : i32
      %div3A_428 = arith.divsi %add3A_426, %div3A_427 : i32
      %rem3A_429 = arith.constant 2 : i32
      %rem3A_430 = arith.remsi %div3A_428, %rem3A_429 : i32
      %rem3A_431 = arith.constant 8 : i32
      %rem3A_432 = arith.remsi %add3A_426, %rem3A_431 : i32
      %eq3A_433 = arith.constant 0 : i32
      %eq3A_434 = arith.cmpi eq, %rem3A_432, %eq3A_433 : i32
      %convert_element_type3A_435 = arith.extui %eq3A_434 : i1 to i32
      %cond3A_436 = arith.constant 0 : i32
      %cond3A_437 = arith.cmpi ne, %convert_element_type3A_435, %cond3A_436 : i32
      scf.if %cond3A_437 {
        %multiple_of3A = tpu.assume_multiple %add3A_426, 8 : i32
        %dma_wait3A_615 = arith.constant 0 : i32
        %dma_wait3A_616 = arith.constant 0 : i32
        %dma_wait3A_617 = tpu.memref_slice %arg7[%rem3A_430, %dma_wait3A_615, %dma_wait3A_616] : memref<2x8x80xi32, #tpu.memory_space<vmem>> -> memref<1x8x80xi32, #tpu.memory_space<vmem>>
        %dma_wait3A_618 = tpu.memref_squeeze %dma_wait3A_617 : memref<1x8x80xi32, #tpu.memory_space<vmem>> -> memref<8x80xi32, #tpu.memory_space<vmem>>
        %dma_wait3A_619 = arith.constant 0 : i32
        %dma_wait3A_620 = tpu.memref_slice %arg4[%add3A, %multiple_of3A, %dma_wait3A_619] : memref<32x125x80xi32, #tpu.memory_space<hbm>> -> memref<1x8x80xi32, #tpu.memory_space<hbm>>
        %dma_wait3A_621 = tpu.memref_squeeze %dma_wait3A_620 : memref<1x8x80xi32, #tpu.memory_space<hbm>> -> memref<8x80xi32, #tpu.memory_space<hbm>>
        %dma_wait3A_622 = arith.constant 0 : i32
        %dma_wait3A_623 = arith.constant 0 : i32
        %dma_wait3A_624 = tpu.memref_slice %arg7[%rem3A_430, %dma_wait3A_622, %dma_wait3A_623] : memref<2x8x80xi32, #tpu.memory_space<vmem>> -> memref<1x8x80xi32, #tpu.memory_space<vmem>>
        %dma_wait3A_625 = tpu.memref_squeeze %dma_wait3A_624 : memref<1x8x80xi32, #tpu.memory_space<vmem>> -> memref<8x80xi32, #tpu.memory_space<vmem>>
        %dma_wait3A_626 = arith.constant 0 : i32
        %dma_wait3A_627 = tpu.memref_slice %arg4[%add3A, %multiple_of3A, %dma_wait3A_626] : memref<32x125x80xi32, #tpu.memory_space<hbm>> -> memref<1x8x80xi32, #tpu.memory_space<hbm>>
        %dma_wait3A_628 = tpu.memref_squeeze %dma_wait3A_627 : memref<1x8x80xi32, #tpu.memory_space<hbm>> -> memref<8x80xi32, #tpu.memory_space<hbm>>
        tpu.wait_dma2 semaphore(%arg18 : memref<!tpu.dma_semaphore, #tpu.memory_space<semaphore_mem>>) src(%dma_wait3A_628 : memref<8x80xi32, #tpu.memory_space<hbm>>) dst(%dma_wait3A_625 : memref<8x80xi32, #tpu.memory_space<vmem>>)
        %add3A_629 = arith.constant 8 : i32
        %add3A_630 = arith.addi %add3A_426, %add3A_629 : i32
        %lt3A_631 = arith.constant 125 : i32
        %lt3A_632 = arith.cmpi slt, %add3A_630, %lt3A_631 : i32
        %convert_element_type3A_633 = arith.extui %lt3A_632 : i1 to i32
        %cond3A_634 = arith.constant 0 : i32
        %cond3A_635 = arith.cmpi ne, %convert_element_type3A_633, %cond3A_634 : i32
        scf.if %cond3A_635 {
          %add3A_636 = arith.constant 8 : i32
          %add3A_637 = arith.addi %multiple_of3A, %add3A_636 : i32
          %sub3A_638 = arith.constant 1 : i32
          %sub3A_639 = arith.subi %sub3A_638, %rem3A_430 : i32
          %dma_start3A_640 = arith.constant 0 : i32
          %dma_start3A_641 = arith.constant 0 : i32
          %dma_start3A_642 = tpu.memref_slice %arg7[%sub3A_639, %dma_start3A_640, %dma_start3A_641] : memref<2x8x80xi32, #tpu.memory_space<vmem>> -> memref<1x8x80xi32, #tpu.memory_space<vmem>>
          %dma_start3A_643 = tpu.memref_squeeze %dma_start3A_642 : memref<1x8x80xi32, #tpu.memory_space<vmem>> -> memref<8x80xi32, #tpu.memory_space<vmem>>
          %dma_start3A_644 = arith.constant 0 : i32
          %dma_start3A_645 = tpu.memref_slice %arg4[%add3A, %add3A_637, %dma_start3A_644] : memref<32x125x80xi32, #tpu.memory_space<hbm>> -> memref<1x8x80xi32, #tpu.memory_space<hbm>>
          %dma_start3A_646 = tpu.memref_squeeze %dma_start3A_645 : memref<1x8x80xi32, #tpu.memory_space<hbm>> -> memref<8x80xi32, #tpu.memory_space<hbm>>
          %dma_start3A_647 = arith.constant 0 : i32
          %dma_start3A_648 = arith.constant 0 : i32
          %dma_start3A_649 = tpu.memref_slice %arg7[%sub3A_639, %dma_start3A_647, %dma_start3A_648] : memref<2x8x80xi32, #tpu.memory_space<vmem>> -> memref<1x8x80xi32, #tpu.memory_space<vmem>>
          %dma_start3A_650 = tpu.memref_squeeze %dma_start3A_649 : memref<1x8x80xi32, #tpu.memory_space<vmem>> -> memref<8x80xi32, #tpu.memory_space<vmem>>
          %dma_start3A_651 = arith.constant 0 : i32
          %dma_start3A_652 = tpu.memref_slice %arg4[%add3A, %add3A_637, %dma_start3A_651] : memref<32x125x80xi32, #tpu.memory_space<hbm>> -> memref<1x8x80xi32, #tpu.memory_space<hbm>>
          %dma_start3A_653 = tpu.memref_squeeze %dma_start3A_652 : memref<1x8x80xi32, #tpu.memory_space<hbm>> -> memref<8x80xi32, #tpu.memory_space<hbm>>
          tpu.enqueue_dma source(%dma_start3A_653 : memref<8x80xi32, #tpu.memory_space<hbm>>) target(%dma_start3A_650 : memref<8x80xi32, #tpu.memory_space<vmem>>) target_semaphore(%arg18 : memref<!tpu.dma_semaphore, #tpu.memory_space<semaphore_mem>>)
        } else {
        }
      } else {
      }
      %add3A_438 = arith.constant 4 : i32
      %add3A_439 = arith.addi %add3A_426, %add3A_438 : i32
      %div3A_440 = arith.constant 16 : i32
      %div3A_441 = arith.divsi %add3A_439, %div3A_440 : i32
      %rem3A_442 = arith.constant 2 : i32
      %rem3A_443 = arith.remsi %div3A_441, %rem3A_442 : i32
      %rem3A_444 = arith.constant 16 : i32
      %rem3A_445 = arith.remsi %add3A_439, %rem3A_444 : i32
      %eq3A_446 = arith.constant 0 : i32
      %eq3A_447 = arith.cmpi eq, %rem3A_445, %eq3A_446 : i32
      %lt3A_448 = arith.constant 125 : i32
      %lt3A_449 = arith.cmpi slt, %add3A_439, %lt3A_448 : i32
      %and3A_450 = arith.andi %eq3A_447, %lt3A_449 : i1
      %convert_element_type3A_451 = arith.extui %and3A_450 : i1 to i32
      %cond3A_452 = arith.constant 0 : i32
      %cond3A_453 = arith.cmpi ne, %convert_element_type3A_451, %cond3A_452 : i32
      scf.if %cond3A_453 {
        %multiple_of3A = tpu.assume_multiple %add3A_439, 16 : i32
        %dma_wait3A_615 = arith.constant 0 : i32
        %dma_wait3A_616 = arith.constant 0 : i32
        %dma_wait3A_617 = tpu.memref_slice %arg6[%rem3A_443, %dma_wait3A_615, %dma_wait3A_616] : memref<2x16x80xi32, #tpu.memory_space<vmem>> -> memref<1x16x80xi32, #tpu.memory_space<vmem>>
        %dma_wait3A_618 = tpu.memref_squeeze %dma_wait3A_617 : memref<1x16x80xi32, #tpu.memory_space<vmem>> -> memref<16x80xi32, #tpu.memory_space<vmem>>
        %dma_wait3A_619 = arith.constant 0 : i32
        %dma_wait3A_620 = tpu.memref_slice %arg3[%add3A, %multiple_of3A, %dma_wait3A_619] : memref<32x125x80xi32, #tpu.memory_space<hbm>> -> memref<1x16x80xi32, #tpu.memory_space<hbm>>
        %dma_wait3A_621 = tpu.memref_squeeze %dma_wait3A_620 : memref<1x16x80xi32, #tpu.memory_space<hbm>> -> memref<16x80xi32, #tpu.memory_space<hbm>>
        %dma_wait3A_622 = arith.constant 0 : i32
        %dma_wait3A_623 = arith.constant 0 : i32
        %dma_wait3A_624 = tpu.memref_slice %arg6[%rem3A_443, %dma_wait3A_622, %dma_wait3A_623] : memref<2x16x80xi32, #tpu.memory_space<vmem>> -> memref<1x16x80xi32, #tpu.memory_space<vmem>>
        %dma_wait3A_625 = tpu.memref_squeeze %dma_wait3A_624 : memref<1x16x80xi32, #tpu.memory_space<vmem>> -> memref<16x80xi32, #tpu.memory_space<vmem>>
        %dma_wait3A_626 = arith.constant 0 : i32
        %dma_wait3A_627 = tpu.memref_slice %arg3[%add3A, %multiple_of3A, %dma_wait3A_626] : memref<32x125x80xi32, #tpu.memory_space<hbm>> -> memref<1x16x80xi32, #tpu.memory_space<hbm>>
        %dma_wait3A_628 = tpu.memref_squeeze %dma_wait3A_627 : memref<1x16x80xi32, #tpu.memory_space<hbm>> -> memref<16x80xi32, #tpu.memory_space<hbm>>
        tpu.wait_dma2 semaphore(%arg17 : memref<!tpu.dma_semaphore, #tpu.memory_space<semaphore_mem>>) src(%dma_wait3A_628 : memref<16x80xi32, #tpu.memory_space<hbm>>) dst(%dma_wait3A_625 : memref<16x80xi32, #tpu.memory_space<vmem>>)
      } else {
      }
      %rem3A_454 = arith.constant 16 : i32
      %rem3A_455 = arith.remsi %add3A_439, %rem3A_454 : i32
      %eq3A_456 = arith.constant 4 : i32
      %eq3A_457 = arith.cmpi eq, %rem3A_455, %eq3A_456 : i32
      %sub3A_458 = arith.constant 4 : i32
      %sub3A_459 = arith.subi %add3A_439, %sub3A_458 : i32
      %add3A_460 = arith.constant 16 : i32
      %add3A_461 = arith.addi %sub3A_459, %add3A_460 : i32
      %lt3A_462 = arith.constant 125 : i32
      %lt3A_463 = arith.cmpi slt, %add3A_461, %lt3A_462 : i32
      %and3A_464 = arith.andi %eq3A_457, %lt3A_463 : i1
      %convert_element_type3A_465 = arith.extui %and3A_464 : i1 to i32
      %cond3A_466 = arith.constant 0 : i32
      %cond3A_467 = arith.cmpi ne, %convert_element_type3A_465, %cond3A_466 : i32
      scf.if %cond3A_467 {
        %sub3A_615 = arith.constant 4 : i32
        %sub3A_616 = arith.subi %add3A_439, %sub3A_615 : i32
        %multiple_of3A = tpu.assume_multiple %sub3A_616, 16 : i32
        %add3A_617 = arith.constant 16 : i32
        %add3A_618 = arith.addi %multiple_of3A, %add3A_617 : i32
        %sub3A_619 = arith.constant 1 : i32
        %sub3A_620 = arith.subi %sub3A_619, %rem3A_443 : i32
        %dma_start3A_621 = arith.constant 0 : i32
        %dma_start3A_622 = arith.constant 0 : i32
        %dma_start3A_623 = tpu.memref_slice %arg6[%sub3A_620, %dma_start3A_621, %dma_start3A_622] : memref<2x16x80xi32, #tpu.memory_space<vmem>> -> memref<1x16x80xi32, #tpu.memory_space<vmem>>
        %dma_start3A_624 = tpu.memref_squeeze %dma_start3A_623 : memref<1x16x80xi32, #tpu.memory_space<vmem>> -> memref<16x80xi32, #tpu.memory_space<vmem>>
        %dma_start3A_625 = arith.constant 0 : i32
        %dma_start3A_626 = tpu.memref_slice %arg3[%add3A, %add3A_618, %dma_start3A_625] : memref<32x125x80xi32, #tpu.memory_space<hbm>> -> memref<1x16x80xi32, #tpu.memory_space<hbm>>
        %dma_start3A_627 = tpu.memref_squeeze %dma_start3A_626 : memref<1x16x80xi32, #tpu.memory_space<hbm>> -> memref<16x80xi32, #tpu.memory_space<hbm>>
        %dma_start3A_628 = arith.constant 0 : i32
        %dma_start3A_629 = arith.constant 0 : i32
        %dma_start3A_630 = tpu.memref_slice %arg6[%sub3A_620, %dma_start3A_628, %dma_start3A_629] : memref<2x16x80xi32, #tpu.memory_space<vmem>> -> memref<1x16x80xi32, #tpu.memory_space<vmem>>
        %dma_start3A_631 = tpu.memref_squeeze %dma_start3A_630 : memref<1x16x80xi32, #tpu.memory_space<vmem>> -> memref<16x80xi32, #tpu.memory_space<vmem>>
        %dma_start3A_632 = arith.constant 0 : i32
        %dma_start3A_633 = tpu.memref_slice %arg3[%add3A, %add3A_618, %dma_start3A_632] : memref<32x125x80xi32, #tpu.memory_space<hbm>> -> memref<1x16x80xi32, #tpu.memory_space<hbm>>
        %dma_start3A_634 = tpu.memref_squeeze %dma_start3A_633 : memref<1x16x80xi32, #tpu.memory_space<hbm>> -> memref<16x80xi32, #tpu.memory_space<hbm>>
        tpu.enqueue_dma source(%dma_start3A_634 : memref<16x80xi32, #tpu.memory_space<hbm>>) target(%dma_start3A_631 : memref<16x80xi32, #tpu.memory_space<vmem>>) target_semaphore(%arg17 : memref<!tpu.dma_semaphore, #tpu.memory_space<semaphore_mem>>)
      } else {
      }
      %div3A_468 = arith.constant 16 : i32
      %div3A_469 = arith.divsi %add3A_426, %div3A_468 : i32
      %rem3A_470 = arith.constant 2 : i32
      %rem3A_471 = arith.remsi %div3A_469, %rem3A_470 : i32
      %rem3A_472 = arith.constant 16 : i32
      %rem3A_473 = arith.remsi %add3A_426, %rem3A_472 : i32
      %dma_wait3A_474 = arith.constant 0 : i32
      %dma_wait3A_475 = tpu.memref_slice %arg6[%rem3A_471, %rem3A_473, %dma_wait3A_474] : memref<2x16x80xi32, #tpu.memory_space<vmem>> -> memref<1x1x80xi32, #tpu.memory_space<vmem>>
      %dma_wait3A_476 = tpu.memref_squeeze %dma_wait3A_475 : memref<1x1x80xi32, #tpu.memory_space<vmem>> -> memref<80xi32, #tpu.memory_space<vmem>>
      %dma_wait3A_477 = arith.constant 0 : i32
      %dma_wait3A_478 = arith.constant 0 : i32
      %dma_wait3A_479 = tpu.memref_slice %arg2[%dma_wait3A_477, %dma_wait3A_478] : memref<10000x128xf32, #tpu.memory_space<hbm>> -> memref<10000x128xf32, #tpu.memory_space<hbm>>
      tpu.wait_indirect_dma semaphore(%arg14 : memref<!tpu.dma_semaphore, #tpu.memory_space<semaphore_mem>>) src(%dma_wait3A_479 : memref<10000x128xf32, #tpu.memory_space<hbm>>) dst(%arg9 : memref<80x128xf32, #tpu.memory_space<vmem>>)
      %rem3A_480 = arith.constant 8 : i32
      %rem3A_481 = arith.remsi %add3A_426, %rem3A_480 : i32
      "tpu.region"() ({
        %run_scoped3A_615 = tpu.sem_alloc : memref<!tpu.dma_semaphore, #tpu.memory_space<semaphore_mem>>
        %dma_start3A_616 = arith.constant 0 : i32
        %dma_start3A_617 = tpu.memref_slice %arg7[%rem3A_430, %rem3A_481, %dma_start3A_616] : memref<2x8x80xi32, #tpu.memory_space<vmem>> -> memref<1x1x80xi32, #tpu.memory_space<vmem>>
        %dma_start3A_618 = tpu.memref_squeeze %dma_start3A_617 : memref<1x1x80xi32, #tpu.memory_space<vmem>> -> memref<80xi32, #tpu.memory_space<vmem>>
        %dma_start3A_619 = arith.constant 0 : i32
        %dma_start3A_620 = arith.constant 0 : i32
        %dma_start3A_621 = tpu.memref_slice %arg12[%dma_start3A_619, %dma_start3A_620] : memref<10240x128xf32, #tpu.memory_space<vmem_shared>> -> memref<10240x128xf32, #tpu.memory_space<vmem_shared>>
        tpu.enqueue_indirect_dma source(%arg9 : memref<80x128xf32, #tpu.memory_space<vmem>>) target(%dma_start3A_621 : memref<10240x128xf32, #tpu.memory_space<vmem_shared>>) offsets(%dma_start3A_618 : memref<80xi32, #tpu.memory_space<vmem>>) semaphore(%run_scoped3A_615 : memref<!tpu.dma_semaphore, #tpu.memory_space<semaphore_mem>>) {add = true}
        %dma_wait3A_622 = arith.constant 0 : i32
        %dma_wait3A_623 = tpu.memref_slice %arg7[%rem3A_430, %rem3A_481, %dma_wait3A_622] : memref<2x8x80xi32, #tpu.memory_space<vmem>> -> memref<1x1x80xi32, #tpu.memory_space<vmem>>
        %dma_wait3A_624 = tpu.memref_squeeze %dma_wait3A_623 : memref<1x1x80xi32, #tpu.memory_space<vmem>> -> memref<80xi32, #tpu.memory_space<vmem>>
        %dma_wait3A_625 = arith.constant 0 : i32
        %dma_wait3A_626 = arith.constant 0 : i32
        %dma_wait3A_627 = tpu.memref_slice %arg12[%dma_wait3A_625, %dma_wait3A_626] : memref<10240x128xf32, #tpu.memory_space<vmem_shared>> -> memref<10240x128xf32, #tpu.memory_space<vmem_shared>>
        tpu.wait_indirect_dma semaphore(%run_scoped3A_615 : memref<!tpu.dma_semaphore, #tpu.memory_space<semaphore_mem>>) src(%arg9 : memref<80x128xf32, #tpu.memory_space<vmem>>) dst(%dma_wait3A_627 : memref<10240x128xf32, #tpu.memory_space<vmem_shared>>)
        tpu.yield
      }) : () -> ()
      %lt3A_482 = arith.constant 125 : i32
      %lt3A_483 = arith.cmpi slt, %add3A_439, %lt3A_482 : i32
      %convert_element_type3A_484 = arith.extui %lt3A_483 : i1 to i32
      %cond3A_485 = arith.constant 0 : i32
      %cond3A_486 = arith.cmpi ne, %convert_element_type3A_484, %cond3A_485 : i32
      scf.if %cond3A_486 {
        %rem3A_615 = arith.constant 16 : i32
        %rem3A_616 = arith.remsi %add3A_439, %rem3A_615 : i32
        %dma_start3A_617 = arith.constant 0 : i32
        %dma_start3A_618 = tpu.memref_slice %arg6[%rem3A_443, %rem3A_616, %dma_start3A_617] : memref<2x16x80xi32, #tpu.memory_space<vmem>> -> memref<1x1x80xi32, #tpu.memory_space<vmem>>
        %dma_start3A_619 = tpu.memref_squeeze %dma_start3A_618 : memref<1x1x80xi32, #tpu.memory_space<vmem>> -> memref<80xi32, #tpu.memory_space<vmem>>
        %dma_start3A_620 = arith.constant 0 : i32
        %dma_start3A_621 = arith.constant 0 : i32
        %dma_start3A_622 = tpu.memref_slice %arg2[%dma_start3A_620, %dma_start3A_621] : memref<10000x128xf32, #tpu.memory_space<hbm>> -> memref<10000x128xf32, #tpu.memory_space<hbm>>
        tpu.enqueue_indirect_dma source(%dma_start3A_622 : memref<10000x128xf32, #tpu.memory_space<hbm>>) target(%arg9 : memref<80x128xf32, #tpu.memory_space<vmem>>) offsets(%dma_start3A_619 : memref<80xi32, #tpu.memory_space<vmem>>) semaphore(%arg14 : memref<!tpu.dma_semaphore, #tpu.memory_space<semaphore_mem>>)
      } else {
      }
      %mul3A_487 = arith.constant 4 : i32
      %mul3A_488 = arith.muli %mul3A_487, %add3A_365 : i32
      %add3A_489 = arith.constant 2 : i32
      %add3A_490 = arith.addi %mul3A_488, %add3A_489 : i32
      %div3A_491 = arith.constant 8 : i32
      %div3A_492 = arith.divsi %add3A_490, %div3A_491 : i32
      %rem3A_493 = arith.constant 2 : i32
      %rem3A_494 = arith.remsi %div3A_492, %rem3A_493 : i32
      %rem3A_495 = arith.constant 8 : i32
      %rem3A_496 = arith.remsi %add3A_490, %rem3A_495 : i32
      %eq3A_497 = arith.constant 0 : i32
      %eq3A_498 = arith.cmpi eq, %rem3A_496, %eq3A_497 : i32
      %convert_element_type3A_499 = arith.extui %eq3A_498 : i1 to i32
      %cond3A_500 = arith.constant 0 : i32
      %cond3A_501 = arith.cmpi ne, %convert_element_type3A_499, %cond3A_500 : i32
      scf.if %cond3A_501 {
        %multiple_of3A = tpu.assume_multiple %add3A_490, 8 : i32
        %dma_wait3A_615 = arith.constant 0 : i32
        %dma_wait3A_616 = arith.constant 0 : i32
        %dma_wait3A_617 = tpu.memref_slice %arg7[%rem3A_494, %dma_wait3A_615, %dma_wait3A_616] : memref<2x8x80xi32, #tpu.memory_space<vmem>> -> memref<1x8x80xi32, #tpu.memory_space<vmem>>
        %dma_wait3A_618 = tpu.memref_squeeze %dma_wait3A_617 : memref<1x8x80xi32, #tpu.memory_space<vmem>> -> memref<8x80xi32, #tpu.memory_space<vmem>>
        %dma_wait3A_619 = arith.constant 0 : i32
        %dma_wait3A_620 = tpu.memref_slice %arg4[%add3A, %multiple_of3A, %dma_wait3A_619] : memref<32x125x80xi32, #tpu.memory_space<hbm>> -> memref<1x8x80xi32, #tpu.memory_space<hbm>>
        %dma_wait3A_621 = tpu.memref_squeeze %dma_wait3A_620 : memref<1x8x80xi32, #tpu.memory_space<hbm>> -> memref<8x80xi32, #tpu.memory_space<hbm>>
        %dma_wait3A_622 = arith.constant 0 : i32
        %dma_wait3A_623 = arith.constant 0 : i32
        %dma_wait3A_624 = tpu.memref_slice %arg7[%rem3A_494, %dma_wait3A_622, %dma_wait3A_623] : memref<2x8x80xi32, #tpu.memory_space<vmem>> -> memref<1x8x80xi32, #tpu.memory_space<vmem>>
        %dma_wait3A_625 = tpu.memref_squeeze %dma_wait3A_624 : memref<1x8x80xi32, #tpu.memory_space<vmem>> -> memref<8x80xi32, #tpu.memory_space<vmem>>
        %dma_wait3A_626 = arith.constant 0 : i32
        %dma_wait3A_627 = tpu.memref_slice %arg4[%add3A, %multiple_of3A, %dma_wait3A_626] : memref<32x125x80xi32, #tpu.memory_space<hbm>> -> memref<1x8x80xi32, #tpu.memory_space<hbm>>
        %dma_wait3A_628 = tpu.memref_squeeze %dma_wait3A_627 : memref<1x8x80xi32, #tpu.memory_space<hbm>> -> memref<8x80xi32, #tpu.memory_space<hbm>>
        tpu.wait_dma2 semaphore(%arg18 : memref<!tpu.dma_semaphore, #tpu.memory_space<semaphore_mem>>) src(%dma_wait3A_628 : memref<8x80xi32, #tpu.memory_space<hbm>>) dst(%dma_wait3A_625 : memref<8x80xi32, #tpu.memory_space<vmem>>)
        %add3A_629 = arith.constant 8 : i32
        %add3A_630 = arith.addi %add3A_490, %add3A_629 : i32
        %lt3A_631 = arith.constant 125 : i32
        %lt3A_632 = arith.cmpi slt, %add3A_630, %lt3A_631 : i32
        %convert_element_type3A_633 = arith.extui %lt3A_632 : i1 to i32
        %cond3A_634 = arith.constant 0 : i32
        %cond3A_635 = arith.cmpi ne, %convert_element_type3A_633, %cond3A_634 : i32
        scf.if %cond3A_635 {
          %add3A_636 = arith.constant 8 : i32
          %add3A_637 = arith.addi %multiple_of3A, %add3A_636 : i32
          %sub3A_638 = arith.constant 1 : i32
          %sub3A_639 = arith.subi %sub3A_638, %rem3A_494 : i32
          %dma_start3A_640 = arith.constant 0 : i32
          %dma_start3A_641 = arith.constant 0 : i32
          %dma_start3A_642 = tpu.memref_slice %arg7[%sub3A_639, %dma_start3A_640, %dma_start3A_641] : memref<2x8x80xi32, #tpu.memory_space<vmem>> -> memref<1x8x80xi32, #tpu.memory_space<vmem>>
          %dma_start3A_643 = tpu.memref_squeeze %dma_start3A_642 : memref<1x8x80xi32, #tpu.memory_space<vmem>> -> memref<8x80xi32, #tpu.memory_space<vmem>>
          %dma_start3A_644 = arith.constant 0 : i32
          %dma_start3A_645 = tpu.memref_slice %arg4[%add3A, %add3A_637, %dma_start3A_644] : memref<32x125x80xi32, #tpu.memory_space<hbm>> -> memref<1x8x80xi32, #tpu.memory_space<hbm>>
          %dma_start3A_646 = tpu.memref_squeeze %dma_start3A_645 : memref<1x8x80xi32, #tpu.memory_space<hbm>> -> memref<8x80xi32, #tpu.memory_space<hbm>>
          %dma_start3A_647 = arith.constant 0 : i32
          %dma_start3A_648 = arith.constant 0 : i32
          %dma_start3A_649 = tpu.memref_slice %arg7[%sub3A_639, %dma_start3A_647, %dma_start3A_648] : memref<2x8x80xi32, #tpu.memory_space<vmem>> -> memref<1x8x80xi32, #tpu.memory_space<vmem>>
          %dma_start3A_650 = tpu.memref_squeeze %dma_start3A_649 : memref<1x8x80xi32, #tpu.memory_space<vmem>> -> memref<8x80xi32, #tpu.memory_space<vmem>>
          %dma_start3A_651 = arith.constant 0 : i32
          %dma_start3A_652 = tpu.memref_slice %arg4[%add3A, %add3A_637, %dma_start3A_651] : memref<32x125x80xi32, #tpu.memory_space<hbm>> -> memref<1x8x80xi32, #tpu.memory_space<hbm>>
          %dma_start3A_653 = tpu.memref_squeeze %dma_start3A_652 : memref<1x8x80xi32, #tpu.memory_space<hbm>> -> memref<8x80xi32, #tpu.memory_space<hbm>>
          tpu.enqueue_dma source(%dma_start3A_653 : memref<8x80xi32, #tpu.memory_space<hbm>>) target(%dma_start3A_650 : memref<8x80xi32, #tpu.memory_space<vmem>>) target_semaphore(%arg18 : memref<!tpu.dma_semaphore, #tpu.memory_space<semaphore_mem>>)
        } else {
        }
      } else {
      }
      %add3A_502 = arith.constant 4 : i32
      %add3A_503 = arith.addi %add3A_490, %add3A_502 : i32
      %div3A_504 = arith.constant 16 : i32
      %div3A_505 = arith.divsi %add3A_503, %div3A_504 : i32
      %rem3A_506 = arith.constant 2 : i32
      %rem3A_507 = arith.remsi %div3A_505, %rem3A_506 : i32
      %rem3A_508 = arith.constant 16 : i32
      %rem3A_509 = arith.remsi %add3A_503, %rem3A_508 : i32
      %eq3A_510 = arith.constant 0 : i32
      %eq3A_511 = arith.cmpi eq, %rem3A_509, %eq3A_510 : i32
      %lt3A_512 = arith.constant 125 : i32
      %lt3A_513 = arith.cmpi slt, %add3A_503, %lt3A_512 : i32
      %and3A_514 = arith.andi %eq3A_511, %lt3A_513 : i1
      %convert_element_type3A_515 = arith.extui %and3A_514 : i1 to i32
      %cond3A_516 = arith.constant 0 : i32
      %cond3A_517 = arith.cmpi ne, %convert_element_type3A_515, %cond3A_516 : i32
      scf.if %cond3A_517 {
        %multiple_of3A = tpu.assume_multiple %add3A_503, 16 : i32
        %dma_wait3A_615 = arith.constant 0 : i32
        %dma_wait3A_616 = arith.constant 0 : i32
        %dma_wait3A_617 = tpu.memref_slice %arg6[%rem3A_507, %dma_wait3A_615, %dma_wait3A_616] : memref<2x16x80xi32, #tpu.memory_space<vmem>> -> memref<1x16x80xi32, #tpu.memory_space<vmem>>
        %dma_wait3A_618 = tpu.memref_squeeze %dma_wait3A_617 : memref<1x16x80xi32, #tpu.memory_space<vmem>> -> memref<16x80xi32, #tpu.memory_space<vmem>>
        %dma_wait3A_619 = arith.constant 0 : i32
        %dma_wait3A_620 = tpu.memref_slice %arg3[%add3A, %multiple_of3A, %dma_wait3A_619] : memref<32x125x80xi32, #tpu.memory_space<hbm>> -> memref<1x16x80xi32, #tpu.memory_space<hbm>>
        %dma_wait3A_621 = tpu.memref_squeeze %dma_wait3A_620 : memref<1x16x80xi32, #tpu.memory_space<hbm>> -> memref<16x80xi32, #tpu.memory_space<hbm>>
        %dma_wait3A_622 = arith.constant 0 : i32
        %dma_wait3A_623 = arith.constant 0 : i32
        %dma_wait3A_624 = tpu.memref_slice %arg6[%rem3A_507, %dma_wait3A_622, %dma_wait3A_623] : memref<2x16x80xi32, #tpu.memory_space<vmem>> -> memref<1x16x80xi32, #tpu.memory_space<vmem>>
        %dma_wait3A_625 = tpu.memref_squeeze %dma_wait3A_624 : memref<1x16x80xi32, #tpu.memory_space<vmem>> -> memref<16x80xi32, #tpu.memory_space<vmem>>
        %dma_wait3A_626 = arith.constant 0 : i32
        %dma_wait3A_627 = tpu.memref_slice %arg3[%add3A, %multiple_of3A, %dma_wait3A_626] : memref<32x125x80xi32, #tpu.memory_space<hbm>> -> memref<1x16x80xi32, #tpu.memory_space<hbm>>
        %dma_wait3A_628 = tpu.memref_squeeze %dma_wait3A_627 : memref<1x16x80xi32, #tpu.memory_space<hbm>> -> memref<16x80xi32, #tpu.memory_space<hbm>>
        tpu.wait_dma2 semaphore(%arg17 : memref<!tpu.dma_semaphore, #tpu.memory_space<semaphore_mem>>) src(%dma_wait3A_628 : memref<16x80xi32, #tpu.memory_space<hbm>>) dst(%dma_wait3A_625 : memref<16x80xi32, #tpu.memory_space<vmem>>)
      } else {
      }
      %rem3A_518 = arith.constant 16 : i32
      %rem3A_519 = arith.remsi %add3A_503, %rem3A_518 : i32
      %eq3A_520 = arith.constant 4 : i32
      %eq3A_521 = arith.cmpi eq, %rem3A_519, %eq3A_520 : i32
      %sub3A_522 = arith.constant 4 : i32
      %sub3A_523 = arith.subi %add3A_503, %sub3A_522 : i32
      %add3A_524 = arith.constant 16 : i32
      %add3A_525 = arith.addi %sub3A_523, %add3A_524 : i32
      %lt3A_526 = arith.constant 125 : i32
      %lt3A_527 = arith.cmpi slt, %add3A_525, %lt3A_526 : i32
      %and3A_528 = arith.andi %eq3A_521, %lt3A_527 : i1
      %convert_element_type3A_529 = arith.extui %and3A_528 : i1 to i32
      %cond3A_530 = arith.constant 0 : i32
      %cond3A_531 = arith.cmpi ne, %convert_element_type3A_529, %cond3A_530 : i32
      scf.if %cond3A_531 {
        %sub3A_615 = arith.constant 4 : i32
        %sub3A_616 = arith.subi %add3A_503, %sub3A_615 : i32
        %multiple_of3A = tpu.assume_multiple %sub3A_616, 16 : i32
        %add3A_617 = arith.constant 16 : i32
        %add3A_618 = arith.addi %multiple_of3A, %add3A_617 : i32
        %sub3A_619 = arith.constant 1 : i32
        %sub3A_620 = arith.subi %sub3A_619, %rem3A_507 : i32
        %dma_start3A_621 = arith.constant 0 : i32
        %dma_start3A_622 = arith.constant 0 : i32
        %dma_start3A_623 = tpu.memref_slice %arg6[%sub3A_620, %dma_start3A_621, %dma_start3A_622] : memref<2x16x80xi32, #tpu.memory_space<vmem>> -> memref<1x16x80xi32, #tpu.memory_space<vmem>>
        %dma_start3A_624 = tpu.memref_squeeze %dma_start3A_623 : memref<1x16x80xi32, #tpu.memory_space<vmem>> -> memref<16x80xi32, #tpu.memory_space<vmem>>
        %dma_start3A_625 = arith.constant 0 : i32
        %dma_start3A_626 = tpu.memref_slice %arg3[%add3A, %add3A_618, %dma_start3A_625] : memref<32x125x80xi32, #tpu.memory_space<hbm>> -> memref<1x16x80xi32, #tpu.memory_space<hbm>>
        %dma_start3A_627 = tpu.memref_squeeze %dma_start3A_626 : memref<1x16x80xi32, #tpu.memory_space<hbm>> -> memref<16x80xi32, #tpu.memory_space<hbm>>
        %dma_start3A_628 = arith.constant 0 : i32
        %dma_start3A_629 = arith.constant 0 : i32
        %dma_start3A_630 = tpu.memref_slice %arg6[%sub3A_620, %dma_start3A_628, %dma_start3A_629] : memref<2x16x80xi32, #tpu.memory_space<vmem>> -> memref<1x16x80xi32, #tpu.memory_space<vmem>>
        %dma_start3A_631 = tpu.memref_squeeze %dma_start3A_630 : memref<1x16x80xi32, #tpu.memory_space<vmem>> -> memref<16x80xi32, #tpu.memory_space<vmem>>
        %dma_start3A_632 = arith.constant 0 : i32
        %dma_start3A_633 = tpu.memref_slice %arg3[%add3A, %add3A_618, %dma_start3A_632] : memref<32x125x80xi32, #tpu.memory_space<hbm>> -> memref<1x16x80xi32, #tpu.memory_space<hbm>>
        %dma_start3A_634 = tpu.memref_squeeze %dma_start3A_633 : memref<1x16x80xi32, #tpu.memory_space<hbm>> -> memref<16x80xi32, #tpu.memory_space<hbm>>
        tpu.enqueue_dma source(%dma_start3A_634 : memref<16x80xi32, #tpu.memory_space<hbm>>) target(%dma_start3A_631 : memref<16x80xi32, #tpu.memory_space<vmem>>) target_semaphore(%arg17 : memref<!tpu.dma_semaphore, #tpu.memory_space<semaphore_mem>>)
      } else {
      }
      %div3A_532 = arith.constant 16 : i32
      %div3A_533 = arith.divsi %add3A_490, %div3A_532 : i32
      %rem3A_534 = arith.constant 2 : i32
      %rem3A_535 = arith.remsi %div3A_533, %rem3A_534 : i32
      %rem3A_536 = arith.constant 16 : i32
      %rem3A_537 = arith.remsi %add3A_490, %rem3A_536 : i32
      %dma_wait3A_538 = arith.constant 0 : i32
      %dma_wait3A_539 = tpu.memref_slice %arg6[%rem3A_535, %rem3A_537, %dma_wait3A_538] : memref<2x16x80xi32, #tpu.memory_space<vmem>> -> memref<1x1x80xi32, #tpu.memory_space<vmem>>
      %dma_wait3A_540 = tpu.memref_squeeze %dma_wait3A_539 : memref<1x1x80xi32, #tpu.memory_space<vmem>> -> memref<80xi32, #tpu.memory_space<vmem>>
      %dma_wait3A_541 = arith.constant 0 : i32
      %dma_wait3A_542 = arith.constant 0 : i32
      %dma_wait3A_543 = tpu.memref_slice %arg2[%dma_wait3A_541, %dma_wait3A_542] : memref<10000x128xf32, #tpu.memory_space<hbm>> -> memref<10000x128xf32, #tpu.memory_space<hbm>>
      tpu.wait_indirect_dma semaphore(%arg15 : memref<!tpu.dma_semaphore, #tpu.memory_space<semaphore_mem>>) src(%dma_wait3A_543 : memref<10000x128xf32, #tpu.memory_space<hbm>>) dst(%arg10 : memref<80x128xf32, #tpu.memory_space<vmem>>)
      %rem3A_544 = arith.constant 8 : i32
      %rem3A_545 = arith.remsi %add3A_490, %rem3A_544 : i32
      "tpu.region"() ({
        %run_scoped3A_615 = tpu.sem_alloc : memref<!tpu.dma_semaphore, #tpu.memory_space<semaphore_mem>>
        %dma_start3A_616 = arith.constant 0 : i32
        %dma_start3A_617 = tpu.memref_slice %arg7[%rem3A_494, %rem3A_545, %dma_start3A_616] : memref<2x8x80xi32, #tpu.memory_space<vmem>> -> memref<1x1x80xi32, #tpu.memory_space<vmem>>
        %dma_start3A_618 = tpu.memref_squeeze %dma_start3A_617 : memref<1x1x80xi32, #tpu.memory_space<vmem>> -> memref<80xi32, #tpu.memory_space<vmem>>
        %dma_start3A_619 = arith.constant 0 : i32
        %dma_start3A_620 = arith.constant 0 : i32
        %dma_start3A_621 = tpu.memref_slice %arg12[%dma_start3A_619, %dma_start3A_620] : memref<10240x128xf32, #tpu.memory_space<vmem_shared>> -> memref<10240x128xf32, #tpu.memory_space<vmem_shared>>
        tpu.enqueue_indirect_dma source(%arg10 : memref<80x128xf32, #tpu.memory_space<vmem>>) target(%dma_start3A_621 : memref<10240x128xf32, #tpu.memory_space<vmem_shared>>) offsets(%dma_start3A_618 : memref<80xi32, #tpu.memory_space<vmem>>) semaphore(%run_scoped3A_615 : memref<!tpu.dma_semaphore, #tpu.memory_space<semaphore_mem>>) {add = true}
        %dma_wait3A_622 = arith.constant 0 : i32
        %dma_wait3A_623 = tpu.memref_slice %arg7[%rem3A_494, %rem3A_545, %dma_wait3A_622] : memref<2x8x80xi32, #tpu.memory_space<vmem>> -> memref<1x1x80xi32, #tpu.memory_space<vmem>>
        %dma_wait3A_624 = tpu.memref_squeeze %dma_wait3A_623 : memref<1x1x80xi32, #tpu.memory_space<vmem>> -> memref<80xi32, #tpu.memory_space<vmem>>
        %dma_wait3A_625 = arith.constant 0 : i32
        %dma_wait3A_626 = arith.constant 0 : i32
        %dma_wait3A_627 = tpu.memref_slice %arg12[%dma_wait3A_625, %dma_wait3A_626] : memref<10240x128xf32, #tpu.memory_space<vmem_shared>> -> memref<10240x128xf32, #tpu.memory_space<vmem_shared>>
        tpu.wait_indirect_dma semaphore(%run_scoped3A_615 : memref<!tpu.dma_semaphore, #tpu.memory_space<semaphore_mem>>) src(%arg10 : memref<80x128xf32, #tpu.memory_space<vmem>>) dst(%dma_wait3A_627 : memref<10240x128xf32, #tpu.memory_space<vmem_shared>>)
        tpu.yield
      }) : () -> ()
      %lt3A_546 = arith.constant 125 : i32
      %lt3A_547 = arith.cmpi slt, %add3A_503, %lt3A_546 : i32
      %convert_element_type3A_548 = arith.extui %lt3A_547 : i1 to i32
      %cond3A_549 = arith.constant 0 : i32
      %cond3A_550 = arith.cmpi ne, %convert_element_type3A_548, %cond3A_549 : i32
      scf.if %cond3A_550 {
        %rem3A_615 = arith.constant 16 : i32
        %rem3A_616 = arith.remsi %add3A_503, %rem3A_615 : i32
        %dma_start3A_617 = arith.constant 0 : i32
        %dma_start3A_618 = tpu.memref_slice %arg6[%rem3A_507, %rem3A_616, %dma_start3A_617] : memref<2x16x80xi32, #tpu.memory_space<vmem>> -> memref<1x1x80xi32, #tpu.memory_space<vmem>>
        %dma_start3A_619 = tpu.memref_squeeze %dma_start3A_618 : memref<1x1x80xi32, #tpu.memory_space<vmem>> -> memref<80xi32, #tpu.memory_space<vmem>>
        %dma_start3A_620 = arith.constant 0 : i32
        %dma_start3A_621 = arith.constant 0 : i32
        %dma_start3A_622 = tpu.memref_slice %arg2[%dma_start3A_620, %dma_start3A_621] : memref<10000x128xf32, #tpu.memory_space<hbm>> -> memref<10000x128xf32, #tpu.memory_space<hbm>>
        tpu.enqueue_indirect_dma source(%dma_start3A_622 : memref<10000x128xf32, #tpu.memory_space<hbm>>) target(%arg10 : memref<80x128xf32, #tpu.memory_space<vmem>>) offsets(%dma_start3A_619 : memref<80xi32, #tpu.memory_space<vmem>>) semaphore(%arg15 : memref<!tpu.dma_semaphore, #tpu.memory_space<semaphore_mem>>)
      } else {
      }
      %mul3A_551 = arith.constant 4 : i32
      %mul3A_552 = arith.muli %mul3A_551, %add3A_365 : i32
      %add3A_553 = arith.constant 3 : i32
      %add3A_554 = arith.addi %mul3A_552, %add3A_553 : i32
      %div3A_555 = arith.constant 8 : i32
      %div3A_556 = arith.divsi %add3A_554, %div3A_555 : i32
      %rem3A_557 = arith.constant 2 : i32
      %rem3A_558 = arith.remsi %div3A_556, %rem3A_557 : i32
      %rem3A_559 = arith.constant 8 : i32
      %rem3A_560 = arith.remsi %add3A_554, %rem3A_559 : i32
      %eq3A_561 = arith.constant 0 : i32
      %eq3A_562 = arith.cmpi eq, %rem3A_560, %eq3A_561 : i32
      %convert_element_type3A_563 = arith.extui %eq3A_562 : i1 to i32
      %cond3A_564 = arith.constant 0 : i32
      %cond3A_565 = arith.cmpi ne, %convert_element_type3A_563, %cond3A_564 : i32
      scf.if %cond3A_565 {
        %multiple_of3A = tpu.assume_multiple %add3A_554, 8 : i32
        %dma_wait3A_615 = arith.constant 0 : i32
        %dma_wait3A_616 = arith.constant 0 : i32
        %dma_wait3A_617 = tpu.memref_slice %arg7[%rem3A_558, %dma_wait3A_615, %dma_wait3A_616] : memref<2x8x80xi32, #tpu.memory_space<vmem>> -> memref<1x8x80xi32, #tpu.memory_space<vmem>>
        %dma_wait3A_618 = tpu.memref_squeeze %dma_wait3A_617 : memref<1x8x80xi32, #tpu.memory_space<vmem>> -> memref<8x80xi32, #tpu.memory_space<vmem>>
        %dma_wait3A_619 = arith.constant 0 : i32
        %dma_wait3A_620 = tpu.memref_slice %arg4[%add3A, %multiple_of3A, %dma_wait3A_619] : memref<32x125x80xi32, #tpu.memory_space<hbm>> -> memref<1x8x80xi32, #tpu.memory_space<hbm>>
        %dma_wait3A_621 = tpu.memref_squeeze %dma_wait3A_620 : memref<1x8x80xi32, #tpu.memory_space<hbm>> -> memref<8x80xi32, #tpu.memory_space<hbm>>
        %dma_wait3A_622 = arith.constant 0 : i32
        %dma_wait3A_623 = arith.constant 0 : i32
        %dma_wait3A_624 = tpu.memref_slice %arg7[%rem3A_558, %dma_wait3A_622, %dma_wait3A_623] : memref<2x8x80xi32, #tpu.memory_space<vmem>> -> memref<1x8x80xi32, #tpu.memory_space<vmem>>
        %dma_wait3A_625 = tpu.memref_squeeze %dma_wait3A_624 : memref<1x8x80xi32, #tpu.memory_space<vmem>> -> memref<8x80xi32, #tpu.memory_space<vmem>>
        %dma_wait3A_626 = arith.constant 0 : i32
        %dma_wait3A_627 = tpu.memref_slice %arg4[%add3A, %multiple_of3A, %dma_wait3A_626] : memref<32x125x80xi32, #tpu.memory_space<hbm>> -> memref<1x8x80xi32, #tpu.memory_space<hbm>>
        %dma_wait3A_628 = tpu.memref_squeeze %dma_wait3A_627 : memref<1x8x80xi32, #tpu.memory_space<hbm>> -> memref<8x80xi32, #tpu.memory_space<hbm>>
        tpu.wait_dma2 semaphore(%arg18 : memref<!tpu.dma_semaphore, #tpu.memory_space<semaphore_mem>>) src(%dma_wait3A_628 : memref<8x80xi32, #tpu.memory_space<hbm>>) dst(%dma_wait3A_625 : memref<8x80xi32, #tpu.memory_space<vmem>>)
        %add3A_629 = arith.constant 8 : i32
        %add3A_630 = arith.addi %add3A_554, %add3A_629 : i32
        %lt3A_631 = arith.constant 125 : i32
        %lt3A_632 = arith.cmpi slt, %add3A_630, %lt3A_631 : i32
        %convert_element_type3A_633 = arith.extui %lt3A_632 : i1 to i32
        %cond3A_634 = arith.constant 0 : i32
        %cond3A_635 = arith.cmpi ne, %convert_element_type3A_633, %cond3A_634 : i32
        scf.if %cond3A_635 {
          %add3A_636 = arith.constant 8 : i32
          %add3A_637 = arith.addi %multiple_of3A, %add3A_636 : i32
          %sub3A_638 = arith.constant 1 : i32
          %sub3A_639 = arith.subi %sub3A_638, %rem3A_558 : i32
          %dma_start3A_640 = arith.constant 0 : i32
          %dma_start3A_641 = arith.constant 0 : i32
          %dma_start3A_642 = tpu.memref_slice %arg7[%sub3A_639, %dma_start3A_640, %dma_start3A_641] : memref<2x8x80xi32, #tpu.memory_space<vmem>> -> memref<1x8x80xi32, #tpu.memory_space<vmem>>
          %dma_start3A_643 = tpu.memref_squeeze %dma_start3A_642 : memref<1x8x80xi32, #tpu.memory_space<vmem>> -> memref<8x80xi32, #tpu.memory_space<vmem>>
          %dma_start3A_644 = arith.constant 0 : i32
          %dma_start3A_645 = tpu.memref_slice %arg4[%add3A, %add3A_637, %dma_start3A_644] : memref<32x125x80xi32, #tpu.memory_space<hbm>> -> memref<1x8x80xi32, #tpu.memory_space<hbm>>
          %dma_start3A_646 = tpu.memref_squeeze %dma_start3A_645 : memref<1x8x80xi32, #tpu.memory_space<hbm>> -> memref<8x80xi32, #tpu.memory_space<hbm>>
          %dma_start3A_647 = arith.constant 0 : i32
          %dma_start3A_648 = arith.constant 0 : i32
          %dma_start3A_649 = tpu.memref_slice %arg7[%sub3A_639, %dma_start3A_647, %dma_start3A_648] : memref<2x8x80xi32, #tpu.memory_space<vmem>> -> memref<1x8x80xi32, #tpu.memory_space<vmem>>
          %dma_start3A_650 = tpu.memref_squeeze %dma_start3A_649 : memref<1x8x80xi32, #tpu.memory_space<vmem>> -> memref<8x80xi32, #tpu.memory_space<vmem>>
          %dma_start3A_651 = arith.constant 0 : i32
          %dma_start3A_652 = tpu.memref_slice %arg4[%add3A, %add3A_637, %dma_start3A_651] : memref<32x125x80xi32, #tpu.memory_space<hbm>> -> memref<1x8x80xi32, #tpu.memory_space<hbm>>
          %dma_start3A_653 = tpu.memref_squeeze %dma_start3A_652 : memref<1x8x80xi32, #tpu.memory_space<hbm>> -> memref<8x80xi32, #tpu.memory_space<hbm>>
          tpu.enqueue_dma source(%dma_start3A_653 : memref<8x80xi32, #tpu.memory_space<hbm>>) target(%dma_start3A_650 : memref<8x80xi32, #tpu.memory_space<vmem>>) target_semaphore(%arg18 : memref<!tpu.dma_semaphore, #tpu.memory_space<semaphore_mem>>)
        } else {
        }
      } else {
      }
      %add3A_566 = arith.constant 4 : i32
      %add3A_567 = arith.addi %add3A_554, %add3A_566 : i32
      %div3A_568 = arith.constant 16 : i32
      %div3A_569 = arith.divsi %add3A_567, %div3A_568 : i32
      %rem3A_570 = arith.constant 2 : i32
      %rem3A_571 = arith.remsi %div3A_569, %rem3A_570 : i32
      %rem3A_572 = arith.constant 16 : i32
      %rem3A_573 = arith.remsi %add3A_567, %rem3A_572 : i32
      %eq3A_574 = arith.constant 0 : i32
      %eq3A_575 = arith.cmpi eq, %rem3A_573, %eq3A_574 : i32
      %lt3A_576 = arith.constant 125 : i32
      %lt3A_577 = arith.cmpi slt, %add3A_567, %lt3A_576 : i32
      %and3A_578 = arith.andi %eq3A_575, %lt3A_577 : i1
      %convert_element_type3A_579 = arith.extui %and3A_578 : i1 to i32
      %cond3A_580 = arith.constant 0 : i32
      %cond3A_581 = arith.cmpi ne, %convert_element_type3A_579, %cond3A_580 : i32
      scf.if %cond3A_581 {
        %multiple_of3A = tpu.assume_multiple %add3A_567, 16 : i32
        %dma_wait3A_615 = arith.constant 0 : i32
        %dma_wait3A_616 = arith.constant 0 : i32
        %dma_wait3A_617 = tpu.memref_slice %arg6[%rem3A_571, %dma_wait3A_615, %dma_wait3A_616] : memref<2x16x80xi32, #tpu.memory_space<vmem>> -> memref<1x16x80xi32, #tpu.memory_space<vmem>>
        %dma_wait3A_618 = tpu.memref_squeeze %dma_wait3A_617 : memref<1x16x80xi32, #tpu.memory_space<vmem>> -> memref<16x80xi32, #tpu.memory_space<vmem>>
        %dma_wait3A_619 = arith.constant 0 : i32
        %dma_wait3A_620 = tpu.memref_slice %arg3[%add3A, %multiple_of3A, %dma_wait3A_619] : memref<32x125x80xi32, #tpu.memory_space<hbm>> -> memref<1x16x80xi32, #tpu.memory_space<hbm>>
        %dma_wait3A_621 = tpu.memref_squeeze %dma_wait3A_620 : memref<1x16x80xi32, #tpu.memory_space<hbm>> -> memref<16x80xi32, #tpu.memory_space<hbm>>
        %dma_wait3A_622 = arith.constant 0 : i32
        %dma_wait3A_623 = arith.constant 0 : i32
        %dma_wait3A_624 = tpu.memref_slice %arg6[%rem3A_571, %dma_wait3A_622, %dma_wait3A_623] : memref<2x16x80xi32, #tpu.memory_space<vmem>> -> memref<1x16x80xi32, #tpu.memory_space<vmem>>
        %dma_wait3A_625 = tpu.memref_squeeze %dma_wait3A_624 : memref<1x16x80xi32, #tpu.memory_space<vmem>> -> memref<16x80xi32, #tpu.memory_space<vmem>>
        %dma_wait3A_626 = arith.constant 0 : i32
        %dma_wait3A_627 = tpu.memref_slice %arg3[%add3A, %multiple_of3A, %dma_wait3A_626] : memref<32x125x80xi32, #tpu.memory_space<hbm>> -> memref<1x16x80xi32, #tpu.memory_space<hbm>>
        %dma_wait3A_628 = tpu.memref_squeeze %dma_wait3A_627 : memref<1x16x80xi32, #tpu.memory_space<hbm>> -> memref<16x80xi32, #tpu.memory_space<hbm>>
        tpu.wait_dma2 semaphore(%arg17 : memref<!tpu.dma_semaphore, #tpu.memory_space<semaphore_mem>>) src(%dma_wait3A_628 : memref<16x80xi32, #tpu.memory_space<hbm>>) dst(%dma_wait3A_625 : memref<16x80xi32, #tpu.memory_space<vmem>>)
      } else {
      }
      %rem3A_582 = arith.constant 16 : i32
      %rem3A_583 = arith.remsi %add3A_567, %rem3A_582 : i32
      %eq3A_584 = arith.constant 4 : i32
      %eq3A_585 = arith.cmpi eq, %rem3A_583, %eq3A_584 : i32
      %sub3A_586 = arith.constant 4 : i32
      %sub3A_587 = arith.subi %add3A_567, %sub3A_586 : i32
      %add3A_588 = arith.constant 16 : i32
      %add3A_589 = arith.addi %sub3A_587, %add3A_588 : i32
      %lt3A_590 = arith.constant 125 : i32
      %lt3A_591 = arith.cmpi slt, %add3A_589, %lt3A_590 : i32
      %and3A_592 = arith.andi %eq3A_585, %lt3A_591 : i1
      %convert_element_type3A_593 = arith.extui %and3A_592 : i1 to i32
      %cond3A_594 = arith.constant 0 : i32
      %cond3A_595 = arith.cmpi ne, %convert_element_type3A_593, %cond3A_594 : i32
      scf.if %cond3A_595 {
        %sub3A_615 = arith.constant 4 : i32
        %sub3A_616 = arith.subi %add3A_567, %sub3A_615 : i32
        %multiple_of3A = tpu.assume_multiple %sub3A_616, 16 : i32
        %add3A_617 = arith.constant 16 : i32
        %add3A_618 = arith.addi %multiple_of3A, %add3A_617 : i32
        %sub3A_619 = arith.constant 1 : i32
        %sub3A_620 = arith.subi %sub3A_619, %rem3A_571 : i32
        %dma_start3A_621 = arith.constant 0 : i32
        %dma_start3A_622 = arith.constant 0 : i32
        %dma_start3A_623 = tpu.memref_slice %arg6[%sub3A_620, %dma_start3A_621, %dma_start3A_622] : memref<2x16x80xi32, #tpu.memory_space<vmem>> -> memref<1x16x80xi32, #tpu.memory_space<vmem>>
        %dma_start3A_624 = tpu.memref_squeeze %dma_start3A_623 : memref<1x16x80xi32, #tpu.memory_space<vmem>> -> memref<16x80xi32, #tpu.memory_space<vmem>>
        %dma_start3A_625 = arith.constant 0 : i32
        %dma_start3A_626 = tpu.memref_slice %arg3[%add3A, %add3A_618, %dma_start3A_625] : memref<32x125x80xi32, #tpu.memory_space<hbm>> -> memref<1x16x80xi32, #tpu.memory_space<hbm>>
        %dma_start3A_627 = tpu.memref_squeeze %dma_start3A_626 : memref<1x16x80xi32, #tpu.memory_space<hbm>> -> memref<16x80xi32, #tpu.memory_space<hbm>>
        %dma_start3A_628 = arith.constant 0 : i32
        %dma_start3A_629 = arith.constant 0 : i32
        %dma_start3A_630 = tpu.memref_slice %arg6[%sub3A_620, %dma_start3A_628, %dma_start3A_629] : memref<2x16x80xi32, #tpu.memory_space<vmem>> -> memref<1x16x80xi32, #tpu.memory_space<vmem>>
        %dma_start3A_631 = tpu.memref_squeeze %dma_start3A_630 : memref<1x16x80xi32, #tpu.memory_space<vmem>> -> memref<16x80xi32, #tpu.memory_space<vmem>>
        %dma_start3A_632 = arith.constant 0 : i32
        %dma_start3A_633 = tpu.memref_slice %arg3[%add3A, %add3A_618, %dma_start3A_632] : memref<32x125x80xi32, #tpu.memory_space<hbm>> -> memref<1x16x80xi32, #tpu.memory_space<hbm>>
        %dma_start3A_634 = tpu.memref_squeeze %dma_start3A_633 : memref<1x16x80xi32, #tpu.memory_space<hbm>> -> memref<16x80xi32, #tpu.memory_space<hbm>>
        tpu.enqueue_dma source(%dma_start3A_634 : memref<16x80xi32, #tpu.memory_space<hbm>>) target(%dma_start3A_631 : memref<16x80xi32, #tpu.memory_space<vmem>>) target_semaphore(%arg17 : memref<!tpu.dma_semaphore, #tpu.memory_space<semaphore_mem>>)
      } else {
      }
      %div3A_596 = arith.constant 16 : i32
      %div3A_597 = arith.divsi %add3A_554, %div3A_596 : i32
      %rem3A_598 = arith.constant 2 : i32
      %rem3A_599 = arith.remsi %div3A_597, %rem3A_598 : i32
      %rem3A_600 = arith.constant 16 : i32
      %rem3A_601 = arith.remsi %add3A_554, %rem3A_600 : i32
      %dma_wait3A_602 = arith.constant 0 : i32
      %dma_wait3A_603 = tpu.memref_slice %arg6[%rem3A_599, %rem3A_601, %dma_wait3A_602] : memref<2x16x80xi32, #tpu.memory_space<vmem>> -> memref<1x1x80xi32, #tpu.memory_space<vmem>>
      %dma_wait3A_604 = tpu.memref_squeeze %dma_wait3A_603 : memref<1x1x80xi32, #tpu.memory_space<vmem>> -> memref<80xi32, #tpu.memory_space<vmem>>
      %dma_wait3A_605 = arith.constant 0 : i32
      %dma_wait3A_606 = arith.constant 0 : i32
      %dma_wait3A_607 = tpu.memref_slice %arg2[%dma_wait3A_605, %dma_wait3A_606] : memref<10000x128xf32, #tpu.memory_space<hbm>> -> memref<10000x128xf32, #tpu.memory_space<hbm>>
      tpu.wait_indirect_dma semaphore(%arg16 : memref<!tpu.dma_semaphore, #tpu.memory_space<semaphore_mem>>) src(%dma_wait3A_607 : memref<10000x128xf32, #tpu.memory_space<hbm>>) dst(%arg11 : memref<80x128xf32, #tpu.memory_space<vmem>>)
      %rem3A_608 = arith.constant 8 : i32
      %rem3A_609 = arith.remsi %add3A_554, %rem3A_608 : i32
      "tpu.region"() ({
        %run_scoped3A_615 = tpu.sem_alloc : memref<!tpu.dma_semaphore, #tpu.memory_space<semaphore_mem>>
        %dma_start3A_616 = arith.constant 0 : i32
        %dma_start3A_617 = tpu.memref_slice %arg7[%rem3A_558, %rem3A_609, %dma_start3A_616] : memref<2x8x80xi32, #tpu.memory_space<vmem>> -> memref<1x1x80xi32, #tpu.memory_space<vmem>>
        %dma_start3A_618 = tpu.memref_squeeze %dma_start3A_617 : memref<1x1x80xi32, #tpu.memory_space<vmem>> -> memref<80xi32, #tpu.memory_space<vmem>>
        %dma_start3A_619 = arith.constant 0 : i32
        %dma_start3A_620 = arith.constant 0 : i32
        %dma_start3A_621 = tpu.memref_slice %arg12[%dma_start3A_619, %dma_start3A_620] : memref<10240x128xf32, #tpu.memory_space<vmem_shared>> -> memref<10240x128xf32, #tpu.memory_space<vmem_shared>>
        tpu.enqueue_indirect_dma source(%arg11 : memref<80x128xf32, #tpu.memory_space<vmem>>) target(%dma_start3A_621 : memref<10240x128xf32, #tpu.memory_space<vmem_shared>>) offsets(%dma_start3A_618 : memref<80xi32, #tpu.memory_space<vmem>>) semaphore(%run_scoped3A_615 : memref<!tpu.dma_semaphore, #tpu.memory_space<semaphore_mem>>) {add = true}
        %dma_wait3A_622 = arith.constant 0 : i32
        %dma_wait3A_623 = tpu.memref_slice %arg7[%rem3A_558, %rem3A_609, %dma_wait3A_622] : memref<2x8x80xi32, #tpu.memory_space<vmem>> -> memref<1x1x80xi32, #tpu.memory_space<vmem>>
        %dma_wait3A_624 = tpu.memref_squeeze %dma_wait3A_623 : memref<1x1x80xi32, #tpu.memory_space<vmem>> -> memref<80xi32, #tpu.memory_space<vmem>>
        %dma_wait3A_625 = arith.constant 0 : i32
        %dma_wait3A_626 = arith.constant 0 : i32
        %dma_wait3A_627 = tpu.memref_slice %arg12[%dma_wait3A_625, %dma_wait3A_626] : memref<10240x128xf32, #tpu.memory_space<vmem_shared>> -> memref<10240x128xf32, #tpu.memory_space<vmem_shared>>
        tpu.wait_indirect_dma semaphore(%run_scoped3A_615 : memref<!tpu.dma_semaphore, #tpu.memory_space<semaphore_mem>>) src(%arg11 : memref<80x128xf32, #tpu.memory_space<vmem>>) dst(%dma_wait3A_627 : memref<10240x128xf32, #tpu.memory_space<vmem_shared>>)
        tpu.yield
      }) : () -> ()
      %lt3A_610 = arith.constant 125 : i32
      %lt3A_611 = arith.cmpi slt, %add3A_567, %lt3A_610 : i32
      %convert_element_type3A_612 = arith.extui %lt3A_611 : i1 to i32
      %cond3A_613 = arith.constant 0 : i32
      %cond3A_614 = arith.cmpi ne, %convert_element_type3A_612, %cond3A_613 : i32
      scf.if %cond3A_614 {
        %rem3A_615 = arith.constant 16 : i32
        %rem3A_616 = arith.remsi %add3A_567, %rem3A_615 : i32
        %dma_start3A_617 = arith.constant 0 : i32
        %dma_start3A_618 = tpu.memref_slice %arg6[%rem3A_571, %rem3A_616, %dma_start3A_617] : memref<2x16x80xi32, #tpu.memory_space<vmem>> -> memref<1x1x80xi32, #tpu.memory_space<vmem>>
        %dma_start3A_619 = tpu.memref_squeeze %dma_start3A_618 : memref<1x1x80xi32, #tpu.memory_space<vmem>> -> memref<80xi32, #tpu.memory_space<vmem>>
        %dma_start3A_620 = arith.constant 0 : i32
        %dma_start3A_621 = arith.constant 0 : i32
        %dma_start3A_622 = tpu.memref_slice %arg2[%dma_start3A_620, %dma_start3A_621] : memref<10000x128xf32, #tpu.memory_space<hbm>> -> memref<10000x128xf32, #tpu.memory_space<hbm>>
        tpu.enqueue_indirect_dma source(%dma_start3A_622 : memref<10000x128xf32, #tpu.memory_space<hbm>>) target(%arg11 : memref<80x128xf32, #tpu.memory_space<vmem>>) offsets(%dma_start3A_619 : memref<80xi32, #tpu.memory_space<vmem>>) semaphore(%arg16 : memref<!tpu.dma_semaphore, #tpu.memory_space<semaphore_mem>>)
      } else {
      }
    }
    %scan3A_202 = arith.constant 31 : i32
    %rem3A = arith.constant 124 : i32
    %rem3A_203 = arith.constant 16 : i32
    %rem3A_204 = arith.remsi %rem3A, %rem3A_203 : i32
    %dma_wait3A_205 = arith.constant 1 : i32
    %dma_wait3A_206 = arith.constant 0 : i32
    %dma_wait3A_207 = tpu.memref_slice %arg6[%dma_wait3A_205, %rem3A_204, %dma_wait3A_206] : memref<2x16x80xi32, #tpu.memory_space<vmem>> -> memref<1x1x80xi32, #tpu.memory_space<vmem>>
    %dma_wait3A_208 = tpu.memref_squeeze %dma_wait3A_207 : memref<1x1x80xi32, #tpu.memory_space<vmem>> -> memref<80xi32, #tpu.memory_space<vmem>>
    %dma_wait3A_209 = arith.constant 0 : i32
    %dma_wait3A_210 = arith.constant 0 : i32
    %dma_wait3A_211 = tpu.memref_slice %arg2[%dma_wait3A_209, %dma_wait3A_210] : memref<10000x128xf32, #tpu.memory_space<hbm>> -> memref<10000x128xf32, #tpu.memory_space<hbm>>
    tpu.wait_indirect_dma semaphore(%arg13 : memref<!tpu.dma_semaphore, #tpu.memory_space<semaphore_mem>>) src(%dma_wait3A_211 : memref<10000x128xf32, #tpu.memory_space<hbm>>) dst(%arg8 : memref<80x128xf32, #tpu.memory_space<vmem>>)
    %rem3A_212 = arith.constant 124 : i32
    %rem3A_213 = arith.constant 8 : i32
    %rem3A_214 = arith.remsi %rem3A_212, %rem3A_213 : i32
    %run_scoped3A_215 = arith.constant 1 : i32
    "tpu.region"() ({
      %run_scoped3A_361 = tpu.sem_alloc : memref<!tpu.dma_semaphore, #tpu.memory_space<semaphore_mem>>
      %dma_start3A_362 = arith.constant 0 : i32
      %dma_start3A_363 = tpu.memref_slice %arg7[%run_scoped3A_215, %rem3A_214, %dma_start3A_362] : memref<2x8x80xi32, #tpu.memory_space<vmem>> -> memref<1x1x80xi32, #tpu.memory_space<vmem>>
      %dma_start3A_364 = tpu.memref_squeeze %dma_start3A_363 : memref<1x1x80xi32, #tpu.memory_space<vmem>> -> memref<80xi32, #tpu.memory_space<vmem>>
      %dma_start3A_365 = arith.constant 0 : i32
      %dma_start3A_366 = arith.constant 0 : i32
      %dma_start3A_367 = tpu.memref_slice %arg12[%dma_start3A_365, %dma_start3A_366] : memref<10240x128xf32, #tpu.memory_space<vmem_shared>> -> memref<10240x128xf32, #tpu.memory_space<vmem_shared>>
      tpu.enqueue_indirect_dma source(%arg8 : memref<80x128xf32, #tpu.memory_space<vmem>>) target(%dma_start3A_367 : memref<10240x128xf32, #tpu.memory_space<vmem_shared>>) offsets(%dma_start3A_364 : memref<80xi32, #tpu.memory_space<vmem>>) semaphore(%run_scoped3A_361 : memref<!tpu.dma_semaphore, #tpu.memory_space<semaphore_mem>>) {add = true}
      %dma_wait3A_368 = arith.constant 0 : i32
      %dma_wait3A_369 = tpu.memref_slice %arg7[%run_scoped3A_215, %rem3A_214, %dma_wait3A_368] : memref<2x8x80xi32, #tpu.memory_space<vmem>> -> memref<1x1x80xi32, #tpu.memory_space<vmem>>
      %dma_wait3A_370 = tpu.memref_squeeze %dma_wait3A_369 : memref<1x1x80xi32, #tpu.memory_space<vmem>> -> memref<80xi32, #tpu.memory_space<vmem>>
      %dma_wait3A_371 = arith.constant 0 : i32
      %dma_wait3A_372 = arith.constant 0 : i32
      %dma_wait3A_373 = tpu.memref_slice %arg12[%dma_wait3A_371, %dma_wait3A_372] : memref<10240x128xf32, #tpu.memory_space<vmem_shared>> -> memref<10240x128xf32, #tpu.memory_space<vmem_shared>>
      tpu.wait_indirect_dma semaphore(%run_scoped3A_361 : memref<!tpu.dma_semaphore, #tpu.memory_space<semaphore_mem>>) src(%arg8 : memref<80x128xf32, #tpu.memory_space<vmem>>) dst(%dma_wait3A_373 : memref<10240x128xf32, #tpu.memory_space<vmem_shared>>)
      tpu.yield
    }) : () -> ()
    %barrier3A_216 = arith.constant 0 : index
    tpu.barrier barrier_id(%barrier3A_216)
    %mul3A_217 = arith.constant 640 : i32
    %mul3A_218 = arith.muli %arg1, %mul3A_217 : i32
    %add3A_219 = arith.constant 0 : i32
    %add3A_220 = arith.addi %mul3A_218, %add3A_219 : i32
    %dma_start3A_221 = arith.constant 0 : i32
    %dma_start3A_222 = tpu.memref_slice %arg5[%arg0, %add3A_220, %dma_start3A_221] : memref<2x10240x128xf32, #tpu.memory_space<hbm>> -> memref<1x80x128xf32, #tpu.memory_space<hbm>>
    %dma_start3A_223 = tpu.memref_squeeze %dma_start3A_222 : memref<1x80x128xf32, #tpu.memory_space<hbm>> -> memref<80x128xf32, #tpu.memory_space<hbm>>
    %dma_start3A_224 = arith.constant 0 : i32
    %dma_start3A_225 = tpu.memref_slice %arg12[%add3A_220, %dma_start3A_224] : memref<10240x128xf32, #tpu.memory_space<vmem_shared>> -> memref<80x128xf32, #tpu.memory_space<vmem_shared>>
    tpu.enqueue_dma source(%dma_start3A_225 : memref<80x128xf32, #tpu.memory_space<vmem_shared>>) target(%dma_start3A_223 : memref<80x128xf32, #tpu.memory_space<hbm>>) target_semaphore(%arg13 : memref<!tpu.dma_semaphore, #tpu.memory_space<semaphore_mem>>)
    %mul3A_226 = arith.constant 640 : i32
    %mul3A_227 = arith.muli %arg1, %mul3A_226 : i32
    %add3A_228 = arith.constant 80 : i32
    %add3A_229 = arith.addi %mul3A_227, %add3A_228 : i32
    %dma_start3A_230 = arith.constant 0 : i32
    %dma_start3A_231 = tpu.memref_slice %arg5[%arg0, %add3A_229, %dma_start3A_230] : memref<2x10240x128xf32, #tpu.memory_space<hbm>> -> memref<1x80x128xf32, #tpu.memory_space<hbm>>
    %dma_start3A_232 = tpu.memref_squeeze %dma_start3A_231 : memref<1x80x128xf32, #tpu.memory_space<hbm>> -> memref<80x128xf32, #tpu.memory_space<hbm>>
    %dma_start3A_233 = arith.constant 0 : i32
    %dma_start3A_234 = tpu.memref_slice %arg12[%add3A_229, %dma_start3A_233] : memref<10240x128xf32, #tpu.memory_space<vmem_shared>> -> memref<80x128xf32, #tpu.memory_space<vmem_shared>>
    tpu.enqueue_dma source(%dma_start3A_234 : memref<80x128xf32, #tpu.memory_space<vmem_shared>>) target(%dma_start3A_232 : memref<80x128xf32, #tpu.memory_space<hbm>>) target_semaphore(%arg13 : memref<!tpu.dma_semaphore, #tpu.memory_space<semaphore_mem>>)
    %mul3A_235 = arith.constant 640 : i32
    %mul3A_236 = arith.muli %arg1, %mul3A_235 : i32
    %add3A_237 = arith.constant 160 : i32
    %add3A_238 = arith.addi %mul3A_236, %add3A_237 : i32
    %dma_start3A_239 = arith.constant 0 : i32
    %dma_start3A_240 = tpu.memref_slice %arg5[%arg0, %add3A_238, %dma_start3A_239] : memref<2x10240x128xf32, #tpu.memory_space<hbm>> -> memref<1x80x128xf32, #tpu.memory_space<hbm>>
    %dma_start3A_241 = tpu.memref_squeeze %dma_start3A_240 : memref<1x80x128xf32, #tpu.memory_space<hbm>> -> memref<80x128xf32, #tpu.memory_space<hbm>>
    %dma_start3A_242 = arith.constant 0 : i32
    %dma_start3A_243 = tpu.memref_slice %arg12[%add3A_238, %dma_start3A_242] : memref<10240x128xf32, #tpu.memory_space<vmem_shared>> -> memref<80x128xf32, #tpu.memory_space<vmem_shared>>
    tpu.enqueue_dma source(%dma_start3A_243 : memref<80x128xf32, #tpu.memory_space<vmem_shared>>) target(%dma_start3A_241 : memref<80x128xf32, #tpu.memory_space<hbm>>) target_semaphore(%arg13 : memref<!tpu.dma_semaphore, #tpu.memory_space<semaphore_mem>>)
    %mul3A_244 = arith.constant 640 : i32
    %mul3A_245 = arith.muli %arg1, %mul3A_244 : i32
    %add3A_246 = arith.constant 240 : i32
    %add3A_247 = arith.addi %mul3A_245, %add3A_246 : i32
    %dma_start3A_248 = arith.constant 0 : i32
    %dma_start3A_249 = tpu.memref_slice %arg5[%arg0, %add3A_247, %dma_start3A_248] : memref<2x10240x128xf32, #tpu.memory_space<hbm>> -> memref<1x80x128xf32, #tpu.memory_space<hbm>>
    %dma_start3A_250 = tpu.memref_squeeze %dma_start3A_249 : memref<1x80x128xf32, #tpu.memory_space<hbm>> -> memref<80x128xf32, #tpu.memory_space<hbm>>
    %dma_start3A_251 = arith.constant 0 : i32
    %dma_start3A_252 = tpu.memref_slice %arg12[%add3A_247, %dma_start3A_251] : memref<10240x128xf32, #tpu.memory_space<vmem_shared>> -> memref<80x128xf32, #tpu.memory_space<vmem_shared>>
    tpu.enqueue_dma source(%dma_start3A_252 : memref<80x128xf32, #tpu.memory_space<vmem_shared>>) target(%dma_start3A_250 : memref<80x128xf32, #tpu.memory_space<hbm>>) target_semaphore(%arg13 : memref<!tpu.dma_semaphore, #tpu.memory_space<semaphore_mem>>)
    %mul3A_253 = arith.constant 640 : i32
    %mul3A_254 = arith.muli %arg1, %mul3A_253 : i32
    %add3A_255 = arith.constant 320 : i32
    %add3A_256 = arith.addi %mul3A_254, %add3A_255 : i32
    %dma_start3A_257 = arith.constant 0 : i32
    %dma_start3A_258 = tpu.memref_slice %arg5[%arg0, %add3A_256, %dma_start3A_257] : memref<2x10240x128xf32, #tpu.memory_space<hbm>> -> memref<1x80x128xf32, #tpu.memory_space<hbm>>
    %dma_start3A_259 = tpu.memref_squeeze %dma_start3A_258 : memref<1x80x128xf32, #tpu.memory_space<hbm>> -> memref<80x128xf32, #tpu.memory_space<hbm>>
    %dma_start3A_260 = arith.constant 0 : i32
    %dma_start3A_261 = tpu.memref_slice %arg12[%add3A_256, %dma_start3A_260] : memref<10240x128xf32, #tpu.memory_space<vmem_shared>> -> memref<80x128xf32, #tpu.memory_space<vmem_shared>>
    tpu.enqueue_dma source(%dma_start3A_261 : memref<80x128xf32, #tpu.memory_space<vmem_shared>>) target(%dma_start3A_259 : memref<80x128xf32, #tpu.memory_space<hbm>>) target_semaphore(%arg13 : memref<!tpu.dma_semaphore, #tpu.memory_space<semaphore_mem>>)
    %mul3A_262 = arith.constant 640 : i32
    %mul3A_263 = arith.muli %arg1, %mul3A_262 : i32
    %add3A_264 = arith.constant 400 : i32
    %add3A_265 = arith.addi %mul3A_263, %add3A_264 : i32
    %dma_start3A_266 = arith.constant 0 : i32
    %dma_start3A_267 = tpu.memref_slice %arg5[%arg0, %add3A_265, %dma_start3A_266] : memref<2x10240x128xf32, #tpu.memory_space<hbm>> -> memref<1x80x128xf32, #tpu.memory_space<hbm>>
    %dma_start3A_268 = tpu.memref_squeeze %dma_start3A_267 : memref<1x80x128xf32, #tpu.memory_space<hbm>> -> memref<80x128xf32, #tpu.memory_space<hbm>>
    %dma_start3A_269 = arith.constant 0 : i32
    %dma_start3A_270 = tpu.memref_slice %arg12[%add3A_265, %dma_start3A_269] : memref<10240x128xf32, #tpu.memory_space<vmem_shared>> -> memref<80x128xf32, #tpu.memory_space<vmem_shared>>
    tpu.enqueue_dma source(%dma_start3A_270 : memref<80x128xf32, #tpu.memory_space<vmem_shared>>) target(%dma_start3A_268 : memref<80x128xf32, #tpu.memory_space<hbm>>) target_semaphore(%arg13 : memref<!tpu.dma_semaphore, #tpu.memory_space<semaphore_mem>>)
    %mul3A_271 = arith.constant 640 : i32
    %mul3A_272 = arith.muli %arg1, %mul3A_271 : i32
    %add3A_273 = arith.constant 480 : i32
    %add3A_274 = arith.addi %mul3A_272, %add3A_273 : i32
    %dma_start3A_275 = arith.constant 0 : i32
    %dma_start3A_276 = tpu.memref_slice %arg5[%arg0, %add3A_274, %dma_start3A_275] : memref<2x10240x128xf32, #tpu.memory_space<hbm>> -> memref<1x80x128xf32, #tpu.memory_space<hbm>>
    %dma_start3A_277 = tpu.memref_squeeze %dma_start3A_276 : memref<1x80x128xf32, #tpu.memory_space<hbm>> -> memref<80x128xf32, #tpu.memory_space<hbm>>
    %dma_start3A_278 = arith.constant 0 : i32
    %dma_start3A_279 = tpu.memref_slice %arg12[%add3A_274, %dma_start3A_278] : memref<10240x128xf32, #tpu.memory_space<vmem_shared>> -> memref<80x128xf32, #tpu.memory_space<vmem_shared>>
    tpu.enqueue_dma source(%dma_start3A_279 : memref<80x128xf32, #tpu.memory_space<vmem_shared>>) target(%dma_start3A_277 : memref<80x128xf32, #tpu.memory_space<hbm>>) target_semaphore(%arg13 : memref<!tpu.dma_semaphore, #tpu.memory_space<semaphore_mem>>)
    %mul3A_280 = arith.constant 640 : i32
    %mul3A_281 = arith.muli %arg1, %mul3A_280 : i32
    %add3A_282 = arith.constant 560 : i32
    %add3A_283 = arith.addi %mul3A_281, %add3A_282 : i32
    %dma_start3A_284 = arith.constant 0 : i32
    %dma_start3A_285 = tpu.memref_slice %arg5[%arg0, %add3A_283, %dma_start3A_284] : memref<2x10240x128xf32, #tpu.memory_space<hbm>> -> memref<1x80x128xf32, #tpu.memory_space<hbm>>
    %dma_start3A_286 = tpu.memref_squeeze %dma_start3A_285 : memref<1x80x128xf32, #tpu.memory_space<hbm>> -> memref<80x128xf32, #tpu.memory_space<hbm>>
    %dma_start3A_287 = arith.constant 0 : i32
    %dma_start3A_288 = tpu.memref_slice %arg12[%add3A_283, %dma_start3A_287] : memref<10240x128xf32, #tpu.memory_space<vmem_shared>> -> memref<80x128xf32, #tpu.memory_space<vmem_shared>>
    tpu.enqueue_dma source(%dma_start3A_288 : memref<80x128xf32, #tpu.memory_space<vmem_shared>>) target(%dma_start3A_286 : memref<80x128xf32, #tpu.memory_space<hbm>>) target_semaphore(%arg13 : memref<!tpu.dma_semaphore, #tpu.memory_space<semaphore_mem>>)
    %mul3A_289 = arith.constant 640 : i32
    %mul3A_290 = arith.muli %arg1, %mul3A_289 : i32
    %add3A_291 = arith.constant 0 : i32
    %add3A_292 = arith.addi %mul3A_290, %add3A_291 : i32
    %dma_wait3A_293 = arith.constant 0 : i32
    %dma_wait3A_294 = tpu.memref_slice %arg5[%arg0, %add3A_292, %dma_wait3A_293] : memref<2x10240x128xf32, #tpu.memory_space<hbm>> -> memref<1x80x128xf32, #tpu.memory_space<hbm>>
    %dma_wait3A_295 = tpu.memref_squeeze %dma_wait3A_294 : memref<1x80x128xf32, #tpu.memory_space<hbm>> -> memref<80x128xf32, #tpu.memory_space<hbm>>
    %dma_wait3A_296 = arith.constant 0 : i32
    %dma_wait3A_297 = tpu.memref_slice %arg12[%add3A_292, %dma_wait3A_296] : memref<10240x128xf32, #tpu.memory_space<vmem_shared>> -> memref<80x128xf32, #tpu.memory_space<vmem_shared>>
    tpu.wait_dma2 semaphore(%arg13 : memref<!tpu.dma_semaphore, #tpu.memory_space<semaphore_mem>>) src(%dma_wait3A_297 : memref<80x128xf32, #tpu.memory_space<vmem_shared>>) dst(%dma_wait3A_295 : memref<80x128xf32, #tpu.memory_space<hbm>>)
    %mul3A_298 = arith.constant 640 : i32
    %mul3A_299 = arith.muli %arg1, %mul3A_298 : i32
    %add3A_300 = arith.constant 80 : i32
    %add3A_301 = arith.addi %mul3A_299, %add3A_300 : i32
    %dma_wait3A_302 = arith.constant 0 : i32
    %dma_wait3A_303 = tpu.memref_slice %arg5[%arg0, %add3A_301, %dma_wait3A_302] : memref<2x10240x128xf32, #tpu.memory_space<hbm>> -> memref<1x80x128xf32, #tpu.memory_space<hbm>>
    %dma_wait3A_304 = tpu.memref_squeeze %dma_wait3A_303 : memref<1x80x128xf32, #tpu.memory_space<hbm>> -> memref<80x128xf32, #tpu.memory_space<hbm>>
    %dma_wait3A_305 = arith.constant 0 : i32
    %dma_wait3A_306 = tpu.memref_slice %arg12[%add3A_301, %dma_wait3A_305] : memref<10240x128xf32, #tpu.memory_space<vmem_shared>> -> memref<80x128xf32, #tpu.memory_space<vmem_shared>>
    tpu.wait_dma2 semaphore(%arg13 : memref<!tpu.dma_semaphore, #tpu.memory_space<semaphore_mem>>) src(%dma_wait3A_306 : memref<80x128xf32, #tpu.memory_space<vmem_shared>>) dst(%dma_wait3A_304 : memref<80x128xf32, #tpu.memory_space<hbm>>)
    %mul3A_307 = arith.constant 640 : i32
    %mul3A_308 = arith.muli %arg1, %mul3A_307 : i32
    %add3A_309 = arith.constant 160 : i32
    %add3A_310 = arith.addi %mul3A_308, %add3A_309 : i32
    %dma_wait3A_311 = arith.constant 0 : i32
    %dma_wait3A_312 = tpu.memref_slice %arg5[%arg0, %add3A_310, %dma_wait3A_311] : memref<2x10240x128xf32, #tpu.memory_space<hbm>> -> memref<1x80x128xf32, #tpu.memory_space<hbm>>
    %dma_wait3A_313 = tpu.memref_squeeze %dma_wait3A_312 : memref<1x80x128xf32, #tpu.memory_space<hbm>> -> memref<80x128xf32, #tpu.memory_space<hbm>>
    %dma_wait3A_314 = arith.constant 0 : i32
    %dma_wait3A_315 = tpu.memref_slice %arg12[%add3A_310, %dma_wait3A_314] : memref<10240x128xf32, #tpu.memory_space<vmem_shared>> -> memref<80x128xf32, #tpu.memory_space<vmem_shared>>
    tpu.wait_dma2 semaphore(%arg13 : memref<!tpu.dma_semaphore, #tpu.memory_space<semaphore_mem>>) src(%dma_wait3A_315 : memref<80x128xf32, #tpu.memory_space<vmem_shared>>) dst(%dma_wait3A_313 : memref<80x128xf32, #tpu.memory_space<hbm>>)
    %mul3A_316 = arith.constant 640 : i32
    %mul3A_317 = arith.muli %arg1, %mul3A_316 : i32
    %add3A_318 = arith.constant 240 : i32
    %add3A_319 = arith.addi %mul3A_317, %add3A_318 : i32
    %dma_wait3A_320 = arith.constant 0 : i32
    %dma_wait3A_321 = tpu.memref_slice %arg5[%arg0, %add3A_319, %dma_wait3A_320] : memref<2x10240x128xf32, #tpu.memory_space<hbm>> -> memref<1x80x128xf32, #tpu.memory_space<hbm>>
    %dma_wait3A_322 = tpu.memref_squeeze %dma_wait3A_321 : memref<1x80x128xf32, #tpu.memory_space<hbm>> -> memref<80x128xf32, #tpu.memory_space<hbm>>
    %dma_wait3A_323 = arith.constant 0 : i32
    %dma_wait3A_324 = tpu.memref_slice %arg12[%add3A_319, %dma_wait3A_323] : memref<10240x128xf32, #tpu.memory_space<vmem_shared>> -> memref<80x128xf32, #tpu.memory_space<vmem_shared>>
    tpu.wait_dma2 semaphore(%arg13 : memref<!tpu.dma_semaphore, #tpu.memory_space<semaphore_mem>>) src(%dma_wait3A_324 : memref<80x128xf32, #tpu.memory_space<vmem_shared>>) dst(%dma_wait3A_322 : memref<80x128xf32, #tpu.memory_space<hbm>>)
    %mul3A_325 = arith.constant 640 : i32
    %mul3A_326 = arith.muli %arg1, %mul3A_325 : i32
    %add3A_327 = arith.constant 320 : i32
    %add3A_328 = arith.addi %mul3A_326, %add3A_327 : i32
    %dma_wait3A_329 = arith.constant 0 : i32
    %dma_wait3A_330 = tpu.memref_slice %arg5[%arg0, %add3A_328, %dma_wait3A_329] : memref<2x10240x128xf32, #tpu.memory_space<hbm>> -> memref<1x80x128xf32, #tpu.memory_space<hbm>>
    %dma_wait3A_331 = tpu.memref_squeeze %dma_wait3A_330 : memref<1x80x128xf32, #tpu.memory_space<hbm>> -> memref<80x128xf32, #tpu.memory_space<hbm>>
    %dma_wait3A_332 = arith.constant 0 : i32
    %dma_wait3A_333 = tpu.memref_slice %arg12[%add3A_328, %dma_wait3A_332] : memref<10240x128xf32, #tpu.memory_space<vmem_shared>> -> memref<80x128xf32, #tpu.memory_space<vmem_shared>>
    tpu.wait_dma2 semaphore(%arg13 : memref<!tpu.dma_semaphore, #tpu.memory_space<semaphore_mem>>) src(%dma_wait3A_333 : memref<80x128xf32, #tpu.memory_space<vmem_shared>>) dst(%dma_wait3A_331 : memref<80x128xf32, #tpu.memory_space<hbm>>)
    %mul3A_334 = arith.constant 640 : i32
    %mul3A_335 = arith.muli %arg1, %mul3A_334 : i32
    %add3A_336 = arith.constant 400 : i32
    %add3A_337 = arith.addi %mul3A_335, %add3A_336 : i32
    %dma_wait3A_338 = arith.constant 0 : i32
    %dma_wait3A_339 = tpu.memref_slice %arg5[%arg0, %add3A_337, %dma_wait3A_338] : memref<2x10240x128xf32, #tpu.memory_space<hbm>> -> memref<1x80x128xf32, #tpu.memory_space<hbm>>
    %dma_wait3A_340 = tpu.memref_squeeze %dma_wait3A_339 : memref<1x80x128xf32, #tpu.memory_space<hbm>> -> memref<80x128xf32, #tpu.memory_space<hbm>>
    %dma_wait3A_341 = arith.constant 0 : i32
    %dma_wait3A_342 = tpu.memref_slice %arg12[%add3A_337, %dma_wait3A_341] : memref<10240x128xf32, #tpu.memory_space<vmem_shared>> -> memref<80x128xf32, #tpu.memory_space<vmem_shared>>
    tpu.wait_dma2 semaphore(%arg13 : memref<!tpu.dma_semaphore, #tpu.memory_space<semaphore_mem>>) src(%dma_wait3A_342 : memref<80x128xf32, #tpu.memory_space<vmem_shared>>) dst(%dma_wait3A_340 : memref<80x128xf32, #tpu.memory_space<hbm>>)
    %mul3A_343 = arith.constant 640 : i32
    %mul3A_344 = arith.muli %arg1, %mul3A_343 : i32
    %add3A_345 = arith.constant 480 : i32
    %add3A_346 = arith.addi %mul3A_344, %add3A_345 : i32
    %dma_wait3A_347 = arith.constant 0 : i32
    %dma_wait3A_348 = tpu.memref_slice %arg5[%arg0, %add3A_346, %dma_wait3A_347] : memref<2x10240x128xf32, #tpu.memory_space<hbm>> -> memref<1x80x128xf32, #tpu.memory_space<hbm>>
    %dma_wait3A_349 = tpu.memref_squeeze %dma_wait3A_348 : memref<1x80x128xf32, #tpu.memory_space<hbm>> -> memref<80x128xf32, #tpu.memory_space<hbm>>
    %dma_wait3A_350 = arith.constant 0 : i32
    %dma_wait3A_351 = tpu.memref_slice %arg12[%add3A_346, %dma_wait3A_350] : memref<10240x128xf32, #tpu.memory_space<vmem_shared>> -> memref<80x128xf32, #tpu.memory_space<vmem_shared>>
    tpu.wait_dma2 semaphore(%arg13 : memref<!tpu.dma_semaphore, #tpu.memory_space<semaphore_mem>>) src(%dma_wait3A_351 : memref<80x128xf32, #tpu.memory_space<vmem_shared>>) dst(%dma_wait3A_349 : memref<80x128xf32, #tpu.memory_space<hbm>>)
    %mul3A_352 = arith.constant 640 : i32
    %mul3A_353 = arith.muli %arg1, %mul3A_352 : i32
    %add3A_354 = arith.constant 560 : i32
    %add3A_355 = arith.addi %mul3A_353, %add3A_354 : i32
    %dma_wait3A_356 = arith.constant 0 : i32
    %dma_wait3A_357 = tpu.memref_slice %arg5[%arg0, %add3A_355, %dma_wait3A_356] : memref<2x10240x128xf32, #tpu.memory_space<hbm>> -> memref<1x80x128xf32, #tpu.memory_space<hbm>>
    %dma_wait3A_358 = tpu.memref_squeeze %dma_wait3A_357 : memref<1x80x128xf32, #tpu.memory_space<hbm>> -> memref<80x128xf32, #tpu.memory_space<hbm>>
    %dma_wait3A_359 = arith.constant 0 : i32
    %dma_wait3A_360 = tpu.memref_slice %arg12[%add3A_355, %dma_wait3A_359] : memref<10240x128xf32, #tpu.memory_space<vmem_shared>> -> memref<80x128xf32, #tpu.memory_space<vmem_shared>>
    tpu.wait_dma2 semaphore(%arg13 : memref<!tpu.dma_semaphore, #tpu.memory_space<semaphore_mem>>) src(%dma_wait3A_360 : memref<80x128xf32, #tpu.memory_space<vmem_shared>>) dst(%dma_wait3A_358 : memref<80x128xf32, #tpu.memory_space<hbm>>)
    return
  }
}

#map = affine_map<(d0, d1) -> (0, 0)>
#map1 = affine_map<(d0, d1) -> (0, 0, 0)>
module attributes {stable_mosaic.version = 14 : i64} {
  func.func @sc_kernel(%arg0: i32, %arg1: i32, %arg2: memref<10000x128xf32, #tpu.memory_space<hbm>>, %arg3: memref<32x125x80xi32, #tpu.memory_space<hbm>>, %arg4: memref<32x125x80xi32, #tpu.memory_space<hbm>>, %arg5: memref<2x10240x128xf32, #tpu.memory_space<hbm>>, %arg6: memref<2x16x80xi32, #tpu.memory_space<vmem>>, %arg7: memref<2x8x80xi32, #tpu.memory_space<vmem>>, %arg8: memref<80x128xf32, #tpu.memory_space<vmem>>, %arg9: memref<80x128xf32, #tpu.memory_space<vmem>>, %arg10: memref<80x128xf32, #tpu.memory_space<vmem>>, %arg11: memref<80x128xf32, #tpu.memory_space<vmem>>, %arg12: memref<10240x128xf32, #tpu.memory_space<vmem_shared>>, %arg13: memref<!tpu.dma_semaphore, #tpu.memory_space<semaphore_mem>>, %arg14: memref<!tpu.dma_semaphore, #tpu.memory_space<semaphore_mem>>, %arg15: memref<!tpu.dma_semaphore, #tpu.memory_space<semaphore_mem>>, %arg16: memref<!tpu.dma_semaphore, #tpu.memory_space<semaphore_mem>>, %arg17: memref<!tpu.dma_semaphore, #tpu.memory_space<semaphore_mem>>, %arg18: memref<!tpu.dma_semaphore, #tpu.memory_space<semaphore_mem>>) attributes {dimension_semantics = [#tpu.dimension_semantics<core_parallel>, #tpu.dimension_semantics<subcore_parallel>], iteration_bounds = array<i64: 2, 16>, scalar_prefetch = 0 : i64, scratch_operands = 13 : i64, tpu.core_type = #tpu.core_type<sc_vector_subcore>, window_params = [{transform_indices = #map}, {transform_indices = #map1}, {transform_indices = #map1}, {transform_indices = #map1}]} {
    %mul3A = arith.constant 16 : i32
    %mul3A_0 = arith.muli %arg0, %mul3A : i32
    %add3A = arith.addi %mul3A_0, %arg1 : i32
    %broadcast_in_dim3A = arith.constant 0.000000e+00 : f32
    %broadcast_in_dim3A_1 = vector.broadcast %broadcast_in_dim3A : f32 to vector<16xf32>
    %run_scoped3A = arith.constant 0 : i32
    "tpu.region"() ({
      %run_scoped3A_361 = tpu.sem_alloc : memref<!tpu.dma_semaphore, #tpu.memory_space<semaphore_mem>>
      %dma_start3A_362 = arith.constant 0 : i32
      %dma_start3A_363 = arith.constant 0 : i32
      %dma_start3A_364 = tpu.memref_slice %arg6[%run_scoped3A, %dma_start3A_362, %dma_start3A_363] : memref<2x16x80xi32, #tpu.memory_space<vmem>> -> memref<1x16x80xi32, #tpu.memory_space<vmem>>
      %dma_start3A_365 = tpu.memref_squeeze %dma_start3A_364 : memref<1x16x80xi32, #tpu.memory_space<vmem>> -> memref<16x80xi32, #tpu.memory_space<vmem>>
      %dma_start3A_366 = arith.constant 0 : i32
      %dma_start3A_367 = arith.constant 0 : i32
      %dma_start3A_368 = tpu.memref_slice %arg3[%add3A, %dma_start3A_366, %dma_start3A_367] : memref<32x125x80xi32, #tpu.memory_space<hbm>> -> memref<1x16x80xi32, #tpu.memory_space<hbm>>
      %dma_start3A_369 = tpu.memref_squeeze %dma_start3A_368 : memref<1x16x80xi32, #tpu.memory_space<hbm>> -> memref<16x80xi32, #tpu.memory_space<hbm>>
      %dma_start3A_370 = arith.constant 0 : i32
      %dma_start3A_371 = arith.constant 0 : i32
      %dma_start3A_372 = tpu.memref_slice %arg6[%run_scoped3A, %dma_start3A_370, %dma_start3A_371] : memref<2x16x80xi32, #tpu.memory_space<vmem>> -> memref<1x16x80xi32, #tpu.memory_space<vmem>>
      %dma_start3A_373 = tpu.memref_squeeze %dma_start3A_372 : memref<1x16x80xi32, #tpu.memory_space<vmem>> -> memref<16x80xi32, #tpu.memory_space<vmem>>
      %dma_start3A_374 = arith.constant 0 : i32
      %dma_start3A_375 = arith.constant 0 : i32
      %dma_start3A_376 = tpu.memref_slice %arg3[%add3A, %dma_start3A_374, %dma_start3A_375] : memref<32x125x80xi32, #tpu.memory_space<hbm>> -> memref<1x16x80xi32, #tpu.memory_space<hbm>>
      %dma_start3A_377 = tpu.memref_squeeze %dma_start3A_376 : memref<1x16x80xi32, #tpu.memory_space<hbm>> -> memref<16x80xi32, #tpu.memory_space<hbm>>
      tpu.enqueue_dma source(%dma_start3A_377 : memref<16x80xi32, #tpu.memory_space<hbm>>) target(%dma_start3A_373 : memref<16x80xi32, #tpu.memory_space<vmem>>) target_semaphore(%run_scoped3A_361 : memref<!tpu.dma_semaphore, #tpu.memory_space<semaphore_mem>>)
      %dma_wait3A_378 = arith.constant 0 : i32
      %dma_wait3A_379 = arith.constant 0 : i32
      %dma_wait3A_380 = tpu.memref_slice %arg6[%run_scoped3A, %dma_wait3A_378, %dma_wait3A_379] : memref<2x16x80xi32, #tpu.memory_space<vmem>> -> memref<1x16x80xi32, #tpu.memory_space<vmem>>
      %dma_wait3A_381 = tpu.memref_squeeze %dma_wait3A_380 : memref<1x16x80xi32, #tpu.memory_space<vmem>> -> memref<16x80xi32, #tpu.memory_space<vmem>>
      %dma_wait3A_382 = arith.constant 0 : i32
      %dma_wait3A_383 = arith.constant 0 : i32
      %dma_wait3A_384 = tpu.memref_slice %arg3[%add3A, %dma_wait3A_382, %dma_wait3A_383] : memref<32x125x80xi32, #tpu.memory_space<hbm>> -> memref<1x16x80xi32, #tpu.memory_space<hbm>>
      %dma_wait3A_385 = tpu.memref_squeeze %dma_wait3A_384 : memref<1x16x80xi32, #tpu.memory_space<hbm>> -> memref<16x80xi32, #tpu.memory_space<hbm>>
      %dma_wait3A_386 = arith.constant 0 : i32
      %dma_wait3A_387 = arith.constant 0 : i32
      %dma_wait3A_388 = tpu.memref_slice %arg6[%run_scoped3A, %dma_wait3A_386, %dma_wait3A_387] : memref<2x16x80xi32, #tpu.memory_space<vmem>> -> memref<1x16x80xi32, #tpu.memory_space<vmem>>
      %dma_wait3A_389 = tpu.memref_squeeze %dma_wait3A_388 : memref<1x16x80xi32, #tpu.memory_space<vmem>> -> memref<16x80xi32, #tpu.memory_space<vmem>>
      %dma_wait3A_390 = arith.constant 0 : i32
      %dma_wait3A_391 = arith.constant 0 : i32
      %dma_wait3A_392 = tpu.memref_slice %arg3[%add3A, %dma_wait3A_390, %dma_wait3A_391] : memref<32x125x80xi32, #tpu.memory_space<hbm>> -> memref<1x16x80xi32, #tpu.memory_space<hbm>>
      %dma_wait3A_393 = tpu.memref_squeeze %dma_wait3A_392 : memref<1x16x80xi32, #tpu.memory_space<hbm>> -> memref<16x80xi32, #tpu.memory_space<hbm>>
      tpu.wait_dma2 semaphore(%run_scoped3A_361 : memref<!tpu.dma_semaphore, #tpu.memory_space<semaphore_mem>>) src(%dma_wait3A_393 : memref<16x80xi32, #tpu.memory_space<hbm>>) dst(%dma_wait3A_389 : memref<16x80xi32, #tpu.memory_space<vmem>>)
      tpu.yield
    }) : () -> ()
    %dma_start3A = arith.constant 1 : i32
    %dma_start3A_2 = arith.constant 0 : i32
    %dma_start3A_3 = arith.constant 0 : i32
    %dma_start3A_4 = tpu.memref_slice %arg6[%dma_start3A, %dma_start3A_2, %dma_start3A_3] : memref<2x16x80xi32, #tpu.memory_space<vmem>> -> memref<1x16x80xi32, #tpu.memory_space<vmem>>
    %dma_start3A_5 = tpu.memref_squeeze %dma_start3A_4 : memref<1x16x80xi32, #tpu.memory_space<vmem>> -> memref<16x80xi32, #tpu.memory_space<vmem>>
    %dma_start3A_6 = arith.constant 16 : i32
    %dma_start3A_7 = arith.constant 0 : i32
    %dma_start3A_8 = tpu.memref_slice %arg3[%add3A, %dma_start3A_6, %dma_start3A_7] : memref<32x125x80xi32, #tpu.memory_space<hbm>> -> memref<1x16x80xi32, #tpu.memory_space<hbm>>
    %dma_start3A_9 = tpu.memref_squeeze %dma_start3A_8 : memref<1x16x80xi32, #tpu.memory_space<hbm>> -> memref<16x80xi32, #tpu.memory_space<hbm>>
    %dma_start3A_10 = arith.constant 0 : i32
    %dma_start3A_11 = arith.constant 0 : i32
    %dma_start3A_12 = tpu.memref_slice %arg6[%dma_start3A, %dma_start3A_10, %dma_start3A_11] : memref<2x16x80xi32, #tpu.memory_space<vmem>> -> memref<1x16x80xi32, #tpu.memory_space<vmem>>
    %dma_start3A_13 = tpu.memref_squeeze %dma_start3A_12 : memref<1x16x80xi32, #tpu.memory_space<vmem>> -> memref<16x80xi32, #tpu.memory_space<vmem>>
    %dma_start3A_14 = arith.constant 16 : i32
    %dma_start3A_15 = arith.constant 0 : i32
    %dma_start3A_16 = tpu.memref_slice %arg3[%add3A, %dma_start3A_14, %dma_start3A_15] : memref<32x125x80xi32, #tpu.memory_space<hbm>> -> memref<1x16x80xi32, #tpu.memory_space<hbm>>
    %dma_start3A_17 = tpu.memref_squeeze %dma_start3A_16 : memref<1x16x80xi32, #tpu.memory_space<hbm>> -> memref<16x80xi32, #tpu.memory_space<hbm>>
    tpu.enqueue_dma source(%dma_start3A_17 : memref<16x80xi32, #tpu.memory_space<hbm>>) target(%dma_start3A_13 : memref<16x80xi32, #tpu.memory_space<vmem>>) target_semaphore(%arg17 : memref<!tpu.dma_semaphore, #tpu.memory_space<semaphore_mem>>)
    %dma_start3A_18 = arith.constant 0 : i32
    %dma_start3A_19 = arith.constant 0 : i32
    %dma_start3A_20 = arith.constant 0 : i32
    %dma_start3A_21 = tpu.memref_slice %arg7[%dma_start3A_18, %dma_start3A_19, %dma_start3A_20] : memref<2x8x80xi32, #tpu.memory_space<vmem>> -> memref<1x8x80xi32, #tpu.memory_space<vmem>>
    %dma_start3A_22 = tpu.memref_squeeze %dma_start3A_21 : memref<1x8x80xi32, #tpu.memory_space<vmem>> -> memref<8x80xi32, #tpu.memory_space<vmem>>
    %dma_start3A_23 = arith.constant 0 : i32
    %dma_start3A_24 = arith.constant 0 : i32
    %dma_start3A_25 = tpu.memref_slice %arg4[%add3A, %dma_start3A_23, %dma_start3A_24] : memref<32x125x80xi32, #tpu.memory_space<hbm>> -> memref<1x8x80xi32, #tpu.memory_space<hbm>>
    %dma_start3A_26 = tpu.memref_squeeze %dma_start3A_25 : memref<1x8x80xi32, #tpu.memory_space<hbm>> -> memref<8x80xi32, #tpu.memory_space<hbm>>
    %dma_start3A_27 = arith.constant 0 : i32
    %dma_start3A_28 = arith.constant 0 : i32
    %dma_start3A_29 = tpu.memref_slice %arg7[%dma_start3A_18, %dma_start3A_27, %dma_start3A_28] : memref<2x8x80xi32, #tpu.memory_space<vmem>> -> memref<1x8x80xi32, #tpu.memory_space<vmem>>
    %dma_start3A_30 = tpu.memref_squeeze %dma_start3A_29 : memref<1x8x80xi32, #tpu.memory_space<vmem>> -> memref<8x80xi32, #tpu.memory_space<vmem>>
    %dma_start3A_31 = arith.constant 0 : i32
    %dma_start3A_32 = arith.constant 0 : i32
    %dma_start3A_33 = tpu.memref_slice %arg4[%add3A, %dma_start3A_31, %dma_start3A_32] : memref<32x125x80xi32, #tpu.memory_space<hbm>> -> memref<1x8x80xi32, #tpu.memory_space<hbm>>
    %dma_start3A_34 = tpu.memref_squeeze %dma_start3A_33 : memref<1x8x80xi32, #tpu.memory_space<hbm>> -> memref<8x80xi32, #tpu.memory_space<hbm>>
    tpu.enqueue_dma source(%dma_start3A_34 : memref<8x80xi32, #tpu.memory_space<hbm>>) target(%dma_start3A_30 : memref<8x80xi32, #tpu.memory_space<vmem>>) target_semaphore(%arg18 : memref<!tpu.dma_semaphore, #tpu.memory_space<semaphore_mem>>)
    %scan3A = arith.constant 0 : i32
    %scan3A_35 = arith.constant 80 : i32
    %scan3A_36 = arith.addi %scan3A, %scan3A_35 : i32
    %scan3A_37 = arith.constant 1 : i32
    scf.for %scan3A_361 = %scan3A to %scan3A_36 step %scan3A_37  : i32 {
      %mul3A_362 = arith.constant 1 : i32
      %mul3A_363 = arith.muli %scan3A_361, %mul3A_362 : i32
      %add3A_364 = arith.constant 0 : i32
      %add3A_365 = arith.addi %add3A_364, %mul3A_363 : i32
      %scan3A_366 = arith.constant 0 : i32
      %scan3A_367 = arith.constant 8 : i32
      %scan3A_368 = arith.addi %scan3A_366, %scan3A_367 : i32
      %scan3A_369 = arith.constant 1 : i32
      scf.for %scan3A_371 = %scan3A_366 to %scan3A_368 step %scan3A_369  : i32 {
        %mul3A_372 = arith.constant 1 : i32
        %mul3A_373 = arith.muli %scan3A_371, %mul3A_372 : i32
        %add3A_374 = arith.constant 0 : i32
        %add3A_375 = arith.addi %add3A_374, %mul3A_373 : i32
        %mul3A_376 = arith.constant 16 : i32
        %mul3A_377 = arith.muli %add3A_375, %mul3A_376 : i32
        %swap3A = arith.index_cast %add3A_365 : i32 to index
        %swap3A_378 = arith.index_cast %mul3A_377 : i32 to index
        %swap3A_379 = tpu.vector_load %arg11[%swap3A, %swap3A_378] {strides = array<i32>} : memref<80x128xf32, #tpu.memory_space<vmem>>, vector<1x16xf32>,
        %swap3A_380 = vector.shape_cast %swap3A_379 : vector<1x16xf32> to vector<16xf32>
        %swap3A_381 = vector.shape_cast %broadcast_in_dim3A_1 : vector<16xf32> to vector<1x16xf32>
        tpu.vector_store %arg11[%swap3A, %swap3A_378], %swap3A_381 {strides = array<i32>} : memref<80x128xf32, #tpu.memory_space<vmem>>, vector<1x16xf32>,
      }
      %scan3A_370 = arith.constant 8 : i32
    }
    %scan3A_38 = arith.constant 80 : i32
    %mul3A_39 = arith.constant 640 : i32
    %mul3A_40 = arith.muli %arg1, %mul3A_39 : i32
    %add3A_41 = arith.constant 0 : i32
    %add3A_42 = arith.addi %mul3A_40, %add3A_41 : i32
    %dma_start3A_43 = arith.constant 0 : i32
    %dma_start3A_44 = tpu.memref_slice %arg12[%add3A_42, %dma_start3A_43] : memref<10240x128xf32, #tpu.memory_space<vmem_shared>> -> memref<80x128xf32, #tpu.memory_space<vmem_shared>>
    %dma_start3A_45 = arith.constant 0 : i32
    %dma_start3A_46 = tpu.memref_slice %arg12[%add3A_42, %dma_start3A_45] : memref<10240x128xf32, #tpu.memory_space<vmem_shared>> -> memref<80x128xf32, #tpu.memory_space<vmem_shared>>
    tpu.enqueue_dma source(%arg11 : memref<80x128xf32, #tpu.memory_space<vmem>>) target(%dma_start3A_46 : memref<80x128xf32, #tpu.memory_space<vmem_shared>>) target_semaphore(%arg16 : memref<!tpu.dma_semaphore, #tpu.memory_space<semaphore_mem>>)
    %mul3A_47 = arith.constant 640 : i32
    %mul3A_48 = arith.muli %arg1, %mul3A_47 : i32
    %add3A_49 = arith.constant 80 : i32
    %add3A_50 = arith.addi %mul3A_48, %add3A_49 : i32
    %dma_start3A_51 = arith.constant 0 : i32
    %dma_start3A_52 = tpu.memref_slice %arg12[%add3A_50, %dma_start3A_51] : memref<10240x128xf32, #tpu.memory_space<vmem_shared>> -> memref<80x128xf32, #tpu.memory_space<vmem_shared>>
    %dma_start3A_53 = arith.constant 0 : i32
    %dma_start3A_54 = tpu.memref_slice %arg12[%add3A_50, %dma_start3A_53] : memref<10240x128xf32, #tpu.memory_space<vmem_shared>> -> memref<80x128xf32, #tpu.memory_space<vmem_shared>>
    tpu.enqueue_dma source(%arg11 : memref<80x128xf32, #tpu.memory_space<vmem>>) target(%dma_start3A_54 : memref<80x128xf32, #tpu.memory_space<vmem_shared>>) target_semaphore(%arg16 : memref<!tpu.dma_semaphore, #tpu.memory_space<semaphore_mem>>)
    %mul3A_55 = arith.constant 640 : i32
    %mul3A_56 = arith.muli %arg1, %mul3A_55 : i32
    %add3A_57 = arith.constant 160 : i32
    %add3A_58 = arith.addi %mul3A_56, %add3A_57 : i32
    %dma_start3A_59 = arith.constant 0 : i32
    %dma_start3A_60 = tpu.memref_slice %arg12[%add3A_58, %dma_start3A_59] : memref<10240x128xf32, #tpu.memory_space<vmem_shared>> -> memref<80x128xf32, #tpu.memory_space<vmem_shared>>
    %dma_start3A_61 = arith.constant 0 : i32
    %dma_start3A_62 = tpu.memref_slice %arg12[%add3A_58, %dma_start3A_61] : memref<10240x128xf32, #tpu.memory_space<vmem_shared>> -> memref<80x128xf32, #tpu.memory_space<vmem_shared>>
    tpu.enqueue_dma source(%arg11 : memref<80x128xf32, #tpu.memory_space<vmem>>) target(%dma_start3A_62 : memref<80x128xf32, #tpu.memory_space<vmem_shared>>) target_semaphore(%arg16 : memref<!tpu.dma_semaphore, #tpu.memory_space<semaphore_mem>>)
    %mul3A_63 = arith.constant 640 : i32
    %mul3A_64 = arith.muli %arg1, %mul3A_63 : i32
    %add3A_65 = arith.constant 240 : i32
    %add3A_66 = arith.addi %mul3A_64, %add3A_65 : i32
    %dma_start3A_67 = arith.constant 0 : i32
    %dma_start3A_68 = tpu.memref_slice %arg12[%add3A_66, %dma_start3A_67] : memref<10240x128xf32, #tpu.memory_space<vmem_shared>> -> memref<80x128xf32, #tpu.memory_space<vmem_shared>>
    %dma_start3A_69 = arith.constant 0 : i32
    %dma_start3A_70 = tpu.memref_slice %arg12[%add3A_66, %dma_start3A_69] : memref<10240x128xf32, #tpu.memory_space<vmem_shared>> -> memref<80x128xf32, #tpu.memory_space<vmem_shared>>
    tpu.enqueue_dma source(%arg11 : memref<80x128xf32, #tpu.memory_space<vmem>>) target(%dma_start3A_70 : memref<80x128xf32, #tpu.memory_space<vmem_shared>>) target_semaphore(%arg16 : memref<!tpu.dma_semaphore, #tpu.memory_space<semaphore_mem>>)
    %mul3A_71 = arith.constant 640 : i32
    %mul3A_72 = arith.muli %arg1, %mul3A_71 : i32
    %add3A_73 = arith.constant 320 : i32
    %add3A_74 = arith.addi %mul3A_72, %add3A_73 : i32
    %dma_start3A_75 = arith.constant 0 : i32
    %dma_start3A_76 = tpu.memref_slice %arg12[%add3A_74, %dma_start3A_75] : memref<10240x128xf32, #tpu.memory_space<vmem_shared>> -> memref<80x128xf32, #tpu.memory_space<vmem_shared>>
    %dma_start3A_77 = arith.constant 0 : i32
    %dma_start3A_78 = tpu.memref_slice %arg12[%add3A_74, %dma_start3A_77] : memref<10240x128xf32, #tpu.memory_space<vmem_shared>> -> memref<80x128xf32, #tpu.memory_space<vmem_shared>>
    tpu.enqueue_dma source(%arg11 : memref<80x128xf32, #tpu.memory_space<vmem>>) target(%dma_start3A_78 : memref<80x128xf32, #tpu.memory_space<vmem_shared>>) target_semaphore(%arg16 : memref<!tpu.dma_semaphore, #tpu.memory_space<semaphore_mem>>)
    %mul3A_79 = arith.constant 640 : i32
    %mul3A_80 = arith.muli %arg1, %mul3A_79 : i32
    %add3A_81 = arith.constant 400 : i32
    %add3A_82 = arith.addi %mul3A_80, %add3A_81 : i32
    %dma_start3A_83 = arith.constant 0 : i32
    %dma_start3A_84 = tpu.memref_slice %arg12[%add3A_82, %dma_start3A_83] : memref<10240x128xf32, #tpu.memory_space<vmem_shared>> -> memref<80x128xf32, #tpu.memory_space<vmem_shared>>
    %dma_start3A_85 = arith.constant 0 : i32
    %dma_start3A_86 = tpu.memref_slice %arg12[%add3A_82, %dma_start3A_85] : memref<10240x128xf32, #tpu.memory_space<vmem_shared>> -> memref<80x128xf32, #tpu.memory_space<vmem_shared>>
    tpu.enqueue_dma source(%arg11 : memref<80x128xf32, #tpu.memory_space<vmem>>) target(%dma_start3A_86 : memref<80x128xf32, #tpu.memory_space<vmem_shared>>) target_semaphore(%arg16 : memref<!tpu.dma_semaphore, #tpu.memory_space<semaphore_mem>>)
    %mul3A_87 = arith.constant 640 : i32
    %mul3A_88 = arith.muli %arg1, %mul3A_87 : i32
    %add3A_89 = arith.constant 480 : i32
    %add3A_90 = arith.addi %mul3A_88, %add3A_89 : i32
    %dma_start3A_91 = arith.constant 0 : i32
    %dma_start3A_92 = tpu.memref_slice %arg12[%add3A_90, %dma_start3A_91] : memref<10240x128xf32, #tpu.memory_space<vmem_shared>> -> memref<80x128xf32, #tpu.memory_space<vmem_shared>>
    %dma_start3A_93 = arith.constant 0 : i32
    %dma_start3A_94 = tpu.memref_slice %arg12[%add3A_90, %dma_start3A_93] : memref<10240x128xf32, #tpu.memory_space<vmem_shared>> -> memref<80x128xf32, #tpu.memory_space<vmem_shared>>
    tpu.enqueue_dma source(%arg11 : memref<80x128xf32, #tpu.memory_space<vmem>>) target(%dma_start3A_94 : memref<80x128xf32, #tpu.memory_space<vmem_shared>>) target_semaphore(%arg16 : memref<!tpu.dma_semaphore, #tpu.memory_space<semaphore_mem>>)
    %mul3A_95 = arith.constant 640 : i32
    %mul3A_96 = arith.muli %arg1, %mul3A_95 : i32
    %add3A_97 = arith.constant 560 : i32
    %add3A_98 = arith.addi %mul3A_96, %add3A_97 : i32
    %dma_start3A_99 = arith.constant 0 : i32
    %dma_start3A_100 = tpu.memref_slice %arg12[%add3A_98, %dma_start3A_99] : memref<10240x128xf32, #tpu.memory_space<vmem_shared>> -> memref<80x128xf32, #tpu.memory_space<vmem_shared>>
    %dma_start3A_101 = arith.constant 0 : i32
    %dma_start3A_102 = tpu.memref_slice %arg12[%add3A_98, %dma_start3A_101] : memref<10240x128xf32, #tpu.memory_space<vmem_shared>> -> memref<80x128xf32, #tpu.memory_space<vmem_shared>>
    tpu.enqueue_dma source(%arg11 : memref<80x128xf32, #tpu.memory_space<vmem>>) target(%dma_start3A_102 : memref<80x128xf32, #tpu.memory_space<vmem_shared>>) target_semaphore(%arg16 : memref<!tpu.dma_semaphore, #tpu.memory_space<semaphore_mem>>)
    %dma_start3A_103 = arith.constant 0 : i32
    %dma_start3A_104 = arith.constant 0 : i32
    %dma_start3A_105 = arith.constant 0 : i32
    %dma_start3A_106 = tpu.memref_slice %arg6[%dma_start3A_103, %dma_start3A_104, %dma_start3A_105] : memref<2x16x80xi32, #tpu.memory_space<vmem>> -> memref<1x1x80xi32, #tpu.memory_space<vmem>>
    %dma_start3A_107 = tpu.memref_squeeze %dma_start3A_106 : memref<1x1x80xi32, #tpu.memory_space<vmem>> -> memref<80xi32, #tpu.memory_space<vmem>>
    %dma_start3A_108 = arith.constant 0 : i32
    %dma_start3A_109 = arith.constant 0 : i32
    %dma_start3A_110 = tpu.memref_slice %arg2[%dma_start3A_108, %dma_start3A_109] : memref<10000x128xf32, #tpu.memory_space<hbm>> -> memref<10000x128xf32, #tpu.memory_space<hbm>>
    tpu.enqueue_indirect_dma source(%dma_start3A_110 : memref<10000x128xf32, #tpu.memory_space<hbm>>) target(%arg8 : memref<80x128xf32, #tpu.memory_space<vmem>>) offsets(%dma_start3A_107 : memref<80xi32, #tpu.memory_space<vmem>>) semaphore(%arg13 : memref<!tpu.dma_semaphore, #tpu.memory_space<semaphore_mem>>)
    %dma_start3A_111 = arith.constant 0 : i32
    %dma_start3A_112 = arith.constant 1 : i32
    %dma_start3A_113 = arith.constant 0 : i32
    %dma_start3A_114 = tpu.memref_slice %arg6[%dma_start3A_111, %dma_start3A_112, %dma_start3A_113] : memref<2x16x80xi32, #tpu.memory_space<vmem>> -> memref<1x1x80xi32, #tpu.memory_space<vmem>>
    %dma_start3A_115 = tpu.memref_squeeze %dma_start3A_114 : memref<1x1x80xi32, #tpu.memory_space<vmem>> -> memref<80xi32, #tpu.memory_space<vmem>>
    %dma_start3A_116 = arith.constant 0 : i32
    %dma_start3A_117 = arith.constant 0 : i32
    %dma_start3A_118 = tpu.memref_slice %arg2[%dma_start3A_116, %dma_start3A_117] : memref<10000x128xf32, #tpu.memory_space<hbm>> -> memref<10000x128xf32, #tpu.memory_space<hbm>>
    tpu.enqueue_indirect_dma source(%dma_start3A_118 : memref<10000x128xf32, #tpu.memory_space<hbm>>) target(%arg9 : memref<80x128xf32, #tpu.memory_space<vmem>>) offsets(%dma_start3A_115 : memref<80xi32, #tpu.memory_space<vmem>>) semaphore(%arg14 : memref<!tpu.dma_semaphore, #tpu.memory_space<semaphore_mem>>)
    %dma_start3A_119 = arith.constant 0 : i32
    %dma_start3A_120 = arith.constant 2 : i32
    %dma_start3A_121 = arith.constant 0 : i32
    %dma_start3A_122 = tpu.memref_slice %arg6[%dma_start3A_119, %dma_start3A_120, %dma_start3A_121] : memref<2x16x80xi32, #tpu.memory_space<vmem>> -> memref<1x1x80xi32, #tpu.memory_space<vmem>>
    %dma_start3A_123 = tpu.memref_squeeze %dma_start3A_122 : memref<1x1x80xi32, #tpu.memory_space<vmem>> -> memref<80xi32, #tpu.memory_space<vmem>>
    %dma_start3A_124 = arith.constant 0 : i32
    %dma_start3A_125 = arith.constant 0 : i32
    %dma_start3A_126 = tpu.memref_slice %arg2[%dma_start3A_124, %dma_start3A_125] : memref<10000x128xf32, #tpu.memory_space<hbm>> -> memref<10000x128xf32, #tpu.memory_space<hbm>>
    tpu.enqueue_indirect_dma source(%dma_start3A_126 : memref<10000x128xf32, #tpu.memory_space<hbm>>) target(%arg10 : memref<80x128xf32, #tpu.memory_space<vmem>>) offsets(%dma_start3A_123 : memref<80xi32, #tpu.memory_space<vmem>>) semaphore(%arg15 : memref<!tpu.dma_semaphore, #tpu.memory_space<semaphore_mem>>)
    %mul3A_127 = arith.constant 640 : i32
    %mul3A_128 = arith.muli %arg1, %mul3A_127 : i32
    %add3A_129 = arith.constant 0 : i32
    %add3A_130 = arith.addi %mul3A_128, %add3A_129 : i32
    %dma_wait3A = arith.constant 0 : i32
    %dma_wait3A_131 = tpu.memref_slice %arg12[%add3A_130, %dma_wait3A] : memref<10240x128xf32, #tpu.memory_space<vmem_shared>> -> memref<80x128xf32, #tpu.memory_space<vmem_shared>>
    %dma_wait3A_132 = arith.constant 0 : i32
    %dma_wait3A_133 = tpu.memref_slice %arg12[%add3A_130, %dma_wait3A_132] : memref<10240x128xf32, #tpu.memory_space<vmem_shared>> -> memref<80x128xf32, #tpu.memory_space<vmem_shared>>
    tpu.wait_dma2 semaphore(%arg16 : memref<!tpu.dma_semaphore, #tpu.memory_space<semaphore_mem>>) src(%arg11 : memref<80x128xf32, #tpu.memory_space<vmem>>) dst(%dma_wait3A_133 : memref<80x128xf32, #tpu.memory_space<vmem_shared>>)
    %mul3A_134 = arith.constant 640 : i32
    %mul3A_135 = arith.muli %arg1, %mul3A_134 : i32
    %add3A_136 = arith.constant 80 : i32
    %add3A_137 = arith.addi %mul3A_135, %add3A_136 : i32
    %dma_wait3A_138 = arith.constant 0 : i32
    %dma_wait3A_139 = tpu.memref_slice %arg12[%add3A_137, %dma_wait3A_138] : memref<10240x128xf32, #tpu.memory_space<vmem_shared>> -> memref<80x128xf32, #tpu.memory_space<vmem_shared>>
    %dma_wait3A_140 = arith.constant 0 : i32
    %dma_wait3A_141 = tpu.memref_slice %arg12[%add3A_137, %dma_wait3A_140] : memref<10240x128xf32, #tpu.memory_space<vmem_shared>> -> memref<80x128xf32, #tpu.memory_space<vmem_shared>>
    tpu.wait_dma2 semaphore(%arg16 : memref<!tpu.dma_semaphore, #tpu.memory_space<semaphore_mem>>) src(%arg11 : memref<80x128xf32, #tpu.memory_space<vmem>>) dst(%dma_wait3A_141 : memref<80x128xf32, #tpu.memory_space<vmem_shared>>)
    %mul3A_142 = arith.constant 640 : i32
    %mul3A_143 = arith.muli %arg1, %mul3A_142 : i32
    %add3A_144 = arith.constant 160 : i32
    %add3A_145 = arith.addi %mul3A_143, %add3A_144 : i32
    %dma_wait3A_146 = arith.constant 0 : i32
    %dma_wait3A_147 = tpu.memref_slice %arg12[%add3A_145, %dma_wait3A_146] : memref<10240x128xf32, #tpu.memory_space<vmem_shared>> -> memref<80x128xf32, #tpu.memory_space<vmem_shared>>
    %dma_wait3A_148 = arith.constant 0 : i32
    %dma_wait3A_149 = tpu.memref_slice %arg12[%add3A_145, %dma_wait3A_148] : memref<10240x128xf32, #tpu.memory_space<vmem_shared>> -> memref<80x128xf32, #tpu.memory_space<vmem_shared>>
    tpu.wait_dma2 semaphore(%arg16 : memref<!tpu.dma_semaphore, #tpu.memory_space<semaphore_mem>>) src(%arg11 : memref<80x128xf32, #tpu.memory_space<vmem>>) dst(%dma_wait3A_149 : memref<80x128xf32, #tpu.memory_space<vmem_shared>>)
    %mul3A_150 = arith.constant 640 : i32
    %mul3A_151 = arith.muli %arg1, %mul3A_150 : i32
    %add3A_152 = arith.constant 240 : i32
    %add3A_153 = arith.addi %mul3A_151, %add3A_152 : i32
    %dma_wait3A_154 = arith.constant 0 : i32
    %dma_wait3A_155 = tpu.memref_slice %arg12[%add3A_153, %dma_wait3A_154] : memref<10240x128xf32, #tpu.memory_space<vmem_shared>> -> memref<80x128xf32, #tpu.memory_space<vmem_shared>>
    %dma_wait3A_156 = arith.constant 0 : i32
    %dma_wait3A_157 = tpu.memref_slice %arg12[%add3A_153, %dma_wait3A_156] : memref<10240x128xf32, #tpu.memory_space<vmem_shared>> -> memref<80x128xf32, #tpu.memory_space<vmem_shared>>
    tpu.wait_dma2 semaphore(%arg16 : memref<!tpu.dma_semaphore, #tpu.memory_space<semaphore_mem>>) src(%arg11 : memref<80x128xf32, #tpu.memory_space<vmem>>) dst(%dma_wait3A_157 : memref<80x128xf32, #tpu.memory_space<vmem_shared>>)
    %mul3A_158 = arith.constant 640 : i32
    %mul3A_159 = arith.muli %arg1, %mul3A_158 : i32
    %add3A_160 = arith.constant 320 : i32
    %add3A_161 = arith.addi %mul3A_159, %add3A_160 : i32
    %dma_wait3A_162 = arith.constant 0 : i32
    %dma_wait3A_163 = tpu.memref_slice %arg12[%add3A_161, %dma_wait3A_162] : memref<10240x128xf32, #tpu.memory_space<vmem_shared>> -> memref<80x128xf32, #tpu.memory_space<vmem_shared>>
    %dma_wait3A_164 = arith.constant 0 : i32
    %dma_wait3A_165 = tpu.memref_slice %arg12[%add3A_161, %dma_wait3A_164] : memref<10240x128xf32, #tpu.memory_space<vmem_shared>> -> memref<80x128xf32, #tpu.memory_space<vmem_shared>>
    tpu.wait_dma2 semaphore(%arg16 : memref<!tpu.dma_semaphore, #tpu.memory_space<semaphore_mem>>) src(%arg11 : memref<80x128xf32, #tpu.memory_space<vmem>>) dst(%dma_wait3A_165 : memref<80x128xf32, #tpu.memory_space<vmem_shared>>)
    %mul3A_166 = arith.constant 640 : i32
    %mul3A_167 = arith.muli %arg1, %mul3A_166 : i32
    %add3A_168 = arith.constant 400 : i32
    %add3A_169 = arith.addi %mul3A_167, %add3A_168 : i32
    %dma_wait3A_170 = arith.constant 0 : i32
    %dma_wait3A_171 = tpu.memref_slice %arg12[%add3A_169, %dma_wait3A_170] : memref<10240x128xf32, #tpu.memory_space<vmem_shared>> -> memref<80x128xf32, #tpu.memory_space<vmem_shared>>
    %dma_wait3A_172 = arith.constant 0 : i32
    %dma_wait3A_173 = tpu.memref_slice %arg12[%add3A_169, %dma_wait3A_172] : memref<10240x128xf32, #tpu.memory_space<vmem_shared>> -> memref<80x128xf32, #tpu.memory_space<vmem_shared>>
    tpu.wait_dma2 semaphore(%arg16 : memref<!tpu.dma_semaphore, #tpu.memory_space<semaphore_mem>>) src(%arg11 : memref<80x128xf32, #tpu.memory_space<vmem>>) dst(%dma_wait3A_173 : memref<80x128xf32, #tpu.memory_space<vmem_shared>>)
    %mul3A_174 = arith.constant 640 : i32
    %mul3A_175 = arith.muli %arg1, %mul3A_174 : i32
    %add3A_176 = arith.constant 480 : i32
    %add3A_177 = arith.addi %mul3A_175, %add3A_176 : i32
    %dma_wait3A_178 = arith.constant 0 : i32
    %dma_wait3A_179 = tpu.memref_slice %arg12[%add3A_177, %dma_wait3A_178] : memref<10240x128xf32, #tpu.memory_space<vmem_shared>> -> memref<80x128xf32, #tpu.memory_space<vmem_shared>>
    %dma_wait3A_180 = arith.constant 0 : i32
    %dma_wait3A_181 = tpu.memref_slice %arg12[%add3A_177, %dma_wait3A_180] : memref<10240x128xf32, #tpu.memory_space<vmem_shared>> -> memref<80x128xf32, #tpu.memory_space<vmem_shared>>
    tpu.wait_dma2 semaphore(%arg16 : memref<!tpu.dma_semaphore, #tpu.memory_space<semaphore_mem>>) src(%arg11 : memref<80x128xf32, #tpu.memory_space<vmem>>) dst(%dma_wait3A_181 : memref<80x128xf32, #tpu.memory_space<vmem_shared>>)
    %mul3A_182 = arith.constant 640 : i32
    %mul3A_183 = arith.muli %arg1, %mul3A_182 : i32
    %add3A_184 = arith.constant 560 : i32
    %add3A_185 = arith.addi %mul3A_183, %add3A_184 : i32
    %dma_wait3A_186 = arith.constant 0 : i32
    %dma_wait3A_187 = tpu.memref_slice %arg12[%add3A_185, %dma_wait3A_186] : memref<10240x128xf32, #tpu.memory_space<vmem_shared>> -> memref<80x128xf32, #tpu.memory_space<vmem_shared>>
    %dma_wait3A_188 = arith.constant 0 : i32
    %dma_wait3A_189 = tpu.memref_slice %arg12[%add3A_185, %dma_wait3A_188] : memref<10240x128xf32, #tpu.memory_space<vmem_shared>> -> memref<80x128xf32, #tpu.memory_space<vmem_shared>>
    tpu.wait_dma2 semaphore(%arg16 : memref<!tpu.dma_semaphore, #tpu.memory_space<semaphore_mem>>) src(%arg11 : memref<80x128xf32, #tpu.memory_space<vmem>>) dst(%dma_wait3A_189 : memref<80x128xf32, #tpu.memory_space<vmem_shared>>)
    %dma_start3A_190 = arith.constant 0 : i32
    %dma_start3A_191 = arith.constant 3 : i32
    %dma_start3A_192 = arith.constant 0 : i32
    %dma_start3A_193 = tpu.memref_slice %arg6[%dma_start3A_190, %dma_start3A_191, %dma_start3A_192] : memref<2x16x80xi32, #tpu.memory_space<vmem>> -> memref<1x1x80xi32, #tpu.memory_space<vmem>>
    %dma_start3A_194 = tpu.memref_squeeze %dma_start3A_193 : memref<1x1x80xi32, #tpu.memory_space<vmem>> -> memref<80xi32, #tpu.memory_space<vmem>>
    %dma_start3A_195 = arith.constant 0 : i32
    %dma_start3A_196 = arith.constant 0 : i32
    %dma_start3A_197 = tpu.memref_slice %arg2[%dma_start3A_195, %dma_start3A_196] : memref<10000x128xf32, #tpu.memory_space<hbm>> -> memref<10000x128xf32, #tpu.memory_space<hbm>>
    tpu.enqueue_indirect_dma source(%dma_start3A_197 : memref<10000x128xf32, #tpu.memory_space<hbm>>) target(%arg11 : memref<80x128xf32, #tpu.memory_space<vmem>>) offsets(%dma_start3A_194 : memref<80xi32, #tpu.memory_space<vmem>>) semaphore(%arg16 : memref<!tpu.dma_semaphore, #tpu.memory_space<semaphore_mem>>)
    %barrier3A = arith.constant 0 : index
    tpu.barrier barrier_id(%barrier3A)
    %scan3A_198 = arith.constant 0 : i32
    %scan3A_199 = arith.constant 31 : i32
    %scan3A_200 = arith.addi %scan3A_198, %scan3A_199 : i32
    %scan3A_201 = arith.constant 1 : i32
    scf.for %scan3A_361 = %scan3A_198 to %scan3A_200 step %scan3A_201  : i32 {
      %mul3A_362 = arith.constant 1 : i32
      %mul3A_363 = arith.muli %scan3A_361, %mul3A_362 : i32
      %add3A_364 = arith.constant 0 : i32
      %add3A_365 = arith.addi %add3A_364, %mul3A_363 : i32
      %mul3A_366 = arith.constant 4 : i32
      %mul3A_367 = arith.muli %mul3A_366, %add3A_365 : i32
      %add3A_368 = arith.constant 0 : i32
      %add3A_369 = arith.addi %mul3A_367, %add3A_368 : i32
      %div3A = arith.constant 8 : i32
      %div3A_370 = arith.divsi %add3A_369, %div3A : i32
      %rem3A_371 = arith.constant 2 : i32
      %rem3A_372 = arith.remsi %div3A_370, %rem3A_371 : i32
      %rem3A_373 = arith.constant 8 : i32
      %rem3A_374 = arith.remsi %add3A_369, %rem3A_373 : i32
      %eq3A = arith.constant 0 : i32
      %eq3A_375 = arith.cmpi eq, %rem3A_374, %eq3A : i32
      %convert_element_type3A = arith.extui %eq3A_375 : i1 to i32
      %cond3A = arith.constant 0 : i32
      %cond3A_376 = arith.cmpi ne, %convert_element_type3A, %cond3A : i32
      scf.if %cond3A_376 {
        %multiple_of3A = tpu.assume_multiple %add3A_369, 8 : i32
        %dma_wait3A_615 = arith.constant 0 : i32
        %dma_wait3A_616 = arith.constant 0 : i32
        %dma_wait3A_617 = tpu.memref_slice %arg7[%rem3A_372, %dma_wait3A_615, %dma_wait3A_616] : memref<2x8x80xi32, #tpu.memory_space<vmem>> -> memref<1x8x80xi32, #tpu.memory_space<vmem>>
        %dma_wait3A_618 = tpu.memref_squeeze %dma_wait3A_617 : memref<1x8x80xi32, #tpu.memory_space<vmem>> -> memref<8x80xi32, #tpu.memory_space<vmem>>
        %dma_wait3A_619 = arith.constant 0 : i32
        %dma_wait3A_620 = tpu.memref_slice %arg4[%add3A, %multiple_of3A, %dma_wait3A_619] : memref<32x125x80xi32, #tpu.memory_space<hbm>> -> memref<1x8x80xi32, #tpu.memory_space<hbm>>
        %dma_wait3A_621 = tpu.memref_squeeze %dma_wait3A_620 : memref<1x8x80xi32, #tpu.memory_space<hbm>> -> memref<8x80xi32, #tpu.memory_space<hbm>>
        %dma_wait3A_622 = arith.constant 0 : i32
        %dma_wait3A_623 = arith.constant 0 : i32
        %dma_wait3A_624 = tpu.memref_slice %arg7[%rem3A_372, %dma_wait3A_622, %dma_wait3A_623] : memref<2x8x80xi32, #tpu.memory_space<vmem>> -> memref<1x8x80xi32, #tpu.memory_space<vmem>>
        %dma_wait3A_625 = tpu.memref_squeeze %dma_wait3A_624 : memref<1x8x80xi32, #tpu.memory_space<vmem>> -> memref<8x80xi32, #tpu.memory_space<vmem>>
        %dma_wait3A_626 = arith.constant 0 : i32
        %dma_wait3A_627 = tpu.memref_slice %arg4[%add3A, %multiple_of3A, %dma_wait3A_626] : memref<32x125x80xi32, #tpu.memory_space<hbm>> -> memref<1x8x80xi32, #tpu.memory_space<hbm>>
        %dma_wait3A_628 = tpu.memref_squeeze %dma_wait3A_627 : memref<1x8x80xi32, #tpu.memory_space<hbm>> -> memref<8x80xi32, #tpu.memory_space<hbm>>
        tpu.wait_dma2 semaphore(%arg18 : memref<!tpu.dma_semaphore, #tpu.memory_space<semaphore_mem>>) src(%dma_wait3A_628 : memref<8x80xi32, #tpu.memory_space<hbm>>) dst(%dma_wait3A_625 : memref<8x80xi32, #tpu.memory_space<vmem>>)
        %add3A_629 = arith.constant 8 : i32
        %add3A_630 = arith.addi %add3A_369, %add3A_629 : i32
        %lt3A_631 = arith.constant 125 : i32
        %lt3A_632 = arith.cmpi slt, %add3A_630, %lt3A_631 : i32
        %convert_element_type3A_633 = arith.extui %lt3A_632 : i1 to i32
        %cond3A_634 = arith.constant 0 : i32
        %cond3A_635 = arith.cmpi ne, %convert_element_type3A_633, %cond3A_634 : i32
        scf.if %cond3A_635 {
          %add3A_636 = arith.constant 8 : i32
          %add3A_637 = arith.addi %multiple_of3A, %add3A_636 : i32
          %sub3A_638 = arith.constant 1 : i32
          %sub3A_639 = arith.subi %sub3A_638, %rem3A_372 : i32
          %dma_start3A_640 = arith.constant 0 : i32
          %dma_start3A_641 = arith.constant 0 : i32
          %dma_start3A_642 = tpu.memref_slice %arg7[%sub3A_639, %dma_start3A_640, %dma_start3A_641] : memref<2x8x80xi32, #tpu.memory_space<vmem>> -> memref<1x8x80xi32, #tpu.memory_space<vmem>>
          %dma_start3A_643 = tpu.memref_squeeze %dma_start3A_642 : memref<1x8x80xi32, #tpu.memory_space<vmem>> -> memref<8x80xi32, #tpu.memory_space<vmem>>
          %dma_start3A_644 = arith.constant 0 : i32
          %dma_start3A_645 = tpu.memref_slice %arg4[%add3A, %add3A_637, %dma_start3A_644] : memref<32x125x80xi32, #tpu.memory_space<hbm>> -> memref<1x8x80xi32, #tpu.memory_space<hbm>>
          %dma_start3A_646 = tpu.memref_squeeze %dma_start3A_645 : memref<1x8x80xi32, #tpu.memory_space<hbm>> -> memref<8x80xi32, #tpu.memory_space<hbm>>
          %dma_start3A_647 = arith.constant 0 : i32
          %dma_start3A_648 = arith.constant 0 : i32
          %dma_start3A_649 = tpu.memref_slice %arg7[%sub3A_639, %dma_start3A_647, %dma_start3A_648] : memref<2x8x80xi32, #tpu.memory_space<vmem>> -> memref<1x8x80xi32, #tpu.memory_space<vmem>>
          %dma_start3A_650 = tpu.memref_squeeze %dma_start3A_649 : memref<1x8x80xi32, #tpu.memory_space<vmem>> -> memref<8x80xi32, #tpu.memory_space<vmem>>
          %dma_start3A_651 = arith.constant 0 : i32
          %dma_start3A_652 = tpu.memref_slice %arg4[%add3A, %add3A_637, %dma_start3A_651] : memref<32x125x80xi32, #tpu.memory_space<hbm>> -> memref<1x8x80xi32, #tpu.memory_space<hbm>>
          %dma_start3A_653 = tpu.memref_squeeze %dma_start3A_652 : memref<1x8x80xi32, #tpu.memory_space<hbm>> -> memref<8x80xi32, #tpu.memory_space<hbm>>
          tpu.enqueue_dma source(%dma_start3A_653 : memref<8x80xi32, #tpu.memory_space<hbm>>) target(%dma_start3A_650 : memref<8x80xi32, #tpu.memory_space<vmem>>) target_semaphore(%arg18 : memref<!tpu.dma_semaphore, #tpu.memory_space<semaphore_mem>>)
        } else {
        }
      } else {
      }
      %add3A_377 = arith.constant 4 : i32
      %add3A_378 = arith.addi %add3A_369, %add3A_377 : i32
      %div3A_379 = arith.constant 16 : i32
      %div3A_380 = arith.divsi %add3A_378, %div3A_379 : i32
      %rem3A_381 = arith.constant 2 : i32
      %rem3A_382 = arith.remsi %div3A_380, %rem3A_381 : i32
      %rem3A_383 = arith.constant 16 : i32
      %rem3A_384 = arith.remsi %add3A_378, %rem3A_383 : i32
      %eq3A_385 = arith.constant 0 : i32
      %eq3A_386 = arith.cmpi eq, %rem3A_384, %eq3A_385 : i32
      %lt3A = arith.constant 125 : i32
      %lt3A_387 = arith.cmpi slt, %add3A_378, %lt3A : i32
      %and3A = arith.andi %eq3A_386, %lt3A_387 : i1
      %convert_element_type3A_388 = arith.extui %and3A : i1 to i32
      %cond3A_389 = arith.constant 0 : i32
      %cond3A_390 = arith.cmpi ne, %convert_element_type3A_388, %cond3A_389 : i32
      scf.if %cond3A_390 {
        %multiple_of3A = tpu.assume_multiple %add3A_378, 16 : i32
        %dma_wait3A_615 = arith.constant 0 : i32
        %dma_wait3A_616 = arith.constant 0 : i32
        %dma_wait3A_617 = tpu.memref_slice %arg6[%rem3A_382, %dma_wait3A_615, %dma_wait3A_616] : memref<2x16x80xi32, #tpu.memory_space<vmem>> -> memref<1x16x80xi32, #tpu.memory_space<vmem>>
        %dma_wait3A_618 = tpu.memref_squeeze %dma_wait3A_617 : memref<1x16x80xi32, #tpu.memory_space<vmem>> -> memref<16x80xi32, #tpu.memory_space<vmem>>
        %dma_wait3A_619 = arith.constant 0 : i32
        %dma_wait3A_620 = tpu.memref_slice %arg3[%add3A, %multiple_of3A, %dma_wait3A_619] : memref<32x125x80xi32, #tpu.memory_space<hbm>> -> memref<1x16x80xi32, #tpu.memory_space<hbm>>
        %dma_wait3A_621 = tpu.memref_squeeze %dma_wait3A_620 : memref<1x16x80xi32, #tpu.memory_space<hbm>> -> memref<16x80xi32, #tpu.memory_space<hbm>>
        %dma_wait3A_622 = arith.constant 0 : i32
        %dma_wait3A_623 = arith.constant 0 : i32
        %dma_wait3A_624 = tpu.memref_slice %arg6[%rem3A_382, %dma_wait3A_622, %dma_wait3A_623] : memref<2x16x80xi32, #tpu.memory_space<vmem>> -> memref<1x16x80xi32, #tpu.memory_space<vmem>>
        %dma_wait3A_625 = tpu.memref_squeeze %dma_wait3A_624 : memref<1x16x80xi32, #tpu.memory_space<vmem>> -> memref<16x80xi32, #tpu.memory_space<vmem>>
        %dma_wait3A_626 = arith.constant 0 : i32
        %dma_wait3A_627 = tpu.memref_slice %arg3[%add3A, %multiple_of3A, %dma_wait3A_626] : memref<32x125x80xi32, #tpu.memory_space<hbm>> -> memref<1x16x80xi32, #tpu.memory_space<hbm>>
        %dma_wait3A_628 = tpu.memref_squeeze %dma_wait3A_627 : memref<1x16x80xi32, #tpu.memory_space<hbm>> -> memref<16x80xi32, #tpu.memory_space<hbm>>
        tpu.wait_dma2 semaphore(%arg17 : memref<!tpu.dma_semaphore, #tpu.memory_space<semaphore_mem>>) src(%dma_wait3A_628 : memref<16x80xi32, #tpu.memory_space<hbm>>) dst(%dma_wait3A_625 : memref<16x80xi32, #tpu.memory_space<vmem>>)
      } else {
      }
      %rem3A_391 = arith.constant 16 : i32
      %rem3A_392 = arith.remsi %add3A_378, %rem3A_391 : i32
      %eq3A_393 = arith.constant 4 : i32
      %eq3A_394 = arith.cmpi eq, %rem3A_392, %eq3A_393 : i32
      %sub3A = arith.constant 4 : i32
      %sub3A_395 = arith.subi %add3A_378, %sub3A : i32
      %add3A_396 = arith.constant 16 : i32
      %add3A_397 = arith.addi %sub3A_395, %add3A_396 : i32
      %lt3A_398 = arith.constant 125 : i32
      %lt3A_399 = arith.cmpi slt, %add3A_397, %lt3A_398 : i32
      %and3A_400 = arith.andi %eq3A_394, %lt3A_399 : i1
      %convert_element_type3A_401 = arith.extui %and3A_400 : i1 to i32
      %cond3A_402 = arith.constant 0 : i32
      %cond3A_403 = arith.cmpi ne, %convert_element_type3A_401, %cond3A_402 : i32
      scf.if %cond3A_403 {
        %sub3A_615 = arith.constant 4 : i32
        %sub3A_616 = arith.subi %add3A_378, %sub3A_615 : i32
        %multiple_of3A = tpu.assume_multiple %sub3A_616, 16 : i32
        %add3A_617 = arith.constant 16 : i32
        %add3A_618 = arith.addi %multiple_of3A, %add3A_617 : i32
        %sub3A_619 = arith.constant 1 : i32
        %sub3A_620 = arith.subi %sub3A_619, %rem3A_382 : i32
        %dma_start3A_621 = arith.constant 0 : i32
        %dma_start3A_622 = arith.constant 0 : i32
        %dma_start3A_623 = tpu.memref_slice %arg6[%sub3A_620, %dma_start3A_621, %dma_start3A_622] : memref<2x16x80xi32, #tpu.memory_space<vmem>> -> memref<1x16x80xi32, #tpu.memory_space<vmem>>
        %dma_start3A_624 = tpu.memref_squeeze %dma_start3A_623 : memref<1x16x80xi32, #tpu.memory_space<vmem>> -> memref<16x80xi32, #tpu.memory_space<vmem>>
        %dma_start3A_625 = arith.constant 0 : i32
        %dma_start3A_626 = tpu.memref_slice %arg3[%add3A, %add3A_618, %dma_start3A_625] : memref<32x125x80xi32, #tpu.memory_space<hbm>> -> memref<1x16x80xi32, #tpu.memory_space<hbm>>
        %dma_start3A_627 = tpu.memref_squeeze %dma_start3A_626 : memref<1x16x80xi32, #tpu.memory_space<hbm>> -> memref<16x80xi32, #tpu.memory_space<hbm>>
        %dma_start3A_628 = arith.constant 0 : i32
        %dma_start3A_629 = arith.constant 0 : i32
        %dma_start3A_630 = tpu.memref_slice %arg6[%sub3A_620, %dma_start3A_628, %dma_start3A_629] : memref<2x16x80xi32, #tpu.memory_space<vmem>> -> memref<1x16x80xi32, #tpu.memory_space<vmem>>
        %dma_start3A_631 = tpu.memref_squeeze %dma_start3A_630 : memref<1x16x80xi32, #tpu.memory_space<vmem>> -> memref<16x80xi32, #tpu.memory_space<vmem>>
        %dma_start3A_632 = arith.constant 0 : i32
        %dma_start3A_633 = tpu.memref_slice %arg3[%add3A, %add3A_618, %dma_start3A_632] : memref<32x125x80xi32, #tpu.memory_space<hbm>> -> memref<1x16x80xi32, #tpu.memory_space<hbm>>
        %dma_start3A_634 = tpu.memref_squeeze %dma_start3A_633 : memref<1x16x80xi32, #tpu.memory_space<hbm>> -> memref<16x80xi32, #tpu.memory_space<hbm>>
        tpu.enqueue_dma source(%dma_start3A_634 : memref<16x80xi32, #tpu.memory_space<hbm>>) target(%dma_start3A_631 : memref<16x80xi32, #tpu.memory_space<vmem>>) target_semaphore(%arg17 : memref<!tpu.dma_semaphore, #tpu.memory_space<semaphore_mem>>)
      } else {
      }
      %div3A_404 = arith.constant 16 : i32
      %div3A_405 = arith.divsi %add3A_369, %div3A_404 : i32
      %rem3A_406 = arith.constant 2 : i32
      %rem3A_407 = arith.remsi %div3A_405, %rem3A_406 : i32
      %rem3A_408 = arith.constant 16 : i32
      %rem3A_409 = arith.remsi %add3A_369, %rem3A_408 : i32
      %dma_wait3A_410 = arith.constant 0 : i32
      %dma_wait3A_411 = tpu.memref_slice %arg6[%rem3A_407, %rem3A_409, %dma_wait3A_410] : memref<2x16x80xi32, #tpu.memory_space<vmem>> -> memref<1x1x80xi32, #tpu.memory_space<vmem>>
      %dma_wait3A_412 = tpu.memref_squeeze %dma_wait3A_411 : memref<1x1x80xi32, #tpu.memory_space<vmem>> -> memref<80xi32, #tpu.memory_space<vmem>>
      %dma_wait3A_413 = arith.constant 0 : i32
      %dma_wait3A_414 = arith.constant 0 : i32
      %dma_wait3A_415 = tpu.memref_slice %arg2[%dma_wait3A_413, %dma_wait3A_414] : memref<10000x128xf32, #tpu.memory_space<hbm>> -> memref<10000x128xf32, #tpu.memory_space<hbm>>
      tpu.wait_indirect_dma semaphore(%arg13 : memref<!tpu.dma_semaphore, #tpu.memory_space<semaphore_mem>>) src(%dma_wait3A_415 : memref<10000x128xf32, #tpu.memory_space<hbm>>) dst(%arg8 : memref<80x128xf32, #tpu.memory_space<vmem>>)
      %rem3A_416 = arith.constant 8 : i32
      %rem3A_417 = arith.remsi %add3A_369, %rem3A_416 : i32
      "tpu.region"() ({
        %run_scoped3A_615 = tpu.sem_alloc : memref<!tpu.dma_semaphore, #tpu.memory_space<semaphore_mem>>
        %dma_start3A_616 = arith.constant 0 : i32
        %dma_start3A_617 = tpu.memref_slice %arg7[%rem3A_372, %rem3A_417, %dma_start3A_616] : memref<2x8x80xi32, #tpu.memory_space<vmem>> -> memref<1x1x80xi32, #tpu.memory_space<vmem>>
        %dma_start3A_618 = tpu.memref_squeeze %dma_start3A_617 : memref<1x1x80xi32, #tpu.memory_space<vmem>> -> memref<80xi32, #tpu.memory_space<vmem>>
        %dma_start3A_619 = arith.constant 0 : i32
        %dma_start3A_620 = arith.constant 0 : i32
        %dma_start3A_621 = tpu.memref_slice %arg12[%dma_start3A_619, %dma_start3A_620] : memref<10240x128xf32, #tpu.memory_space<vmem_shared>> -> memref<10240x128xf32, #tpu.memory_space<vmem_shared>>
        tpu.enqueue_indirect_dma source(%arg8 : memref<80x128xf32, #tpu.memory_space<vmem>>) target(%dma_start3A_621 : memref<10240x128xf32, #tpu.memory_space<vmem_shared>>) offsets(%dma_start3A_618 : memref<80xi32, #tpu.memory_space<vmem>>) semaphore(%run_scoped3A_615 : memref<!tpu.dma_semaphore, #tpu.memory_space<semaphore_mem>>) {add = true}
        %dma_wait3A_622 = arith.constant 0 : i32
        %dma_wait3A_623 = tpu.memref_slice %arg7[%rem3A_372, %rem3A_417, %dma_wait3A_622] : memref<2x8x80xi32, #tpu.memory_space<vmem>> -> memref<1x1x80xi32, #tpu.memory_space<vmem>>
        %dma_wait3A_624 = tpu.memref_squeeze %dma_wait3A_623 : memref<1x1x80xi32, #tpu.memory_space<vmem>> -> memref<80xi32, #tpu.memory_space<vmem>>
        %dma_wait3A_625 = arith.constant 0 : i32
        %dma_wait3A_626 = arith.constant 0 : i32
        %dma_wait3A_627 = tpu.memref_slice %arg12[%dma_wait3A_625, %dma_wait3A_626] : memref<10240x128xf32, #tpu.memory_space<vmem_shared>> -> memref<10240x128xf32, #tpu.memory_space<vmem_shared>>
        tpu.wait_indirect_dma semaphore(%run_scoped3A_615 : memref<!tpu.dma_semaphore, #tpu.memory_space<semaphore_mem>>) src(%arg8 : memref<80x128xf32, #tpu.memory_space<vmem>>) dst(%dma_wait3A_627 : memref<10240x128xf32, #tpu.memory_space<vmem_shared>>)
        tpu.yield
      }) : () -> ()
      %lt3A_418 = arith.constant 125 : i32
      %lt3A_419 = arith.cmpi slt, %add3A_378, %lt3A_418 : i32
      %convert_element_type3A_420 = arith.extui %lt3A_419 : i1 to i32
      %cond3A_421 = arith.constant 0 : i32
      %cond3A_422 = arith.cmpi ne, %convert_element_type3A_420, %cond3A_421 : i32
      scf.if %cond3A_422 {
        %rem3A_615 = arith.constant 16 : i32
        %rem3A_616 = arith.remsi %add3A_378, %rem3A_615 : i32
        %dma_start3A_617 = arith.constant 0 : i32
        %dma_start3A_618 = tpu.memref_slice %arg6[%rem3A_382, %rem3A_616, %dma_start3A_617] : memref<2x16x80xi32, #tpu.memory_space<vmem>> -> memref<1x1x80xi32, #tpu.memory_space<vmem>>
        %dma_start3A_619 = tpu.memref_squeeze %dma_start3A_618 : memref<1x1x80xi32, #tpu.memory_space<vmem>> -> memref<80xi32, #tpu.memory_space<vmem>>
        %dma_start3A_620 = arith.constant 0 : i32
        %dma_start3A_621 = arith.constant 0 : i32
        %dma_start3A_622 = tpu.memref_slice %arg2[%dma_start3A_620, %dma_start3A_621] : memref<10000x128xf32, #tpu.memory_space<hbm>> -> memref<10000x128xf32, #tpu.memory_space<hbm>>
        tpu.enqueue_indirect_dma source(%dma_start3A_622 : memref<10000x128xf32, #tpu.memory_space<hbm>>) target(%arg8 : memref<80x128xf32, #tpu.memory_space<vmem>>) offsets(%dma_start3A_619 : memref<80xi32, #tpu.memory_space<vmem>>) semaphore(%arg13 : memref<!tpu.dma_semaphore, #tpu.memory_space<semaphore_mem>>)
      } else {
      }
      %mul3A_423 = arith.constant 4 : i32
      %mul3A_424 = arith.muli %mul3A_423, %add3A_365 : i32
      %add3A_425 = arith.constant 1 : i32
      %add3A_426 = arith.addi %mul3A_424, %add3A_425 : i32
      %div3A_427 = arith.constant 8 : i32
      %div3A_428 = arith.divsi %add3A_426, %div3A_427 : i32
      %rem3A_429 = arith.constant 2 : i32
      %rem3A_430 = arith.remsi %div3A_428, %rem3A_429 : i32
      %rem3A_431 = arith.constant 8 : i32
      %rem3A_432 = arith.remsi %add3A_426, %rem3A_431 : i32
      %eq3A_433 = arith.constant 0 : i32
      %eq3A_434 = arith.cmpi eq, %rem3A_432, %eq3A_433 : i32
      %convert_element_type3A_435 = arith.extui %eq3A_434 : i1 to i32
      %cond3A_436 = arith.constant 0 : i32
      %cond3A_437 = arith.cmpi ne, %convert_element_type3A_435, %cond3A_436 : i32
      scf.if %cond3A_437 {
        %multiple_of3A = tpu.assume_multiple %add3A_426, 8 : i32
        %dma_wait3A_615 = arith.constant 0 : i32
        %dma_wait3A_616 = arith.constant 0 : i32
        %dma_wait3A_617 = tpu.memref_slice %arg7[%rem3A_430, %dma_wait3A_615, %dma_wait3A_616] : memref<2x8x80xi32, #tpu.memory_space<vmem>> -> memref<1x8x80xi32, #tpu.memory_space<vmem>>
        %dma_wait3A_618 = tpu.memref_squeeze %dma_wait3A_617 : memref<1x8x80xi32, #tpu.memory_space<vmem>> -> memref<8x80xi32, #tpu.memory_space<vmem>>
        %dma_wait3A_619 = arith.constant 0 : i32
        %dma_wait3A_620 = tpu.memref_slice %arg4[%add3A, %multiple_of3A, %dma_wait3A_619] : memref<32x125x80xi32, #tpu.memory_space<hbm>> -> memref<1x8x80xi32, #tpu.memory_space<hbm>>
        %dma_wait3A_621 = tpu.memref_squeeze %dma_wait3A_620 : memref<1x8x80xi32, #tpu.memory_space<hbm>> -> memref<8x80xi32, #tpu.memory_space<hbm>>
        %dma_wait3A_622 = arith.constant 0 : i32
        %dma_wait3A_623 = arith.constant 0 : i32
        %dma_wait3A_624 = tpu.memref_slice %arg7[%rem3A_430, %dma_wait3A_622, %dma_wait3A_623] : memref<2x8x80xi32, #tpu.memory_space<vmem>> -> memref<1x8x80xi32, #tpu.memory_space<vmem>>
        %dma_wait3A_625 = tpu.memref_squeeze %dma_wait3A_624 : memref<1x8x80xi32, #tpu.memory_space<vmem>> -> memref<8x80xi32, #tpu.memory_space<vmem>>
        %dma_wait3A_626 = arith.constant 0 : i32
        %dma_wait3A_627 = tpu.memref_slice %arg4[%add3A, %multiple_of3A, %dma_wait3A_626] : memref<32x125x80xi32, #tpu.memory_space<hbm>> -> memref<1x8x80xi32, #tpu.memory_space<hbm>>
        %dma_wait3A_628 = tpu.memref_squeeze %dma_wait3A_627 : memref<1x8x80xi32, #tpu.memory_space<hbm>> -> memref<8x80xi32, #tpu.memory_space<hbm>>
        tpu.wait_dma2 semaphore(%arg18 : memref<!tpu.dma_semaphore, #tpu.memory_space<semaphore_mem>>) src(%dma_wait3A_628 : memref<8x80xi32, #tpu.memory_space<hbm>>) dst(%dma_wait3A_625 : memref<8x80xi32, #tpu.memory_space<vmem>>)
        %add3A_629 = arith.constant 8 : i32
        %add3A_630 = arith.addi %add3A_426, %add3A_629 : i32
        %lt3A_631 = arith.constant 125 : i32
        %lt3A_632 = arith.cmpi slt, %add3A_630, %lt3A_631 : i32
        %convert_element_type3A_633 = arith.extui %lt3A_632 : i1 to i32
        %cond3A_634 = arith.constant 0 : i32
        %cond3A_635 = arith.cmpi ne, %convert_element_type3A_633, %cond3A_634 : i32
        scf.if %cond3A_635 {
          %add3A_636 = arith.constant 8 : i32
          %add3A_637 = arith.addi %multiple_of3A, %add3A_636 : i32
          %sub3A_638 = arith.constant 1 : i32
          %sub3A_639 = arith.subi %sub3A_638, %rem3A_430 : i32
          %dma_start3A_640 = arith.constant 0 : i32
          %dma_start3A_641 = arith.constant 0 : i32
          %dma_start3A_642 = tpu.memref_slice %arg7[%sub3A_639, %dma_start3A_640, %dma_start3A_641] : memref<2x8x80xi32, #tpu.memory_space<vmem>> -> memref<1x8x80xi32, #tpu.memory_space<vmem>>
          %dma_start3A_643 = tpu.memref_squeeze %dma_start3A_642 : memref<1x8x80xi32, #tpu.memory_space<vmem>> -> memref<8x80xi32, #tpu.memory_space<vmem>>
          %dma_start3A_644 = arith.constant 0 : i32
          %dma_start3A_645 = tpu.memref_slice %arg4[%add3A, %add3A_637, %dma_start3A_644] : memref<32x125x80xi32, #tpu.memory_space<hbm>> -> memref<1x8x80xi32, #tpu.memory_space<hbm>>
          %dma_start3A_646 = tpu.memref_squeeze %dma_start3A_645 : memref<1x8x80xi32, #tpu.memory_space<hbm>> -> memref<8x80xi32, #tpu.memory_space<hbm>>
          %dma_start3A_647 = arith.constant 0 : i32
          %dma_start3A_648 = arith.constant 0 : i32
          %dma_start3A_649 = tpu.memref_slice %arg7[%sub3A_639, %dma_start3A_647, %dma_start3A_648] : memref<2x8x80xi32, #tpu.memory_space<vmem>> -> memref<1x8x80xi32, #tpu.memory_space<vmem>>
          %dma_start3A_650 = tpu.memref_squeeze %dma_start3A_649 : memref<1x8x80xi32, #tpu.memory_space<vmem>> -> memref<8x80xi32, #tpu.memory_space<vmem>>
          %dma_start3A_651 = arith.constant 0 : i32
          %dma_start3A_652 = tpu.memref_slice %arg4[%add3A, %add3A_637, %dma_start3A_651] : memref<32x125x80xi32, #tpu.memory_space<hbm>> -> memref<1x8x80xi32, #tpu.memory_space<hbm>>
          %dma_start3A_653 = tpu.memref_squeeze %dma_start3A_652 : memref<1x8x80xi32, #tpu.memory_space<hbm>> -> memref<8x80xi32, #tpu.memory_space<hbm>>
          tpu.enqueue_dma source(%dma_start3A_653 : memref<8x80xi32, #tpu.memory_space<hbm>>) target(%dma_start3A_650 : memref<8x80xi32, #tpu.memory_space<vmem>>) target_semaphore(%arg18 : memref<!tpu.dma_semaphore, #tpu.memory_space<semaphore_mem>>)
        } else {
        }
      } else {
      }
      %add3A_438 = arith.constant 4 : i32
      %add3A_439 = arith.addi %add3A_426, %add3A_438 : i32
      %div3A_440 = arith.constant 16 : i32
      %div3A_441 = arith.divsi %add3A_439, %div3A_440 : i32
      %rem3A_442 = arith.constant 2 : i32
      %rem3A_443 = arith.remsi %div3A_441, %rem3A_442 : i32
      %rem3A_444 = arith.constant 16 : i32
      %rem3A_445 = arith.remsi %add3A_439, %rem3A_444 : i32
      %eq3A_446 = arith.constant 0 : i32
      %eq3A_447 = arith.cmpi eq, %rem3A_445, %eq3A_446 : i32
      %lt3A_448 = arith.constant 125 : i32
      %lt3A_449 = arith.cmpi slt, %add3A_439, %lt3A_448 : i32
      %and3A_450 = arith.andi %eq3A_447, %lt3A_449 : i1
      %convert_element_type3A_451 = arith.extui %and3A_450 : i1 to i32
      %cond3A_452 = arith.constant 0 : i32
      %cond3A_453 = arith.cmpi ne, %convert_element_type3A_451, %cond3A_452 : i32
      scf.if %cond3A_453 {
        %multiple_of3A = tpu.assume_multiple %add3A_439, 16 : i32
        %dma_wait3A_615 = arith.constant 0 : i32
        %dma_wait3A_616 = arith.constant 0 : i32
        %dma_wait3A_617 = tpu.memref_slice %arg6[%rem3A_443, %dma_wait3A_615, %dma_wait3A_616] : memref<2x16x80xi32, #tpu.memory_space<vmem>> -> memref<1x16x80xi32, #tpu.memory_space<vmem>>
        %dma_wait3A_618 = tpu.memref_squeeze %dma_wait3A_617 : memref<1x16x80xi32, #tpu.memory_space<vmem>> -> memref<16x80xi32, #tpu.memory_space<vmem>>
        %dma_wait3A_619 = arith.constant 0 : i32
        %dma_wait3A_620 = tpu.memref_slice %arg3[%add3A, %multiple_of3A, %dma_wait3A_619] : memref<32x125x80xi32, #tpu.memory_space<hbm>> -> memref<1x16x80xi32, #tpu.memory_space<hbm>>
        %dma_wait3A_621 = tpu.memref_squeeze %dma_wait3A_620 : memref<1x16x80xi32, #tpu.memory_space<hbm>> -> memref<16x80xi32, #tpu.memory_space<hbm>>
        %dma_wait3A_622 = arith.constant 0 : i32
        %dma_wait3A_623 = arith.constant 0 : i32
        %dma_wait3A_624 = tpu.memref_slice %arg6[%rem3A_443, %dma_wait3A_622, %dma_wait3A_623] : memref<2x16x80xi32, #tpu.memory_space<vmem>> -> memref<1x16x80xi32, #tpu.memory_space<vmem>>
        %dma_wait3A_625 = tpu.memref_squeeze %dma_wait3A_624 : memref<1x16x80xi32, #tpu.memory_space<vmem>> -> memref<16x80xi32, #tpu.memory_space<vmem>>
        %dma_wait3A_626 = arith.constant 0 : i32
        %dma_wait3A_627 = tpu.memref_slice %arg3[%add3A, %multiple_of3A, %dma_wait3A_626] : memref<32x125x80xi32, #tpu.memory_space<hbm>> -> memref<1x16x80xi32, #tpu.memory_space<hbm>>
        %dma_wait3A_628 = tpu.memref_squeeze %dma_wait3A_627 : memref<1x16x80xi32, #tpu.memory_space<hbm>> -> memref<16x80xi32, #tpu.memory_space<hbm>>
        tpu.wait_dma2 semaphore(%arg17 : memref<!tpu.dma_semaphore, #tpu.memory_space<semaphore_mem>>) src(%dma_wait3A_628 : memref<16x80xi32, #tpu.memory_space<hbm>>) dst(%dma_wait3A_625 : memref<16x80xi32, #tpu.memory_space<vmem>>)
      } else {
      }
      %rem3A_454 = arith.constant 16 : i32
      %rem3A_455 = arith.remsi %add3A_439, %rem3A_454 : i32
      %eq3A_456 = arith.constant 4 : i32
      %eq3A_457 = arith.cmpi eq, %rem3A_455, %eq3A_456 : i32
      %sub3A_458 = arith.constant 4 : i32
      %sub3A_459 = arith.subi %add3A_439, %sub3A_458 : i32
      %add3A_460 = arith.constant 16 : i32
      %add3A_461 = arith.addi %sub3A_459, %add3A_460 : i32
      %lt3A_462 = arith.constant 125 : i32
      %lt3A_463 = arith.cmpi slt, %add3A_461, %lt3A_462 : i32
      %and3A_464 = arith.andi %eq3A_457, %lt3A_463 : i1
      %convert_element_type3A_465 = arith.extui %and3A_464 : i1 to i32
      %cond3A_466 = arith.constant 0 : i32
      %cond3A_467 = arith.cmpi ne, %convert_element_type3A_465, %cond3A_466 : i32
      scf.if %cond3A_467 {
        %sub3A_615 = arith.constant 4 : i32
        %sub3A_616 = arith.subi %add3A_439, %sub3A_615 : i32
        %multiple_of3A = tpu.assume_multiple %sub3A_616, 16 : i32
        %add3A_617 = arith.constant 16 : i32
        %add3A_618 = arith.addi %multiple_of3A, %add3A_617 : i32
        %sub3A_619 = arith.constant 1 : i32
        %sub3A_620 = arith.subi %sub3A_619, %rem3A_443 : i32
        %dma_start3A_621 = arith.constant 0 : i32
        %dma_start3A_622 = arith.constant 0 : i32
        %dma_start3A_623 = tpu.memref_slice %arg6[%sub3A_620, %dma_start3A_621, %dma_start3A_622] : memref<2x16x80xi32, #tpu.memory_space<vmem>> -> memref<1x16x80xi32, #tpu.memory_space<vmem>>
        %dma_start3A_624 = tpu.memref_squeeze %dma_start3A_623 : memref<1x16x80xi32, #tpu.memory_space<vmem>> -> memref<16x80xi32, #tpu.memory_space<vmem>>
        %dma_start3A_625 = arith.constant 0 : i32
        %dma_start3A_626 = tpu.memref_slice %arg3[%add3A, %add3A_618, %dma_start3A_625] : memref<32x125x80xi32, #tpu.memory_space<hbm>> -> memref<1x16x80xi32, #tpu.memory_space<hbm>>
        %dma_start3A_627 = tpu.memref_squeeze %dma_start3A_626 : memref<1x16x80xi32, #tpu.memory_space<hbm>> -> memref<16x80xi32, #tpu.memory_space<hbm>>
        %dma_start3A_628 = arith.constant 0 : i32
        %dma_start3A_629 = arith.constant 0 : i32
        %dma_start3A_630 = tpu.memref_slice %arg6[%sub3A_620, %dma_start3A_628, %dma_start3A_629] : memref<2x16x80xi32, #tpu.memory_space<vmem>> -> memref<1x16x80xi32, #tpu.memory_space<vmem>>
        %dma_start3A_631 = tpu.memref_squeeze %dma_start3A_630 : memref<1x16x80xi32, #tpu.memory_space<vmem>> -> memref<16x80xi32, #tpu.memory_space<vmem>>
        %dma_start3A_632 = arith.constant 0 : i32
        %dma_start3A_633 = tpu.memref_slice %arg3[%add3A, %add3A_618, %dma_start3A_632] : memref<32x125x80xi32, #tpu.memory_space<hbm>> -> memref<1x16x80xi32, #tpu.memory_space<hbm>>
        %dma_start3A_634 = tpu.memref_squeeze %dma_start3A_633 : memref<1x16x80xi32, #tpu.memory_space<hbm>> -> memref<16x80xi32, #tpu.memory_space<hbm>>
        tpu.enqueue_dma source(%dma_start3A_634 : memref<16x80xi32, #tpu.memory_space<hbm>>) target(%dma_start3A_631 : memref<16x80xi32, #tpu.memory_space<vmem>>) target_semaphore(%arg17 : memref<!tpu.dma_semaphore, #tpu.memory_space<semaphore_mem>>)
      } else {
      }
      %div3A_468 = arith.constant 16 : i32
      %div3A_469 = arith.divsi %add3A_426, %div3A_468 : i32
      %rem3A_470 = arith.constant 2 : i32
      %rem3A_471 = arith.remsi %div3A_469, %rem3A_470 : i32
      %rem3A_472 = arith.constant 16 : i32
      %rem3A_473 = arith.remsi %add3A_426, %rem3A_472 : i32
      %dma_wait3A_474 = arith.constant 0 : i32
      %dma_wait3A_475 = tpu.memref_slice %arg6[%rem3A_471, %rem3A_473, %dma_wait3A_474] : memref<2x16x80xi32, #tpu.memory_space<vmem>> -> memref<1x1x80xi32, #tpu.memory_space<vmem>>
      %dma_wait3A_476 = tpu.memref_squeeze %dma_wait3A_475 : memref<1x1x80xi32, #tpu.memory_space<vmem>> -> memref<80xi32, #tpu.memory_space<vmem>>
      %dma_wait3A_477 = arith.constant 0 : i32
      %dma_wait3A_478 = arith.constant 0 : i32
      %dma_wait3A_479 = tpu.memref_slice %arg2[%dma_wait3A_477, %dma_wait3A_478] : memref<10000x128xf32, #tpu.memory_space<hbm>> -> memref<10000x128xf32, #tpu.memory_space<hbm>>
      tpu.wait_indirect_dma semaphore(%arg14 : memref<!tpu.dma_semaphore, #tpu.memory_space<semaphore_mem>>) src(%dma_wait3A_479 : memref<10000x128xf32, #tpu.memory_space<hbm>>) dst(%arg9 : memref<80x128xf32, #tpu.memory_space<vmem>>)
      %rem3A_480 = arith.constant 8 : i32
      %rem3A_481 = arith.remsi %add3A_426, %rem3A_480 : i32
      "tpu.region"() ({
        %run_scoped3A_615 = tpu.sem_alloc : memref<!tpu.dma_semaphore, #tpu.memory_space<semaphore_mem>>
        %dma_start3A_616 = arith.constant 0 : i32
        %dma_start3A_617 = tpu.memref_slice %arg7[%rem3A_430, %rem3A_481, %dma_start3A_616] : memref<2x8x80xi32, #tpu.memory_space<vmem>> -> memref<1x1x80xi32, #tpu.memory_space<vmem>>
        %dma_start3A_618 = tpu.memref_squeeze %dma_start3A_617 : memref<1x1x80xi32, #tpu.memory_space<vmem>> -> memref<80xi32, #tpu.memory_space<vmem>>
        %dma_start3A_619 = arith.constant 0 : i32
        %dma_start3A_620 = arith.constant 0 : i32
        %dma_start3A_621 = tpu.memref_slice %arg12[%dma_start3A_619, %dma_start3A_620] : memref<10240x128xf32, #tpu.memory_space<vmem_shared>> -> memref<10240x128xf32, #tpu.memory_space<vmem_shared>>
        tpu.enqueue_indirect_dma source(%arg9 : memref<80x128xf32, #tpu.memory_space<vmem>>) target(%dma_start3A_621 : memref<10240x128xf32, #tpu.memory_space<vmem_shared>>) offsets(%dma_start3A_618 : memref<80xi32, #tpu.memory_space<vmem>>) semaphore(%run_scoped3A_615 : memref<!tpu.dma_semaphore, #tpu.memory_space<semaphore_mem>>) {add = true}
        %dma_wait3A_622 = arith.constant 0 : i32
        %dma_wait3A_623 = tpu.memref_slice %arg7[%rem3A_430, %rem3A_481, %dma_wait3A_622] : memref<2x8x80xi32, #tpu.memory_space<vmem>> -> memref<1x1x80xi32, #tpu.memory_space<vmem>>
        %dma_wait3A_624 = tpu.memref_squeeze %dma_wait3A_623 : memref<1x1x80xi32, #tpu.memory_space<vmem>> -> memref<80xi32, #tpu.memory_space<vmem>>
        %dma_wait3A_625 = arith.constant 0 : i32
        %dma_wait3A_626 = arith.constant 0 : i32
        %dma_wait3A_627 = tpu.memref_slice %arg12[%dma_wait3A_625, %dma_wait3A_626] : memref<10240x128xf32, #tpu.memory_space<vmem_shared>> -> memref<10240x128xf32, #tpu.memory_space<vmem_shared>>
        tpu.wait_indirect_dma semaphore(%run_scoped3A_615 : memref<!tpu.dma_semaphore, #tpu.memory_space<semaphore_mem>>) src(%arg9 : memref<80x128xf32, #tpu.memory_space<vmem>>) dst(%dma_wait3A_627 : memref<10240x128xf32, #tpu.memory_space<vmem_shared>>)
        tpu.yield
      }) : () -> ()
      %lt3A_482 = arith.constant 125 : i32
      %lt3A_483 = arith.cmpi slt, %add3A_439, %lt3A_482 : i32
      %convert_element_type3A_484 = arith.extui %lt3A_483 : i1 to i32
      %cond3A_485 = arith.constant 0 : i32
      %cond3A_486 = arith.cmpi ne, %convert_element_type3A_484, %cond3A_485 : i32
      scf.if %cond3A_486 {
        %rem3A_615 = arith.constant 16 : i32
        %rem3A_616 = arith.remsi %add3A_439, %rem3A_615 : i32
        %dma_start3A_617 = arith.constant 0 : i32
        %dma_start3A_618 = tpu.memref_slice %arg6[%rem3A_443, %rem3A_616, %dma_start3A_617] : memref<2x16x80xi32, #tpu.memory_space<vmem>> -> memref<1x1x80xi32, #tpu.memory_space<vmem>>
        %dma_start3A_619 = tpu.memref_squeeze %dma_start3A_618 : memref<1x1x80xi32, #tpu.memory_space<vmem>> -> memref<80xi32, #tpu.memory_space<vmem>>
        %dma_start3A_620 = arith.constant 0 : i32
        %dma_start3A_621 = arith.constant 0 : i32
        %dma_start3A_622 = tpu.memref_slice %arg2[%dma_start3A_620, %dma_start3A_621] : memref<10000x128xf32, #tpu.memory_space<hbm>> -> memref<10000x128xf32, #tpu.memory_space<hbm>>
        tpu.enqueue_indirect_dma source(%dma_start3A_622 : memref<10000x128xf32, #tpu.memory_space<hbm>>) target(%arg9 : memref<80x128xf32, #tpu.memory_space<vmem>>) offsets(%dma_start3A_619 : memref<80xi32, #tpu.memory_space<vmem>>) semaphore(%arg14 : memref<!tpu.dma_semaphore, #tpu.memory_space<semaphore_mem>>)
      } else {
      }
      %mul3A_487 = arith.constant 4 : i32
      %mul3A_488 = arith.muli %mul3A_487, %add3A_365 : i32
      %add3A_489 = arith.constant 2 : i32
      %add3A_490 = arith.addi %mul3A_488, %add3A_489 : i32
      %div3A_491 = arith.constant 8 : i32
      %div3A_492 = arith.divsi %add3A_490, %div3A_491 : i32
      %rem3A_493 = arith.constant 2 : i32
      %rem3A_494 = arith.remsi %div3A_492, %rem3A_493 : i32
      %rem3A_495 = arith.constant 8 : i32
      %rem3A_496 = arith.remsi %add3A_490, %rem3A_495 : i32
      %eq3A_497 = arith.constant 0 : i32
      %eq3A_498 = arith.cmpi eq, %rem3A_496, %eq3A_497 : i32
      %convert_element_type3A_499 = arith.extui %eq3A_498 : i1 to i32
      %cond3A_500 = arith.constant 0 : i32
      %cond3A_501 = arith.cmpi ne, %convert_element_type3A_499, %cond3A_500 : i32
      scf.if %cond3A_501 {
        %multiple_of3A = tpu.assume_multiple %add3A_490, 8 : i32
        %dma_wait3A_615 = arith.constant 0 : i32
        %dma_wait3A_616 = arith.constant 0 : i32
        %dma_wait3A_617 = tpu.memref_slice %arg7[%rem3A_494, %dma_wait3A_615, %dma_wait3A_616] : memref<2x8x80xi32, #tpu.memory_space<vmem>> -> memref<1x8x80xi32, #tpu.memory_space<vmem>>
        %dma_wait3A_618 = tpu.memref_squeeze %dma_wait3A_617 : memref<1x8x80xi32, #tpu.memory_space<vmem>> -> memref<8x80xi32, #tpu.memory_space<vmem>>
        %dma_wait3A_619 = arith.constant 0 : i32
        %dma_wait3A_620 = tpu.memref_slice %arg4[%add3A, %multiple_of3A, %dma_wait3A_619] : memref<32x125x80xi32, #tpu.memory_space<hbm>> -> memref<1x8x80xi32, #tpu.memory_space<hbm>>
        %dma_wait3A_621 = tpu.memref_squeeze %dma_wait3A_620 : memref<1x8x80xi32, #tpu.memory_space<hbm>> -> memref<8x80xi32, #tpu.memory_space<hbm>>
        %dma_wait3A_622 = arith.constant 0 : i32
        %dma_wait3A_623 = arith.constant 0 : i32
        %dma_wait3A_624 = tpu.memref_slice %arg7[%rem3A_494, %dma_wait3A_622, %dma_wait3A_623] : memref<2x8x80xi32, #tpu.memory_space<vmem>> -> memref<1x8x80xi32, #tpu.memory_space<vmem>>
        %dma_wait3A_625 = tpu.memref_squeeze %dma_wait3A_624 : memref<1x8x80xi32, #tpu.memory_space<vmem>> -> memref<8x80xi32, #tpu.memory_space<vmem>>
        %dma_wait3A_626 = arith.constant 0 : i32
        %dma_wait3A_627 = tpu.memref_slice %arg4[%add3A, %multiple_of3A, %dma_wait3A_626] : memref<32x125x80xi32, #tpu.memory_space<hbm>> -> memref<1x8x80xi32, #tpu.memory_space<hbm>>
        %dma_wait3A_628 = tpu.memref_squeeze %dma_wait3A_627 : memref<1x8x80xi32, #tpu.memory_space<hbm>> -> memref<8x80xi32, #tpu.memory_space<hbm>>
        tpu.wait_dma2 semaphore(%arg18 : memref<!tpu.dma_semaphore, #tpu.memory_space<semaphore_mem>>) src(%dma_wait3A_628 : memref<8x80xi32, #tpu.memory_space<hbm>>) dst(%dma_wait3A_625 : memref<8x80xi32, #tpu.memory_space<vmem>>)
        %add3A_629 = arith.constant 8 : i32
        %add3A_630 = arith.addi %add3A_490, %add3A_629 : i32
        %lt3A_631 = arith.constant 125 : i32
        %lt3A_632 = arith.cmpi slt, %add3A_630, %lt3A_631 : i32
        %convert_element_type3A_633 = arith.extui %lt3A_632 : i1 to i32
        %cond3A_634 = arith.constant 0 : i32
        %cond3A_635 = arith.cmpi ne, %convert_element_type3A_633, %cond3A_634 : i32
        scf.if %cond3A_635 {
          %add3A_636 = arith.constant 8 : i32
          %add3A_637 = arith.addi %multiple_of3A, %add3A_636 : i32
          %sub3A_638 = arith.constant 1 : i32
          %sub3A_639 = arith.subi %sub3A_638, %rem3A_494 : i32
          %dma_start3A_640 = arith.constant 0 : i32
          %dma_start3A_641 = arith.constant 0 : i32
          %dma_start3A_642 = tpu.memref_slice %arg7[%sub3A_639, %dma_start3A_640, %dma_start3A_641] : memref<2x8x80xi32, #tpu.memory_space<vmem>> -> memref<1x8x80xi32, #tpu.memory_space<vmem>>
          %dma_start3A_643 = tpu.memref_squeeze %dma_start3A_642 : memref<1x8x80xi32, #tpu.memory_space<vmem>> -> memref<8x80xi32, #tpu.memory_space<vmem>>
          %dma_start3A_644 = arith.constant 0 : i32
          %dma_start3A_645 = tpu.memref_slice %arg4[%add3A, %add3A_637, %dma_start3A_644] : memref<32x125x80xi32, #tpu.memory_space<hbm>> -> memref<1x8x80xi32, #tpu.memory_space<hbm>>
          %dma_start3A_646 = tpu.memref_squeeze %dma_start3A_645 : memref<1x8x80xi32, #tpu.memory_space<hbm>> -> memref<8x80xi32, #tpu.memory_space<hbm>>
          %dma_start3A_647 = arith.constant 0 : i32
          %dma_start3A_648 = arith.constant 0 : i32
          %dma_start3A_649 = tpu.memref_slice %arg7[%sub3A_639, %dma_start3A_647, %dma_start3A_648] : memref<2x8x80xi32, #tpu.memory_space<vmem>> -> memref<1x8x80xi32, #tpu.memory_space<vmem>>
          %dma_start3A_650 = tpu.memref_squeeze %dma_start3A_649 : memref<1x8x80xi32, #tpu.memory_space<vmem>> -> memref<8x80xi32, #tpu.memory_space<vmem>>
          %dma_start3A_651 = arith.constant 0 : i32
          %dma_start3A_652 = tpu.memref_slice %arg4[%add3A, %add3A_637, %dma_start3A_651] : memref<32x125x80xi32, #tpu.memory_space<hbm>> -> memref<1x8x80xi32, #tpu.memory_space<hbm>>
          %dma_start3A_653 = tpu.memref_squeeze %dma_start3A_652 : memref<1x8x80xi32, #tpu.memory_space<hbm>> -> memref<8x80xi32, #tpu.memory_space<hbm>>
          tpu.enqueue_dma source(%dma_start3A_653 : memref<8x80xi32, #tpu.memory_space<hbm>>) target(%dma_start3A_650 : memref<8x80xi32, #tpu.memory_space<vmem>>) target_semaphore(%arg18 : memref<!tpu.dma_semaphore, #tpu.memory_space<semaphore_mem>>)
        } else {
        }
      } else {
      }
      %add3A_502 = arith.constant 4 : i32
      %add3A_503 = arith.addi %add3A_490, %add3A_502 : i32
      %div3A_504 = arith.constant 16 : i32
      %div3A_505 = arith.divsi %add3A_503, %div3A_504 : i32
      %rem3A_506 = arith.constant 2 : i32
      %rem3A_507 = arith.remsi %div3A_505, %rem3A_506 : i32
      %rem3A_508 = arith.constant 16 : i32
      %rem3A_509 = arith.remsi %add3A_503, %rem3A_508 : i32
      %eq3A_510 = arith.constant 0 : i32
      %eq3A_511 = arith.cmpi eq, %rem3A_509, %eq3A_510 : i32
      %lt3A_512 = arith.constant 125 : i32
      %lt3A_513 = arith.cmpi slt, %add3A_503, %lt3A_512 : i32
      %and3A_514 = arith.andi %eq3A_511, %lt3A_513 : i1
      %convert_element_type3A_515 = arith.extui %and3A_514 : i1 to i32
      %cond3A_516 = arith.constant 0 : i32
      %cond3A_517 = arith.cmpi ne, %convert_element_type3A_515, %cond3A_516 : i32
      scf.if %cond3A_517 {
        %multiple_of3A = tpu.assume_multiple %add3A_503, 16 : i32
        %dma_wait3A_615 = arith.constant 0 : i32
        %dma_wait3A_616 = arith.constant 0 : i32
        %dma_wait3A_617 = tpu.memref_slice %arg6[%rem3A_507, %dma_wait3A_615, %dma_wait3A_616] : memref<2x16x80xi32, #tpu.memory_space<vmem>> -> memref<1x16x80xi32, #tpu.memory_space<vmem>>
        %dma_wait3A_618 = tpu.memref_squeeze %dma_wait3A_617 : memref<1x16x80xi32, #tpu.memory_space<vmem>> -> memref<16x80xi32, #tpu.memory_space<vmem>>
        %dma_wait3A_619 = arith.constant 0 : i32
        %dma_wait3A_620 = tpu.memref_slice %arg3[%add3A, %multiple_of3A, %dma_wait3A_619] : memref<32x125x80xi32, #tpu.memory_space<hbm>> -> memref<1x16x80xi32, #tpu.memory_space<hbm>>
        %dma_wait3A_621 = tpu.memref_squeeze %dma_wait3A_620 : memref<1x16x80xi32, #tpu.memory_space<hbm>> -> memref<16x80xi32, #tpu.memory_space<hbm>>
        %dma_wait3A_622 = arith.constant 0 : i32
        %dma_wait3A_623 = arith.constant 0 : i32
        %dma_wait3A_624 = tpu.memref_slice %arg6[%rem3A_507, %dma_wait3A_622, %dma_wait3A_623] : memref<2x16x80xi32, #tpu.memory_space<vmem>> -> memref<1x16x80xi32, #tpu.memory_space<vmem>>
        %dma_wait3A_625 = tpu.memref_squeeze %dma_wait3A_624 : memref<1x16x80xi32, #tpu.memory_space<vmem>> -> memref<16x80xi32, #tpu.memory_space<vmem>>
        %dma_wait3A_626 = arith.constant 0 : i32
        %dma_wait3A_627 = tpu.memref_slice %arg3[%add3A, %multiple_of3A, %dma_wait3A_626] : memref<32x125x80xi32, #tpu.memory_space<hbm>> -> memref<1x16x80xi32, #tpu.memory_space<hbm>>
        %dma_wait3A_628 = tpu.memref_squeeze %dma_wait3A_627 : memref<1x16x80xi32, #tpu.memory_space<hbm>> -> memref<16x80xi32, #tpu.memory_space<hbm>>
        tpu.wait_dma2 semaphore(%arg17 : memref<!tpu.dma_semaphore, #tpu.memory_space<semaphore_mem>>) src(%dma_wait3A_628 : memref<16x80xi32, #tpu.memory_space<hbm>>) dst(%dma_wait3A_625 : memref<16x80xi32, #tpu.memory_space<vmem>>)
      } else {
      }
      %rem3A_518 = arith.constant 16 : i32
      %rem3A_519 = arith.remsi %add3A_503, %rem3A_518 : i32
      %eq3A_520 = arith.constant 4 : i32
      %eq3A_521 = arith.cmpi eq, %rem3A_519, %eq3A_520 : i32
      %sub3A_522 = arith.constant 4 : i32
      %sub3A_523 = arith.subi %add3A_503, %sub3A_522 : i32
      %add3A_524 = arith.constant 16 : i32
      %add3A_525 = arith.addi %sub3A_523, %add3A_524 : i32
      %lt3A_526 = arith.constant 125 : i32
      %lt3A_527 = arith.cmpi slt, %add3A_525, %lt3A_526 : i32
      %and3A_528 = arith.andi %eq3A_521, %lt3A_527 : i1
      %convert_element_type3A_529 = arith.extui %and3A_528 : i1 to i32
      %cond3A_530 = arith.constant 0 : i32
      %cond3A_531 = arith.cmpi ne, %convert_element_type3A_529, %cond3A_530 : i32
      scf.if %cond3A_531 {
        %sub3A_615 = arith.constant 4 : i32
        %sub3A_616 = arith.subi %add3A_503, %sub3A_615 : i32
        %multiple_of3A = tpu.assume_multiple %sub3A_616, 16 : i32
        %add3A_617 = arith.constant 16 : i32
        %add3A_618 = arith.addi %multiple_of3A, %add3A_617 : i32
        %sub3A_619 = arith.constant 1 : i32
        %sub3A_620 = arith.subi %sub3A_619, %rem3A_507 : i32
        %dma_start3A_621 = arith.constant 0 : i32
        %dma_start3A_622 = arith.constant 0 : i32
        %dma_start3A_623 = tpu.memref_slice %arg6[%sub3A_620, %dma_start3A_621, %dma_start3A_622] : memref<2x16x80xi32, #tpu.memory_space<vmem>> -> memref<1x16x80xi32, #tpu.memory_space<vmem>>
        %dma_start3A_624 = tpu.memref_squeeze %dma_start3A_623 : memref<1x16x80xi32, #tpu.memory_space<vmem>> -> memref<16x80xi32, #tpu.memory_space<vmem>>
        %dma_start3A_625 = arith.constant 0 : i32
        %dma_start3A_626 = tpu.memref_slice %arg3[%add3A, %add3A_618, %dma_start3A_625] : memref<32x125x80xi32, #tpu.memory_space<hbm>> -> memref<1x16x80xi32, #tpu.memory_space<hbm>>
        %dma_start3A_627 = tpu.memref_squeeze %dma_start3A_626 : memref<1x16x80xi32, #tpu.memory_space<hbm>> -> memref<16x80xi32, #tpu.memory_space<hbm>>
        %dma_start3A_628 = arith.constant 0 : i32
        %dma_start3A_629 = arith.constant 0 : i32
        %dma_start3A_630 = tpu.memref_slice %arg6[%sub3A_620, %dma_start3A_628, %dma_start3A_629] : memref<2x16x80xi32, #tpu.memory_space<vmem>> -> memref<1x16x80xi32, #tpu.memory_space<vmem>>
        %dma_start3A_631 = tpu.memref_squeeze %dma_start3A_630 : memref<1x16x80xi32, #tpu.memory_space<vmem>> -> memref<16x80xi32, #tpu.memory_space<vmem>>
        %dma_start3A_632 = arith.constant 0 : i32
        %dma_start3A_633 = tpu.memref_slice %arg3[%add3A, %add3A_618, %dma_start3A_632] : memref<32x125x80xi32, #tpu.memory_space<hbm>> -> memref<1x16x80xi32, #tpu.memory_space<hbm>>
        %dma_start3A_634 = tpu.memref_squeeze %dma_start3A_633 : memref<1x16x80xi32, #tpu.memory_space<hbm>> -> memref<16x80xi32, #tpu.memory_space<hbm>>
        tpu.enqueue_dma source(%dma_start3A_634 : memref<16x80xi32, #tpu.memory_space<hbm>>) target(%dma_start3A_631 : memref<16x80xi32, #tpu.memory_space<vmem>>) target_semaphore(%arg17 : memref<!tpu.dma_semaphore, #tpu.memory_space<semaphore_mem>>)
      } else {
      }
      %div3A_532 = arith.constant 16 : i32
      %div3A_533 = arith.divsi %add3A_490, %div3A_532 : i32
      %rem3A_534 = arith.constant 2 : i32
      %rem3A_535 = arith.remsi %div3A_533, %rem3A_534 : i32
      %rem3A_536 = arith.constant 16 : i32
      %rem3A_537 = arith.remsi %add3A_490, %rem3A_536 : i32
      %dma_wait3A_538 = arith.constant 0 : i32
      %dma_wait3A_539 = tpu.memref_slice %arg6[%rem3A_535, %rem3A_537, %dma_wait3A_538] : memref<2x16x80xi32, #tpu.memory_space<vmem>> -> memref<1x1x80xi32, #tpu.memory_space<vmem>>
      %dma_wait3A_540 = tpu.memref_squeeze %dma_wait3A_539 : memref<1x1x80xi32, #tpu.memory_space<vmem>> -> memref<80xi32, #tpu.memory_space<vmem>>
      %dma_wait3A_541 = arith.constant 0 : i32
      %dma_wait3A_542 = arith.constant 0 : i32
      %dma_wait3A_543 = tpu.memref_slice %arg2[%dma_wait3A_541, %dma_wait3A_542] : memref<10000x128xf32, #tpu.memory_space<hbm>> -> memref<10000x128xf32, #tpu.memory_space<hbm>>
      tpu.wait_indirect_dma semaphore(%arg15 : memref<!tpu.dma_semaphore, #tpu.memory_space<semaphore_mem>>) src(%dma_wait3A_543 : memref<10000x128xf32, #tpu.memory_space<hbm>>) dst(%arg10 : memref<80x128xf32, #tpu.memory_space<vmem>>)
      %rem3A_544 = arith.constant 8 : i32
      %rem3A_545 = arith.remsi %add3A_490, %rem3A_544 : i32
      "tpu.region"() ({
        %run_scoped3A_615 = tpu.sem_alloc : memref<!tpu.dma_semaphore, #tpu.memory_space<semaphore_mem>>
        %dma_start3A_616 = arith.constant 0 : i32
        %dma_start3A_617 = tpu.memref_slice %arg7[%rem3A_494, %rem3A_545, %dma_start3A_616] : memref<2x8x80xi32, #tpu.memory_space<vmem>> -> memref<1x1x80xi32, #tpu.memory_space<vmem>>
        %dma_start3A_618 = tpu.memref_squeeze %dma_start3A_617 : memref<1x1x80xi32, #tpu.memory_space<vmem>> -> memref<80xi32, #tpu.memory_space<vmem>>
        %dma_start3A_619 = arith.constant 0 : i32
        %dma_start3A_620 = arith.constant 0 : i32
        %dma_start3A_621 = tpu.memref_slice %arg12[%dma_start3A_619, %dma_start3A_620] : memref<10240x128xf32, #tpu.memory_space<vmem_shared>> -> memref<10240x128xf32, #tpu.memory_space<vmem_shared>>
        tpu.enqueue_indirect_dma source(%arg10 : memref<80x128xf32, #tpu.memory_space<vmem>>) target(%dma_start3A_621 : memref<10240x128xf32, #tpu.memory_space<vmem_shared>>) offsets(%dma_start3A_618 : memref<80xi32, #tpu.memory_space<vmem>>) semaphore(%run_scoped3A_615 : memref<!tpu.dma_semaphore, #tpu.memory_space<semaphore_mem>>) {add = true}
        %dma_wait3A_622 = arith.constant 0 : i32
        %dma_wait3A_623 = tpu.memref_slice %arg7[%rem3A_494, %rem3A_545, %dma_wait3A_622] : memref<2x8x80xi32, #tpu.memory_space<vmem>> -> memref<1x1x80xi32, #tpu.memory_space<vmem>>
        %dma_wait3A_624 = tpu.memref_squeeze %dma_wait3A_623 : memref<1x1x80xi32, #tpu.memory_space<vmem>> -> memref<80xi32, #tpu.memory_space<vmem>>
        %dma_wait3A_625 = arith.constant 0 : i32
        %dma_wait3A_626 = arith.constant 0 : i32
        %dma_wait3A_627 = tpu.memref_slice %arg12[%dma_wait3A_625, %dma_wait3A_626] : memref<10240x128xf32, #tpu.memory_space<vmem_shared>> -> memref<10240x128xf32, #tpu.memory_space<vmem_shared>>
        tpu.wait_indirect_dma semaphore(%run_scoped3A_615 : memref<!tpu.dma_semaphore, #tpu.memory_space<semaphore_mem>>) src(%arg10 : memref<80x128xf32, #tpu.memory_space<vmem>>) dst(%dma_wait3A_627 : memref<10240x128xf32, #tpu.memory_space<vmem_shared>>)
        tpu.yield
      }) : () -> ()
      %lt3A_546 = arith.constant 125 : i32
      %lt3A_547 = arith.cmpi slt, %add3A_503, %lt3A_546 : i32
      %convert_element_type3A_548 = arith.extui %lt3A_547 : i1 to i32
      %cond3A_549 = arith.constant 0 : i32
      %cond3A_550 = arith.cmpi ne, %convert_element_type3A_548, %cond3A_549 : i32
      scf.if %cond3A_550 {
        %rem3A_615 = arith.constant 16 : i32
        %rem3A_616 = arith.remsi %add3A_503, %rem3A_615 : i32
        %dma_start3A_617 = arith.constant 0 : i32
        %dma_start3A_618 = tpu.memref_slice %arg6[%rem3A_507, %rem3A_616, %dma_start3A_617] : memref<2x16x80xi32, #tpu.memory_space<vmem>> -> memref<1x1x80xi32, #tpu.memory_space<vmem>>
        %dma_start3A_619 = tpu.memref_squeeze %dma_start3A_618 : memref<1x1x80xi32, #tpu.memory_space<vmem>> -> memref<80xi32, #tpu.memory_space<vmem>>
        %dma_start3A_620 = arith.constant 0 : i32
        %dma_start3A_621 = arith.constant 0 : i32
        %dma_start3A_622 = tpu.memref_slice %arg2[%dma_start3A_620, %dma_start3A_621] : memref<10000x128xf32, #tpu.memory_space<hbm>> -> memref<10000x128xf32, #tpu.memory_space<hbm>>
        tpu.enqueue_indirect_dma source(%dma_start3A_622 : memref<10000x128xf32, #tpu.memory_space<hbm>>) target(%arg10 : memref<80x128xf32, #tpu.memory_space<vmem>>) offsets(%dma_start3A_619 : memref<80xi32, #tpu.memory_space<vmem>>) semaphore(%arg15 : memref<!tpu.dma_semaphore, #tpu.memory_space<semaphore_mem>>)
      } else {
      }
      %mul3A_551 = arith.constant 4 : i32
      %mul3A_552 = arith.muli %mul3A_551, %add3A_365 : i32
      %add3A_553 = arith.constant 3 : i32
      %add3A_554 = arith.addi %mul3A_552, %add3A_553 : i32
      %div3A_555 = arith.constant 8 : i32
      %div3A_556 = arith.divsi %add3A_554, %div3A_555 : i32
      %rem3A_557 = arith.constant 2 : i32
      %rem3A_558 = arith.remsi %div3A_556, %rem3A_557 : i32
      %rem3A_559 = arith.constant 8 : i32
      %rem3A_560 = arith.remsi %add3A_554, %rem3A_559 : i32
      %eq3A_561 = arith.constant 0 : i32
      %eq3A_562 = arith.cmpi eq, %rem3A_560, %eq3A_561 : i32
      %convert_element_type3A_563 = arith.extui %eq3A_562 : i1 to i32
      %cond3A_564 = arith.constant 0 : i32
      %cond3A_565 = arith.cmpi ne, %convert_element_type3A_563, %cond3A_564 : i32
      scf.if %cond3A_565 {
        %multiple_of3A = tpu.assume_multiple %add3A_554, 8 : i32
        %dma_wait3A_615 = arith.constant 0 : i32
        %dma_wait3A_616 = arith.constant 0 : i32
        %dma_wait3A_617 = tpu.memref_slice %arg7[%rem3A_558, %dma_wait3A_615, %dma_wait3A_616] : memref<2x8x80xi32, #tpu.memory_space<vmem>> -> memref<1x8x80xi32, #tpu.memory_space<vmem>>
        %dma_wait3A_618 = tpu.memref_squeeze %dma_wait3A_617 : memref<1x8x80xi32, #tpu.memory_space<vmem>> -> memref<8x80xi32, #tpu.memory_space<vmem>>
        %dma_wait3A_619 = arith.constant 0 : i32
        %dma_wait3A_620 = tpu.memref_slice %arg4[%add3A, %multiple_of3A, %dma_wait3A_619] : memref<32x125x80xi32, #tpu.memory_space<hbm>> -> memref<1x8x80xi32, #tpu.memory_space<hbm>>
        %dma_wait3A_621 = tpu.memref_squeeze %dma_wait3A_620 : memref<1x8x80xi32, #tpu.memory_space<hbm>> -> memref<8x80xi32, #tpu.memory_space<hbm>>
        %dma_wait3A_622 = arith.constant 0 : i32
        %dma_wait3A_623 = arith.constant 0 : i32
        %dma_wait3A_624 = tpu.memref_slice %arg7[%rem3A_558, %dma_wait3A_622, %dma_wait3A_623] : memref<2x8x80xi32, #tpu.memory_space<vmem>> -> memref<1x8x80xi32, #tpu.memory_space<vmem>>
        %dma_wait3A_625 = tpu.memref_squeeze %dma_wait3A_624 : memref<1x8x80xi32, #tpu.memory_space<vmem>> -> memref<8x80xi32, #tpu.memory_space<vmem>>
        %dma_wait3A_626 = arith.constant 0 : i32
        %dma_wait3A_627 = tpu.memref_slice %arg4[%add3A, %multiple_of3A, %dma_wait3A_626] : memref<32x125x80xi32, #tpu.memory_space<hbm>> -> memref<1x8x80xi32, #tpu.memory_space<hbm>>
        %dma_wait3A_628 = tpu.memref_squeeze %dma_wait3A_627 : memref<1x8x80xi32, #tpu.memory_space<hbm>> -> memref<8x80xi32, #tpu.memory_space<hbm>>
        tpu.wait_dma2 semaphore(%arg18 : memref<!tpu.dma_semaphore, #tpu.memory_space<semaphore_mem>>) src(%dma_wait3A_628 : memref<8x80xi32, #tpu.memory_space<hbm>>) dst(%dma_wait3A_625 : memref<8x80xi32, #tpu.memory_space<vmem>>)
        %add3A_629 = arith.constant 8 : i32
        %add3A_630 = arith.addi %add3A_554, %add3A_629 : i32
        %lt3A_631 = arith.constant 125 : i32
        %lt3A_632 = arith.cmpi slt, %add3A_630, %lt3A_631 : i32
        %convert_element_type3A_633 = arith.extui %lt3A_632 : i1 to i32
        %cond3A_634 = arith.constant 0 : i32
        %cond3A_635 = arith.cmpi ne, %convert_element_type3A_633, %cond3A_634 : i32
        scf.if %cond3A_635 {
          %add3A_636 = arith.constant 8 : i32
          %add3A_637 = arith.addi %multiple_of3A, %add3A_636 : i32
          %sub3A_638 = arith.constant 1 : i32
          %sub3A_639 = arith.subi %sub3A_638, %rem3A_558 : i32
          %dma_start3A_640 = arith.constant 0 : i32
          %dma_start3A_641 = arith.constant 0 : i32
          %dma_start3A_642 = tpu.memref_slice %arg7[%sub3A_639, %dma_start3A_640, %dma_start3A_641] : memref<2x8x80xi32, #tpu.memory_space<vmem>> -> memref<1x8x80xi32, #tpu.memory_space<vmem>>
          %dma_start3A_643 = tpu.memref_squeeze %dma_start3A_642 : memref<1x8x80xi32, #tpu.memory_space<vmem>> -> memref<8x80xi32, #tpu.memory_space<vmem>>
          %dma_start3A_644 = arith.constant 0 : i32
          %dma_start3A_645 = tpu.memref_slice %arg4[%add3A, %add3A_637, %dma_start3A_644] : memref<32x125x80xi32, #tpu.memory_space<hbm>> -> memref<1x8x80xi32, #tpu.memory_space<hbm>>
          %dma_start3A_646 = tpu.memref_squeeze %dma_start3A_645 : memref<1x8x80xi32, #tpu.memory_space<hbm>> -> memref<8x80xi32, #tpu.memory_space<hbm>>
          %dma_start3A_647 = arith.constant 0 : i32
          %dma_start3A_648 = arith.constant 0 : i32
          %dma_start3A_649 = tpu.memref_slice %arg7[%sub3A_639, %dma_start3A_647, %dma_start3A_648] : memref<2x8x80xi32, #tpu.memory_space<vmem>> -> memref<1x8x80xi32, #tpu.memory_space<vmem>>
          %dma_start3A_650 = tpu.memref_squeeze %dma_start3A_649 : memref<1x8x80xi32, #tpu.memory_space<vmem>> -> memref<8x80xi32, #tpu.memory_space<vmem>>
          %dma_start3A_651 = arith.constant 0 : i32
          %dma_start3A_652 = tpu.memref_slice %arg4[%add3A, %add3A_637, %dma_start3A_651] : memref<32x125x80xi32, #tpu.memory_space<hbm>> -> memref<1x8x80xi32, #tpu.memory_space<hbm>>
          %dma_start3A_653 = tpu.memref_squeeze %dma_start3A_652 : memref<1x8x80xi32, #tpu.memory_space<hbm>> -> memref<8x80xi32, #tpu.memory_space<hbm>>
          tpu.enqueue_dma source(%dma_start3A_653 : memref<8x80xi32, #tpu.memory_space<hbm>>) target(%dma_start3A_650 : memref<8x80xi32, #tpu.memory_space<vmem>>) target_semaphore(%arg18 : memref<!tpu.dma_semaphore, #tpu.memory_space<semaphore_mem>>)
        } else {
        }
      } else {
      }
      %add3A_566 = arith.constant 4 : i32
      %add3A_567 = arith.addi %add3A_554, %add3A_566 : i32
      %div3A_568 = arith.constant 16 : i32
      %div3A_569 = arith.divsi %add3A_567, %div3A_568 : i32
      %rem3A_570 = arith.constant 2 : i32
      %rem3A_571 = arith.remsi %div3A_569, %rem3A_570 : i32
      %rem3A_572 = arith.constant 16 : i32
      %rem3A_573 = arith.remsi %add3A_567, %rem3A_572 : i32
      %eq3A_574 = arith.constant 0 : i32
      %eq3A_575 = arith.cmpi eq, %rem3A_573, %eq3A_574 : i32
      %lt3A_576 = arith.constant 125 : i32
      %lt3A_577 = arith.cmpi slt, %add3A_567, %lt3A_576 : i32
      %and3A_578 = arith.andi %eq3A_575, %lt3A_577 : i1
      %convert_element_type3A_579 = arith.extui %and3A_578 : i1 to i32
      %cond3A_580 = arith.constant 0 : i32
      %cond3A_581 = arith.cmpi ne, %convert_element_type3A_579, %cond3A_580 : i32
      scf.if %cond3A_581 {
        %multiple_of3A = tpu.assume_multiple %add3A_567, 16 : i32
        %dma_wait3A_615 = arith.constant 0 : i32
        %dma_wait3A_616 = arith.constant 0 : i32
        %dma_wait3A_617 = tpu.memref_slice %arg6[%rem3A_571, %dma_wait3A_615, %dma_wait3A_616] : memref<2x16x80xi32, #tpu.memory_space<vmem>> -> memref<1x16x80xi32, #tpu.memory_space<vmem>>
        %dma_wait3A_618 = tpu.memref_squeeze %dma_wait3A_617 : memref<1x16x80xi32, #tpu.memory_space<vmem>> -> memref<16x80xi32, #tpu.memory_space<vmem>>
        %dma_wait3A_619 = arith.constant 0 : i32
        %dma_wait3A_620 = tpu.memref_slice %arg3[%add3A, %multiple_of3A, %dma_wait3A_619] : memref<32x125x80xi32, #tpu.memory_space<hbm>> -> memref<1x16x80xi32, #tpu.memory_space<hbm>>
        %dma_wait3A_621 = tpu.memref_squeeze %dma_wait3A_620 : memref<1x16x80xi32, #tpu.memory_space<hbm>> -> memref<16x80xi32, #tpu.memory_space<hbm>>
        %dma_wait3A_622 = arith.constant 0 : i32
        %dma_wait3A_623 = arith.constant 0 : i32
        %dma_wait3A_624 = tpu.memref_slice %arg6[%rem3A_571, %dma_wait3A_622, %dma_wait3A_623] : memref<2x16x80xi32, #tpu.memory_space<vmem>> -> memref<1x16x80xi32, #tpu.memory_space<vmem>>
        %dma_wait3A_625 = tpu.memref_squeeze %dma_wait3A_624 : memref<1x16x80xi32, #tpu.memory_space<vmem>> -> memref<16x80xi32, #tpu.memory_space<vmem>>
        %dma_wait3A_626 = arith.constant 0 : i32
        %dma_wait3A_627 = tpu.memref_slice %arg3[%add3A, %multiple_of3A, %dma_wait3A_626] : memref<32x125x80xi32, #tpu.memory_space<hbm>> -> memref<1x16x80xi32, #tpu.memory_space<hbm>>
        %dma_wait3A_628 = tpu.memref_squeeze %dma_wait3A_627 : memref<1x16x80xi32, #tpu.memory_space<hbm>> -> memref<16x80xi32, #tpu.memory_space<hbm>>
        tpu.wait_dma2 semaphore(%arg17 : memref<!tpu.dma_semaphore, #tpu.memory_space<semaphore_mem>>) src(%dma_wait3A_628 : memref<16x80xi32, #tpu.memory_space<hbm>>) dst(%dma_wait3A_625 : memref<16x80xi32, #tpu.memory_space<vmem>>)
      } else {
      }
      %rem3A_582 = arith.constant 16 : i32
      %rem3A_583 = arith.remsi %add3A_567, %rem3A_582 : i32
      %eq3A_584 = arith.constant 4 : i32
      %eq3A_585 = arith.cmpi eq, %rem3A_583, %eq3A_584 : i32
      %sub3A_586 = arith.constant 4 : i32
      %sub3A_587 = arith.subi %add3A_567, %sub3A_586 : i32
      %add3A_588 = arith.constant 16 : i32
      %add3A_589 = arith.addi %sub3A_587, %add3A_588 : i32
      %lt3A_590 = arith.constant 125 : i32
      %lt3A_591 = arith.cmpi slt, %add3A_589, %lt3A_590 : i32
      %and3A_592 = arith.andi %eq3A_585, %lt3A_591 : i1
      %convert_element_type3A_593 = arith.extui %and3A_592 : i1 to i32
      %cond3A_594 = arith.constant 0 : i32
      %cond3A_595 = arith.cmpi ne, %convert_element_type3A_593, %cond3A_594 : i32
      scf.if %cond3A_595 {
        %sub3A_615 = arith.constant 4 : i32
        %sub3A_616 = arith.subi %add3A_567, %sub3A_615 : i32
        %multiple_of3A = tpu.assume_multiple %sub3A_616, 16 : i32
        %add3A_617 = arith.constant 16 : i32
        %add3A_618 = arith.addi %multiple_of3A, %add3A_617 : i32
        %sub3A_619 = arith.constant 1 : i32
        %sub3A_620 = arith.subi %sub3A_619, %rem3A_571 : i32
        %dma_start3A_621 = arith.constant 0 : i32
        %dma_start3A_622 = arith.constant 0 : i32
        %dma_start3A_623 = tpu.memref_slice %arg6[%sub3A_620, %dma_start3A_621, %dma_start3A_622] : memref<2x16x80xi32, #tpu.memory_space<vmem>> -> memref<1x16x80xi32, #tpu.memory_space<vmem>>
        %dma_start3A_624 = tpu.memref_squeeze %dma_start3A_623 : memref<1x16x80xi32, #tpu.memory_space<vmem>> -> memref<16x80xi32, #tpu.memory_space<vmem>>
        %dma_start3A_625 = arith.constant 0 : i32
        %dma_start3A_626 = tpu.memref_slice %arg3[%add3A, %add3A_618, %dma_start3A_625] : memref<32x125x80xi32, #tpu.memory_space<hbm>> -> memref<1x16x80xi32, #tpu.memory_space<hbm>>
        %dma_start3A_627 = tpu.memref_squeeze %dma_start3A_626 : memref<1x16x80xi32, #tpu.memory_space<hbm>> -> memref<16x80xi32, #tpu.memory_space<hbm>>
        %dma_start3A_628 = arith.constant 0 : i32
        %dma_start3A_629 = arith.constant 0 : i32
        %dma_start3A_630 = tpu.memref_slice %arg6[%sub3A_620, %dma_start3A_628, %dma_start3A_629] : memref<2x16x80xi32, #tpu.memory_space<vmem>> -> memref<1x16x80xi32, #tpu.memory_space<vmem>>
        %dma_start3A_631 = tpu.memref_squeeze %dma_start3A_630 : memref<1x16x80xi32, #tpu.memory_space<vmem>> -> memref<16x80xi32, #tpu.memory_space<vmem>>
        %dma_start3A_632 = arith.constant 0 : i32
        %dma_start3A_633 = tpu.memref_slice %arg3[%add3A, %add3A_618, %dma_start3A_632] : memref<32x125x80xi32, #tpu.memory_space<hbm>> -> memref<1x16x80xi32, #tpu.memory_space<hbm>>
        %dma_start3A_634 = tpu.memref_squeeze %dma_start3A_633 : memref<1x16x80xi32, #tpu.memory_space<hbm>> -> memref<16x80xi32, #tpu.memory_space<hbm>>
        tpu.enqueue_dma source(%dma_start3A_634 : memref<16x80xi32, #tpu.memory_space<hbm>>) target(%dma_start3A_631 : memref<16x80xi32, #tpu.memory_space<vmem>>) target_semaphore(%arg17 : memref<!tpu.dma_semaphore, #tpu.memory_space<semaphore_mem>>)
      } else {
      }
      %div3A_596 = arith.constant 16 : i32
      %div3A_597 = arith.divsi %add3A_554, %div3A_596 : i32
      %rem3A_598 = arith.constant 2 : i32
      %rem3A_599 = arith.remsi %div3A_597, %rem3A_598 : i32
      %rem3A_600 = arith.constant 16 : i32
      %rem3A_601 = arith.remsi %add3A_554, %rem3A_600 : i32
      %dma_wait3A_602 = arith.constant 0 : i32
      %dma_wait3A_603 = tpu.memref_slice %arg6[%rem3A_599, %rem3A_601, %dma_wait3A_602] : memref<2x16x80xi32, #tpu.memory_space<vmem>> -> memref<1x1x80xi32, #tpu.memory_space<vmem>>
      %dma_wait3A_604 = tpu.memref_squeeze %dma_wait3A_603 : memref<1x1x80xi32, #tpu.memory_space<vmem>> -> memref<80xi32, #tpu.memory_space<vmem>>
      %dma_wait3A_605 = arith.constant 0 : i32
      %dma_wait3A_606 = arith.constant 0 : i32
      %dma_wait3A_607 = tpu.memref_slice %arg2[%dma_wait3A_605, %dma_wait3A_606] : memref<10000x128xf32, #tpu.memory_space<hbm>> -> memref<10000x128xf32, #tpu.memory_space<hbm>>
      tpu.wait_indirect_dma semaphore(%arg16 : memref<!tpu.dma_semaphore, #tpu.memory_space<semaphore_mem>>) src(%dma_wait3A_607 : memref<10000x128xf32, #tpu.memory_space<hbm>>) dst(%arg11 : memref<80x128xf32, #tpu.memory_space<vmem>>)
      %rem3A_608 = arith.constant 8 : i32
      %rem3A_609 = arith.remsi %add3A_554, %rem3A_608 : i32
      "tpu.region"() ({
        %run_scoped3A_615 = tpu.sem_alloc : memref<!tpu.dma_semaphore, #tpu.memory_space<semaphore_mem>>
        %dma_start3A_616 = arith.constant 0 : i32
        %dma_start3A_617 = tpu.memref_slice %arg7[%rem3A_558, %rem3A_609, %dma_start3A_616] : memref<2x8x80xi32, #tpu.memory_space<vmem>> -> memref<1x1x80xi32, #tpu.memory_space<vmem>>
        %dma_start3A_618 = tpu.memref_squeeze %dma_start3A_617 : memref<1x1x80xi32, #tpu.memory_space<vmem>> -> memref<80xi32, #tpu.memory_space<vmem>>
        %dma_start3A_619 = arith.constant 0 : i32
        %dma_start3A_620 = arith.constant 0 : i32
        %dma_start3A_621 = tpu.memref_slice %arg12[%dma_start3A_619, %dma_start3A_620] : memref<10240x128xf32, #tpu.memory_space<vmem_shared>> -> memref<10240x128xf32, #tpu.memory_space<vmem_shared>>
        tpu.enqueue_indirect_dma source(%arg11 : memref<80x128xf32, #tpu.memory_space<vmem>>) target(%dma_start3A_621 : memref<10240x128xf32, #tpu.memory_space<vmem_shared>>) offsets(%dma_start3A_618 : memref<80xi32, #tpu.memory_space<vmem>>) semaphore(%run_scoped3A_615 : memref<!tpu.dma_semaphore, #tpu.memory_space<semaphore_mem>>) {add = true}
        %dma_wait3A_622 = arith.constant 0 : i32
        %dma_wait3A_623 = tpu.memref_slice %arg7[%rem3A_558, %rem3A_609, %dma_wait3A_622] : memref<2x8x80xi32, #tpu.memory_space<vmem>> -> memref<1x1x80xi32, #tpu.memory_space<vmem>>
        %dma_wait3A_624 = tpu.memref_squeeze %dma_wait3A_623 : memref<1x1x80xi32, #tpu.memory_space<vmem>> -> memref<80xi32, #tpu.memory_space<vmem>>
        %dma_wait3A_625 = arith.constant 0 : i32
        %dma_wait3A_626 = arith.constant 0 : i32
        %dma_wait3A_627 = tpu.memref_slice %arg12[%dma_wait3A_625, %dma_wait3A_626] : memref<10240x128xf32, #tpu.memory_space<vmem_shared>> -> memref<10240x128xf32, #tpu.memory_space<vmem_shared>>
        tpu.wait_indirect_dma semaphore(%run_scoped3A_615 : memref<!tpu.dma_semaphore, #tpu.memory_space<semaphore_mem>>) src(%arg11 : memref<80x128xf32, #tpu.memory_space<vmem>>) dst(%dma_wait3A_627 : memref<10240x128xf32, #tpu.memory_space<vmem_shared>>)
        tpu.yield
      }) : () -> ()
      %lt3A_610 = arith.constant 125 : i32
      %lt3A_611 = arith.cmpi slt, %add3A_567, %lt3A_610 : i32
      %convert_element_type3A_612 = arith.extui %lt3A_611 : i1 to i32
      %cond3A_613 = arith.constant 0 : i32
      %cond3A_614 = arith.cmpi ne, %convert_element_type3A_612, %cond3A_613 : i32
      scf.if %cond3A_614 {
        %rem3A_615 = arith.constant 16 : i32
        %rem3A_616 = arith.remsi %add3A_567, %rem3A_615 : i32
        %dma_start3A_617 = arith.constant 0 : i32
        %dma_start3A_618 = tpu.memref_slice %arg6[%rem3A_571, %rem3A_616, %dma_start3A_617] : memref<2x16x80xi32, #tpu.memory_space<vmem>> -> memref<1x1x80xi32, #tpu.memory_space<vmem>>
        %dma_start3A_619 = tpu.memref_squeeze %dma_start3A_618 : memref<1x1x80xi32, #tpu.memory_space<vmem>> -> memref<80xi32, #tpu.memory_space<vmem>>
        %dma_start3A_620 = arith.constant 0 : i32
        %dma_start3A_621 = arith.constant 0 : i32
        %dma_start3A_622 = tpu.memref_slice %arg2[%dma_start3A_620, %dma_start3A_621] : memref<10000x128xf32, #tpu.memory_space<hbm>> -> memref<10000x128xf32, #tpu.memory_space<hbm>>
        tpu.enqueue_indirect_dma source(%dma_start3A_622 : memref<10000x128xf32, #tpu.memory_space<hbm>>) target(%arg11 : memref<80x128xf32, #tpu.memory_space<vmem>>) offsets(%dma_start3A_619 : memref<80xi32, #tpu.memory_space<vmem>>) semaphore(%arg16 : memref<!tpu.dma_semaphore, #tpu.memory_space<semaphore_mem>>)
      } else {
      }
    }
    %scan3A_202 = arith.constant 31 : i32
    %rem3A = arith.constant 124 : i32
    %rem3A_203 = arith.constant 16 : i32
    %rem3A_204 = arith.remsi %rem3A, %rem3A_203 : i32
    %dma_wait3A_205 = arith.constant 1 : i32
    %dma_wait3A_206 = arith.constant 0 : i32
    %dma_wait3A_207 = tpu.memref_slice %arg6[%dma_wait3A_205, %rem3A_204, %dma_wait3A_206] : memref<2x16x80xi32, #tpu.memory_space<vmem>> -> memref<1x1x80xi32, #tpu.memory_space<vmem>>
    %dma_wait3A_208 = tpu.memref_squeeze %dma_wait3A_207 : memref<1x1x80xi32, #tpu.memory_space<vmem>> -> memref<80xi32, #tpu.memory_space<vmem>>
    %dma_wait3A_209 = arith.constant 0 : i32
    %dma_wait3A_210 = arith.constant 0 : i32
    %dma_wait3A_211 = tpu.memref_slice %arg2[%dma_wait3A_209, %dma_wait3A_210] : memref<10000x128xf32, #tpu.memory_space<hbm>> -> memref<10000x128xf32, #tpu.memory_space<hbm>>
    tpu.wait_indirect_dma semaphore(%arg13 : memref<!tpu.dma_semaphore, #tpu.memory_space<semaphore_mem>>) src(%dma_wait3A_211 : memref<10000x128xf32, #tpu.memory_space<hbm>>) dst(%arg8 : memref<80x128xf32, #tpu.memory_space<vmem>>)
    %rem3A_212 = arith.constant 124 : i32
    %rem3A_213 = arith.constant 8 : i32
    %rem3A_214 = arith.remsi %rem3A_212, %rem3A_213 : i32
    %run_scoped3A_215 = arith.constant 1 : i32
    "tpu.region"() ({
      %run_scoped3A_361 = tpu.sem_alloc : memref<!tpu.dma_semaphore, #tpu.memory_space<semaphore_mem>>
      %dma_start3A_362 = arith.constant 0 : i32
      %dma_start3A_363 = tpu.memref_slice %arg7[%run_scoped3A_215, %rem3A_214, %dma_start3A_362] : memref<2x8x80xi32, #tpu.memory_space<vmem>> -> memref<1x1x80xi32, #tpu.memory_space<vmem>>
      %dma_start3A_364 = tpu.memref_squeeze %dma_start3A_363 : memref<1x1x80xi32, #tpu.memory_space<vmem>> -> memref<80xi32, #tpu.memory_space<vmem>>
      %dma_start3A_365 = arith.constant 0 : i32
      %dma_start3A_366 = arith.constant 0 : i32
      %dma_start3A_367 = tpu.memref_slice %arg12[%dma_start3A_365, %dma_start3A_366] : memref<10240x128xf32, #tpu.memory_space<vmem_shared>> -> memref<10240x128xf32, #tpu.memory_space<vmem_shared>>
      tpu.enqueue_indirect_dma source(%arg8 : memref<80x128xf32, #tpu.memory_space<vmem>>) target(%dma_start3A_367 : memref<10240x128xf32, #tpu.memory_space<vmem_shared>>) offsets(%dma_start3A_364 : memref<80xi32, #tpu.memory_space<vmem>>) semaphore(%run_scoped3A_361 : memref<!tpu.dma_semaphore, #tpu.memory_space<semaphore_mem>>) {add = true}
      %dma_wait3A_368 = arith.constant 0 : i32
      %dma_wait3A_369 = tpu.memref_slice %arg7[%run_scoped3A_215, %rem3A_214, %dma_wait3A_368] : memref<2x8x80xi32, #tpu.memory_space<vmem>> -> memref<1x1x80xi32, #tpu.memory_space<vmem>>
      %dma_wait3A_370 = tpu.memref_squeeze %dma_wait3A_369 : memref<1x1x80xi32, #tpu.memory_space<vmem>> -> memref<80xi32, #tpu.memory_space<vmem>>
      %dma_wait3A_371 = arith.constant 0 : i32
      %dma_wait3A_372 = arith.constant 0 : i32
      %dma_wait3A_373 = tpu.memref_slice %arg12[%dma_wait3A_371, %dma_wait3A_372] : memref<10240x128xf32, #tpu.memory_space<vmem_shared>> -> memref<10240x128xf32, #tpu.memory_space<vmem_shared>>
      tpu.wait_indirect_dma semaphore(%run_scoped3A_361 : memref<!tpu.dma_semaphore, #tpu.memory_space<semaphore_mem>>) src(%arg8 : memref<80x128xf32, #tpu.memory_space<vmem>>) dst(%dma_wait3A_373 : memref<10240x128xf32, #tpu.memory_space<vmem_shared>>)
      tpu.yield
    }) : () -> ()
    %barrier3A_216 = arith.constant 0 : index
    tpu.barrier barrier_id(%barrier3A_216)
    %mul3A_217 = arith.constant 640 : i32
    %mul3A_218 = arith.muli %arg1, %mul3A_217 : i32
    %add3A_219 = arith.constant 0 : i32
    %add3A_220 = arith.addi %mul3A_218, %add3A_219 : i32
    %dma_start3A_221 = arith.constant 0 : i32
    %dma_start3A_222 = tpu.memref_slice %arg5[%arg0, %add3A_220, %dma_start3A_221] : memref<2x10240x128xf32, #tpu.memory_space<hbm>> -> memref<1x80x128xf32, #tpu.memory_space<hbm>>
    %dma_start3A_223 = tpu.memref_squeeze %dma_start3A_222 : memref<1x80x128xf32, #tpu.memory_space<hbm>> -> memref<80x128xf32, #tpu.memory_space<hbm>>
    %dma_start3A_224 = arith.constant 0 : i32
    %dma_start3A_225 = tpu.memref_slice %arg12[%add3A_220, %dma_start3A_224] : memref<10240x128xf32, #tpu.memory_space<vmem_shared>> -> memref<80x128xf32, #tpu.memory_space<vmem_shared>>
    tpu.enqueue_dma source(%dma_start3A_225 : memref<80x128xf32, #tpu.memory_space<vmem_shared>>) target(%dma_start3A_223 : memref<80x128xf32, #tpu.memory_space<hbm>>) target_semaphore(%arg13 : memref<!tpu.dma_semaphore, #tpu.memory_space<semaphore_mem>>)
    %mul3A_226 = arith.constant 640 : i32
    %mul3A_227 = arith.muli %arg1, %mul3A_226 : i32
    %add3A_228 = arith.constant 80 : i32
    %add3A_229 = arith.addi %mul3A_227, %add3A_228 : i32
    %dma_start3A_230 = arith.constant 0 : i32
    %dma_start3A_231 = tpu.memref_slice %arg5[%arg0, %add3A_229, %dma_start3A_230] : memref<2x10240x128xf32, #tpu.memory_space<hbm>> -> memref<1x80x128xf32, #tpu.memory_space<hbm>>
    %dma_start3A_232 = tpu.memref_squeeze %dma_start3A_231 : memref<1x80x128xf32, #tpu.memory_space<hbm>> -> memref<80x128xf32, #tpu.memory_space<hbm>>
    %dma_start3A_233 = arith.constant 0 : i32
    %dma_start3A_234 = tpu.memref_slice %arg12[%add3A_229, %dma_start3A_233] : memref<10240x128xf32, #tpu.memory_space<vmem_shared>> -> memref<80x128xf32, #tpu.memory_space<vmem_shared>>
    tpu.enqueue_dma source(%dma_start3A_234 : memref<80x128xf32, #tpu.memory_space<vmem_shared>>) target(%dma_start3A_232 : memref<80x128xf32, #tpu.memory_space<hbm>>) target_semaphore(%arg13 : memref<!tpu.dma_semaphore, #tpu.memory_space<semaphore_mem>>)
    %mul3A_235 = arith.constant 640 : i32
    %mul3A_236 = arith.muli %arg1, %mul3A_235 : i32
    %add3A_237 = arith.constant 160 : i32
    %add3A_238 = arith.addi %mul3A_236, %add3A_237 : i32
    %dma_start3A_239 = arith.constant 0 : i32
    %dma_start3A_240 = tpu.memref_slice %arg5[%arg0, %add3A_238, %dma_start3A_239] : memref<2x10240x128xf32, #tpu.memory_space<hbm>> -> memref<1x80x128xf32, #tpu.memory_space<hbm>>
    %dma_start3A_241 = tpu.memref_squeeze %dma_start3A_240 : memref<1x80x128xf32, #tpu.memory_space<hbm>> -> memref<80x128xf32, #tpu.memory_space<hbm>>
    %dma_start3A_242 = arith.constant 0 : i32
    %dma_start3A_243 = tpu.memref_slice %arg12[%add3A_238, %dma_start3A_242] : memref<10240x128xf32, #tpu.memory_space<vmem_shared>> -> memref<80x128xf32, #tpu.memory_space<vmem_shared>>
    tpu.enqueue_dma source(%dma_start3A_243 : memref<80x128xf32, #tpu.memory_space<vmem_shared>>) target(%dma_start3A_241 : memref<80x128xf32, #tpu.memory_space<hbm>>) target_semaphore(%arg13 : memref<!tpu.dma_semaphore, #tpu.memory_space<semaphore_mem>>)
    %mul3A_244 = arith.constant 640 : i32
    %mul3A_245 = arith.muli %arg1, %mul3A_244 : i32
    %add3A_246 = arith.constant 240 : i32
    %add3A_247 = arith.addi %mul3A_245, %add3A_246 : i32
    %dma_start3A_248 = arith.constant 0 : i32
    %dma_start3A_249 = tpu.memref_slice %arg5[%arg0, %add3A_247, %dma_start3A_248] : memref<2x10240x128xf32, #tpu.memory_space<hbm>> -> memref<1x80x128xf32, #tpu.memory_space<hbm>>
    %dma_start3A_250 = tpu.memref_squeeze %dma_start3A_249 : memref<1x80x128xf32, #tpu.memory_space<hbm>> -> memref<80x128xf32, #tpu.memory_space<hbm>>
    %dma_start3A_251 = arith.constant 0 : i32
    %dma_start3A_252 = tpu.memref_slice %arg12[%add3A_247, %dma_start3A_251] : memref<10240x128xf32, #tpu.memory_space<vmem_shared>> -> memref<80x128xf32, #tpu.memory_space<vmem_shared>>
    tpu.enqueue_dma source(%dma_start3A_252 : memref<80x128xf32, #tpu.memory_space<vmem_shared>>) target(%dma_start3A_250 : memref<80x128xf32, #tpu.memory_space<hbm>>) target_semaphore(%arg13 : memref<!tpu.dma_semaphore, #tpu.memory_space<semaphore_mem>>)
    %mul3A_253 = arith.constant 640 : i32
    %mul3A_254 = arith.muli %arg1, %mul3A_253 : i32
    %add3A_255 = arith.constant 320 : i32
    %add3A_256 = arith.addi %mul3A_254, %add3A_255 : i32
    %dma_start3A_257 = arith.constant 0 : i32
    %dma_start3A_258 = tpu.memref_slice %arg5[%arg0, %add3A_256, %dma_start3A_257] : memref<2x10240x128xf32, #tpu.memory_space<hbm>> -> memref<1x80x128xf32, #tpu.memory_space<hbm>>
    %dma_start3A_259 = tpu.memref_squeeze %dma_start3A_258 : memref<1x80x128xf32, #tpu.memory_space<hbm>> -> memref<80x128xf32, #tpu.memory_space<hbm>>
    %dma_start3A_260 = arith.constant 0 : i32
    %dma_start3A_261 = tpu.memref_slice %arg12[%add3A_256, %dma_start3A_260] : memref<10240x128xf32, #tpu.memory_space<vmem_shared>> -> memref<80x128xf32, #tpu.memory_space<vmem_shared>>
    tpu.enqueue_dma source(%dma_start3A_261 : memref<80x128xf32, #tpu.memory_space<vmem_shared>>) target(%dma_start3A_259 : memref<80x128xf32, #tpu.memory_space<hbm>>) target_semaphore(%arg13 : memref<!tpu.dma_semaphore, #tpu.memory_space<semaphore_mem>>)
    %mul3A_262 = arith.constant 640 : i32
    %mul3A_263 = arith.muli %arg1, %mul3A_262 : i32
    %add3A_264 = arith.constant 400 : i32
    %add3A_265 = arith.addi %mul3A_263, %add3A_264 : i32
    %dma_start3A_266 = arith.constant 0 : i32
    %dma_start3A_267 = tpu.memref_slice %arg5[%arg0, %add3A_265, %dma_start3A_266] : memref<2x10240x128xf32, #tpu.memory_space<hbm>> -> memref<1x80x128xf32, #tpu.memory_space<hbm>>
    %dma_start3A_268 = tpu.memref_squeeze %dma_start3A_267 : memref<1x80x128xf32, #tpu.memory_space<hbm>> -> memref<80x128xf32, #tpu.memory_space<hbm>>
    %dma_start3A_269 = arith.constant 0 : i32
    %dma_start3A_270 = tpu.memref_slice %arg12[%add3A_265, %dma_start3A_269] : memref<10240x128xf32, #tpu.memory_space<vmem_shared>> -> memref<80x128xf32, #tpu.memory_space<vmem_shared>>
    tpu.enqueue_dma source(%dma_start3A_270 : memref<80x128xf32, #tpu.memory_space<vmem_shared>>) target(%dma_start3A_268 : memref<80x128xf32, #tpu.memory_space<hbm>>) target_semaphore(%arg13 : memref<!tpu.dma_semaphore, #tpu.memory_space<semaphore_mem>>)
    %mul3A_271 = arith.constant 640 : i32
    %mul3A_272 = arith.muli %arg1, %mul3A_271 : i32
    %add3A_273 = arith.constant 480 : i32
    %add3A_274 = arith.addi %mul3A_272, %add3A_273 : i32
    %dma_start3A_275 = arith.constant 0 : i32
    %dma_start3A_276 = tpu.memref_slice %arg5[%arg0, %add3A_274, %dma_start3A_275] : memref<2x10240x128xf32, #tpu.memory_space<hbm>> -> memref<1x80x128xf32, #tpu.memory_space<hbm>>
    %dma_start3A_277 = tpu.memref_squeeze %dma_start3A_276 : memref<1x80x128xf32, #tpu.memory_space<hbm>> -> memref<80x128xf32, #tpu.memory_space<hbm>>
    %dma_start3A_278 = arith.constant 0 : i32
    %dma_start3A_279 = tpu.memref_slice %arg12[%add3A_274, %dma_start3A_278] : memref<10240x128xf32, #tpu.memory_space<vmem_shared>> -> memref<80x128xf32, #tpu.memory_space<vmem_shared>>
    tpu.enqueue_dma source(%dma_start3A_279 : memref<80x128xf32, #tpu.memory_space<vmem_shared>>) target(%dma_start3A_277 : memref<80x128xf32, #tpu.memory_space<hbm>>) target_semaphore(%arg13 : memref<!tpu.dma_semaphore, #tpu.memory_space<semaphore_mem>>)
    %mul3A_280 = arith.constant 640 : i32
    %mul3A_281 = arith.muli %arg1, %mul3A_280 : i32
    %add3A_282 = arith.constant 560 : i32
    %add3A_283 = arith.addi %mul3A_281, %add3A_282 : i32
    %dma_start3A_284 = arith.constant 0 : i32
    %dma_start3A_285 = tpu.memref_slice %arg5[%arg0, %add3A_283, %dma_start3A_284] : memref<2x10240x128xf32, #tpu.memory_space<hbm>> -> memref<1x80x128xf32, #tpu.memory_space<hbm>>
    %dma_start3A_286 = tpu.memref_squeeze %dma_start3A_285 : memref<1x80x128xf32, #tpu.memory_space<hbm>> -> memref<80x128xf32, #tpu.memory_space<hbm>>
    %dma_start3A_287 = arith.constant 0 : i32
    %dma_start3A_288 = tpu.memref_slice %arg12[%add3A_283, %dma_start3A_287] : memref<10240x128xf32, #tpu.memory_space<vmem_shared>> -> memref<80x128xf32, #tpu.memory_space<vmem_shared>>
    tpu.enqueue_dma source(%dma_start3A_288 : memref<80x128xf32, #tpu.memory_space<vmem_shared>>) target(%dma_start3A_286 : memref<80x128xf32, #tpu.memory_space<hbm>>) target_semaphore(%arg13 : memref<!tpu.dma_semaphore, #tpu.memory_space<semaphore_mem>>)
    %mul3A_289 = arith.constant 640 : i32
    %mul3A_290 = arith.muli %arg1, %mul3A_289 : i32
    %add3A_291 = arith.constant 0 : i32
    %add3A_292 = arith.addi %mul3A_290, %add3A_291 : i32
    %dma_wait3A_293 = arith.constant 0 : i32
    %dma_wait3A_294 = tpu.memref_slice %arg5[%arg0, %add3A_292, %dma_wait3A_293] : memref<2x10240x128xf32, #tpu.memory_space<hbm>> -> memref<1x80x128xf32, #tpu.memory_space<hbm>>
    %dma_wait3A_295 = tpu.memref_squeeze %dma_wait3A_294 : memref<1x80x128xf32, #tpu.memory_space<hbm>> -> memref<80x128xf32, #tpu.memory_space<hbm>>
    %dma_wait3A_296 = arith.constant 0 : i32
    %dma_wait3A_297 = tpu.memref_slice %arg12[%add3A_292, %dma_wait3A_296] : memref<10240x128xf32, #tpu.memory_space<vmem_shared>> -> memref<80x128xf32, #tpu.memory_space<vmem_shared>>
    tpu.wait_dma2 semaphore(%arg13 : memref<!tpu.dma_semaphore, #tpu.memory_space<semaphore_mem>>) src(%dma_wait3A_297 : memref<80x128xf32, #tpu.memory_space<vmem_shared>>) dst(%dma_wait3A_295 : memref<80x128xf32, #tpu.memory_space<hbm>>)
    %mul3A_298 = arith.constant 640 : i32
    %mul3A_299 = arith.muli %arg1, %mul3A_298 : i32
    %add3A_300 = arith.constant 80 : i32
    %add3A_301 = arith.addi %mul3A_299, %add3A_300 : i32
    %dma_wait3A_302 = arith.constant 0 : i32
    %dma_wait3A_303 = tpu.memref_slice %arg5[%arg0, %add3A_301, %dma_wait3A_302] : memref<2x10240x128xf32, #tpu.memory_space<hbm>> -> memref<1x80x128xf32, #tpu.memory_space<hbm>>
    %dma_wait3A_304 = tpu.memref_squeeze %dma_wait3A_303 : memref<1x80x128xf32, #tpu.memory_space<hbm>> -> memref<80x128xf32, #tpu.memory_space<hbm>>
    %dma_wait3A_305 = arith.constant 0 : i32
    %dma_wait3A_306 = tpu.memref_slice %arg12[%add3A_301, %dma_wait3A_305] : memref<10240x128xf32, #tpu.memory_space<vmem_shared>> -> memref<80x128xf32, #tpu.memory_space<vmem_shared>>
    tpu.wait_dma2 semaphore(%arg13 : memref<!tpu.dma_semaphore, #tpu.memory_space<semaphore_mem>>) src(%dma_wait3A_306 : memref<80x128xf32, #tpu.memory_space<vmem_shared>>) dst(%dma_wait3A_304 : memref<80x128xf32, #tpu.memory_space<hbm>>)
    %mul3A_307 = arith.constant 640 : i32
    %mul3A_308 = arith.muli %arg1, %mul3A_307 : i32
    %add3A_309 = arith.constant 160 : i32
    %add3A_310 = arith.addi %mul3A_308, %add3A_309 : i32
    %dma_wait3A_311 = arith.constant 0 : i32
    %dma_wait3A_312 = tpu.memref_slice %arg5[%arg0, %add3A_310, %dma_wait3A_311] : memref<2x10240x128xf32, #tpu.memory_space<hbm>> -> memref<1x80x128xf32, #tpu.memory_space<hbm>>
    %dma_wait3A_313 = tpu.memref_squeeze %dma_wait3A_312 : memref<1x80x128xf32, #tpu.memory_space<hbm>> -> memref<80x128xf32, #tpu.memory_space<hbm>>
    %dma_wait3A_314 = arith.constant 0 : i32
    %dma_wait3A_315 = tpu.memref_slice %arg12[%add3A_310, %dma_wait3A_314] : memref<10240x128xf32, #tpu.memory_space<vmem_shared>> -> memref<80x128xf32, #tpu.memory_space<vmem_shared>>
    tpu.wait_dma2 semaphore(%arg13 : memref<!tpu.dma_semaphore, #tpu.memory_space<semaphore_mem>>) src(%dma_wait3A_315 : memref<80x128xf32, #tpu.memory_space<vmem_shared>>) dst(%dma_wait3A_313 : memref<80x128xf32, #tpu.memory_space<hbm>>)
    %mul3A_316 = arith.constant 640 : i32
    %mul3A_317 = arith.muli %arg1, %mul3A_316 : i32
    %add3A_318 = arith.constant 240 : i32
    %add3A_319 = arith.addi %mul3A_317, %add3A_318 : i32
    %dma_wait3A_320 = arith.constant 0 : i32
    %dma_wait3A_321 = tpu.memref_slice %arg5[%arg0, %add3A_319, %dma_wait3A_320] : memref<2x10240x128xf32, #tpu.memory_space<hbm>> -> memref<1x80x128xf32, #tpu.memory_space<hbm>>
    %dma_wait3A_322 = tpu.memref_squeeze %dma_wait3A_321 : memref<1x80x128xf32, #tpu.memory_space<hbm>> -> memref<80x128xf32, #tpu.memory_space<hbm>>
    %dma_wait3A_323 = arith.constant 0 : i32
    %dma_wait3A_324 = tpu.memref_slice %arg12[%add3A_319, %dma_wait3A_323] : memref<10240x128xf32, #tpu.memory_space<vmem_shared>> -> memref<80x128xf32, #tpu.memory_space<vmem_shared>>
    tpu.wait_dma2 semaphore(%arg13 : memref<!tpu.dma_semaphore, #tpu.memory_space<semaphore_mem>>) src(%dma_wait3A_324 : memref<80x128xf32, #tpu.memory_space<vmem_shared>>) dst(%dma_wait3A_322 : memref<80x128xf32, #tpu.memory_space<hbm>>)
    %mul3A_325 = arith.constant 640 : i32
    %mul3A_326 = arith.muli %arg1, %mul3A_325 : i32
    %add3A_327 = arith.constant 320 : i32
    %add3A_328 = arith.addi %mul3A_326, %add3A_327 : i32
    %dma_wait3A_329 = arith.constant 0 : i32
    %dma_wait3A_330 = tpu.memref_slice %arg5[%arg0, %add3A_328, %dma_wait3A_329] : memref<2x10240x128xf32, #tpu.memory_space<hbm>> -> memref<1x80x128xf32, #tpu.memory_space<hbm>>
    %dma_wait3A_331 = tpu.memref_squeeze %dma_wait3A_330 : memref<1x80x128xf32, #tpu.memory_space<hbm>> -> memref<80x128xf32, #tpu.memory_space<hbm>>
    %dma_wait3A_332 = arith.constant 0 : i32
    %dma_wait3A_333 = tpu.memref_slice %arg12[%add3A_328, %dma_wait3A_332] : memref<10240x128xf32, #tpu.memory_space<vmem_shared>> -> memref<80x128xf32, #tpu.memory_space<vmem_shared>>
    tpu.wait_dma2 semaphore(%arg13 : memref<!tpu.dma_semaphore, #tpu.memory_space<semaphore_mem>>) src(%dma_wait3A_333 : memref<80x128xf32, #tpu.memory_space<vmem_shared>>) dst(%dma_wait3A_331 : memref<80x128xf32, #tpu.memory_space<hbm>>)
    %mul3A_334 = arith.constant 640 : i32
    %mul3A_335 = arith.muli %arg1, %mul3A_334 : i32
    %add3A_336 = arith.constant 400 : i32
    %add3A_337 = arith.addi %mul3A_335, %add3A_336 : i32
    %dma_wait3A_338 = arith.constant 0 : i32
    %dma_wait3A_339 = tpu.memref_slice %arg5[%arg0, %add3A_337, %dma_wait3A_338] : memref<2x10240x128xf32, #tpu.memory_space<hbm>> -> memref<1x80x128xf32, #tpu.memory_space<hbm>>
    %dma_wait3A_340 = tpu.memref_squeeze %dma_wait3A_339 : memref<1x80x128xf32, #tpu.memory_space<hbm>> -> memref<80x128xf32, #tpu.memory_space<hbm>>
    %dma_wait3A_341 = arith.constant 0 : i32
    %dma_wait3A_342 = tpu.memref_slice %arg12[%add3A_337, %dma_wait3A_341] : memref<10240x128xf32, #tpu.memory_space<vmem_shared>> -> memref<80x128xf32, #tpu.memory_space<vmem_shared>>
    tpu.wait_dma2 semaphore(%arg13 : memref<!tpu.dma_semaphore, #tpu.memory_space<semaphore_mem>>) src(%dma_wait3A_342 : memref<80x128xf32, #tpu.memory_space<vmem_shared>>) dst(%dma_wait3A_340 : memref<80x128xf32, #tpu.memory_space<hbm>>)
    %mul3A_343 = arith.constant 640 : i32
    %mul3A_344 = arith.muli %arg1, %mul3A_343 : i32
    %add3A_345 = arith.constant 480 : i32
    %add3A_346 = arith.addi %mul3A_344, %add3A_345 : i32
    %dma_wait3A_347 = arith.constant 0 : i32
    %dma_wait3A_348 = tpu.memref_slice %arg5[%arg0, %add3A_346, %dma_wait3A_347] : memref<2x10240x128xf32, #tpu.memory_space<hbm>> -> memref<1x80x128xf32, #tpu.memory_space<hbm>>
    %dma_wait3A_349 = tpu.memref_squeeze %dma_wait3A_348 : memref<1x80x128xf32, #tpu.memory_space<hbm>> -> memref<80x128xf32, #tpu.memory_space<hbm>>
    %dma_wait3A_350 = arith.constant 0 : i32
    %dma_wait3A_351 = tpu.memref_slice %arg12[%add3A_346, %dma_wait3A_350] : memref<10240x128xf32, #tpu.memory_space<vmem_shared>> -> memref<80x128xf32, #tpu.memory_space<vmem_shared>>
    tpu.wait_dma2 semaphore(%arg13 : memref<!tpu.dma_semaphore, #tpu.memory_space<semaphore_mem>>) src(%dma_wait3A_351 : memref<80x128xf32, #tpu.memory_space<vmem_shared>>) dst(%dma_wait3A_349 : memref<80x128xf32, #tpu.memory_space<hbm>>)
    %mul3A_352 = arith.constant 640 : i32
    %mul3A_353 = arith.muli %arg1, %mul3A_352 : i32
    %add3A_354 = arith.constant 560 : i32
    %add3A_355 = arith.addi %mul3A_353, %add3A_354 : i32
    %dma_wait3A_356 = arith.constant 0 : i32
    %dma_wait3A_357 = tpu.memref_slice %arg5[%arg0, %add3A_355, %dma_wait3A_356] : memref<2x10240x128xf32, #tpu.memory_space<hbm>> -> memref<1x80x128xf32, #tpu.memory_space<hbm>>
    %dma_wait3A_358 = tpu.memref_squeeze %dma_wait3A_357 : memref<1x80x128xf32, #tpu.memory_space<hbm>> -> memref<80x128xf32, #tpu.memory_space<hbm>>
    %dma_wait3A_359 = arith.constant 0 : i32
    %dma_wait3A_360 = tpu.memref_slice %arg12[%add3A_355, %dma_wait3A_359] : memref<10240x128xf32, #tpu.memory_space<vmem_shared>> -> memref<80x128xf32, #tpu.memory_space<vmem_shared>>
    tpu.wait_dma2 semaphore(%arg13 : memref<!tpu.dma_semaphore, #tpu.memory_space<semaphore_mem>>) src(%dma_wait3A_360 : memref<80x128xf32, #tpu.memory_space<vmem_shared>>) dst(%dma_wait3A_358 : memref<80x128xf32, #tpu.memory_space<hbm>>)
    return
  }
}

module attributes {stable_mosaic.version = 14 : i64} {
  func.func @_final_body(%arg0: i32, %arg1: memref<5000x128xf32, #tpu.memory_space<vmem>>, %arg2: memref<2x5000x128xf32, #tpu.memory_space<vmem>>, %arg3: memref<1x64xf32, #tpu.memory_space<vmem>>, %arg4: memref<128x64xf32, #tpu.memory_space<vmem>>, %arg5: memref<5000x64xf32, #tpu.memory_space<vmem>>) attributes {dimension_semantics = [#tpu.dimension_semantics<arbitrary>], iteration_bounds = array<i64: 2>, scalar_prefetch = 0 : i64, scratch_operands = 0 : i64, tpu.core_type = #tpu.core_type<tc>, window_params = [{transform_indices = @transform_0, window_bounds = array<i64: 5000, 128>}, {transform_indices = @transform_1, window_bounds = array<i64: 2, 5000, 128>}, {pipeline_mode = #tpu.pipeline_mode<synchronous>, transform_indices = @transform_2, window_bounds = array<i64: 1, 64>}, {pipeline_mode = #tpu.pipeline_mode<synchronous>, transform_indices = @transform_3, window_bounds = array<i64: 128, 64>}, {transform_indices = @transform_4, window_bounds = array<i64: 5000, 64>}]} {
    %get3A = arith.constant 0 : index
    %get3A_0 = arith.constant 0 : index
    %get3A_1 = vector.load %arg1[%get3A, %get3A_0] : memref<5000x128xf32, #tpu.memory_space<vmem>>, vector<5000x128xf32>
    %get3A_2 = arith.constant 0 : index
    %get3A_3 = arith.constant 0 : index
    %get3A_4 = arith.constant 0 : index
    %get3A_5 = vector.load %arg2[%get3A_2, %get3A_3, %get3A_4] : memref<2x5000x128xf32, #tpu.memory_space<vmem>>, vector<1x5000x128xf32>
    %get3A_6 = vector.shape_cast %get3A_5 : vector<1x5000x128xf32> to vector<5000x128xf32>
    %add3A = arith.addf %get3A_1, %get3A_6 : vector<5000x128xf32>
    %get3A_7 = arith.constant 1 : index
    %get3A_8 = arith.constant 0 : index
    %get3A_9 = arith.constant 0 : index
    %get3A_10 = vector.load %arg2[%get3A_7, %get3A_8, %get3A_9] : memref<2x5000x128xf32, #tpu.memory_space<vmem>>, vector<1x5000x128xf32>
    %get3A_11 = vector.shape_cast %get3A_10 : vector<1x5000x128xf32> to vector<5000x128xf32>
    %add3A_12 = arith.addf %add3A, %get3A_11 : vector<5000x128xf32>
    %get3A_13 = arith.constant 0 : index
    %get3A_14 = arith.constant 0 : index
    %get3A_15 = vector.load %arg4[%get3A_13, %get3A_14] : memref<128x64xf32, #tpu.memory_space<vmem>>, vector<128x64xf32>
    %dot_general3A = arith.constant dense<0.000000e+00> : vector<5000x64xf32>
    %dot_general3A_16 = tpu.matmul %add3A_12, %get3A_15, %dot_general3A {dimension_numbers = #tpu.dot_dimension_numbers<[1], [0], [0], [1], [0, 0, 1, 1], [], []>, transpose_lhs_hint = false} : vector<5000x128xf32>, vector<128x64xf32>, vector<5000x64xf32> -> vector<5000x64xf32>
    %get3A_17 = arith.constant 0 : index
    %get3A_18 = arith.constant 0 : index
    %get3A_19 = vector.load %arg3[%get3A_17, %get3A_18] : memref<1x64xf32, #tpu.memory_space<vmem>>, vector<1x64xf32>
    %add3A_20 = vector.broadcast %get3A_19 : vector<1x64xf32> to vector<5000x64xf32>
    %add3A_21 = arith.addf %dot_general3A_16, %add3A_20 : vector<5000x64xf32>
    %reduce_max3A = arith.constant dense<0xFF800000> : vector<5000xf32>
    %reduce_max3A_22 = vector.multi_reduction <maximumf>, %add3A_21, %reduce_max3A [1] : vector<5000x64xf32> to vector<5000xf32>
    %broadcast_in_dim3A = vector.shape_cast %reduce_max3A_22 : vector<5000xf32> to vector<5000x1xf32>
    %sub3A = vector.broadcast %broadcast_in_dim3A : vector<5000x1xf32> to vector<5000x64xf32>
    %sub3A_23 = arith.subf %add3A_21, %sub3A : vector<5000x64xf32>
    %exp3A = math.exp %sub3A_23 : vector<5000x64xf32>
    %reduce_sum3A = arith.constant dense<0.000000e+00> : vector<5000xf32>
    %reduce_sum3A_24 = vector.multi_reduction <add>, %exp3A, %reduce_sum3A [1] : vector<5000x64xf32> to vector<5000xf32>
    %broadcast_in_dim3A_25 = vector.shape_cast %reduce_sum3A_24 : vector<5000xf32> to vector<5000x1xf32>
    %log3A = math.log %broadcast_in_dim3A_25 : vector<5000x1xf32>
    %add3A_26 = arith.addf %log3A, %broadcast_in_dim3A : vector<5000x1xf32>
    %sub3A_27 = vector.broadcast %add3A_26 : vector<5000x1xf32> to vector<5000x64xf32>
    %sub3A_28 = arith.subf %add3A_21, %sub3A_27 : vector<5000x64xf32>
    %swap3A = arith.constant 0 : index
    %swap3A_29 = arith.constant 0 : index
    %swap3A_30 = vector.load %arg5[%swap3A, %swap3A_29] : memref<5000x64xf32, #tpu.memory_space<vmem>>, vector<5000x64xf32>
    tpu.vector_store %arg5[%swap3A, %swap3A_29], %sub3A_28 {strides = array<i32>} : memref<5000x64xf32, #tpu.memory_space<vmem>>, vector<5000x64xf32>,
    return
  }
  func.func @transform_0(%arg0: i32) -> (i32, i32) {
    %c0_i32 = arith.constant 0 : i32
    %c0_i32_0 = arith.constant 0 : i32
    return %arg0, %c0_i32 : i32, i32
  }
  func.func @transform_1(%arg0: i32) -> (i32, i32, i32) {
    %c0_i32 = arith.constant 0 : i32
    %c0_i32_0 = arith.constant 0 : i32
    %c0_i32_1 = arith.constant 0 : i32
    return %c0_i32, %arg0, %c0_i32_0 : i32, i32, i32
  }
  func.func @transform_2(%arg0: i32) -> (i32, i32) {
    %c0_i32 = arith.constant 0 : i32
    %c0_i32_0 = arith.constant 0 : i32
    %c0_i32_1 = arith.constant 0 : i32
    return %c0_i32, %c0_i32_0 : i32, i32
  }
  func.func @transform_3(%arg0: i32) -> (i32, i32) {
    %c0_i32 = arith.constant 0 : i32
    %c0_i32_0 = arith.constant 0 : i32
    %c0_i32_1 = arith.constant 0 : i32
    return %c0_i32, %c0_i32_0 : i32, i32
  }
  func.func @transform_4(%arg0: i32) -> (i32, i32) {
    %c0_i32 = arith.constant 0 : i32
    %c0_i32_0 = arith.constant 0 : i32
    return %arg0, %c0_i32 : i32, i32
  }
}

module attributes {stable_mosaic.version = 14 : i64} {
  func.func @_mid_body(%arg0: i32, %arg1: memref<5000x128xf32, #tpu.memory_space<vmem>>, %arg2: memref<2x5000x128xf32, #tpu.memory_space<vmem>>, %arg3: memref<1x128xf32, #tpu.memory_space<vmem>>, %arg4: memref<128x128xf32, #tpu.memory_space<vmem>>, %arg5: memref<5000x128xf32, #tpu.memory_space<vmem>>) attributes {dimension_semantics = [#tpu.dimension_semantics<arbitrary>], iteration_bounds = array<i64: 2>, scalar_prefetch = 0 : i64, scratch_operands = 0 : i64, tpu.core_type = #tpu.core_type<tc>, window_params = [{transform_indices = @transform_0, window_bounds = array<i64: 5000, 128>}, {transform_indices = @transform_1, window_bounds = array<i64: 2, 5000, 128>}, {pipeline_mode = #tpu.pipeline_mode<synchronous>, transform_indices = @transform_2, window_bounds = array<i64: 1, 128>}, {pipeline_mode = #tpu.pipeline_mode<synchronous>, transform_indices = @transform_3, window_bounds = array<i64: 128, 128>}, {transform_indices = @transform_4, window_bounds = array<i64: 5000, 128>}]} {
    %get3A = arith.constant 0 : index
    %get3A_0 = arith.constant 0 : index
    %get3A_1 = vector.load %arg1[%get3A, %get3A_0] : memref<5000x128xf32, #tpu.memory_space<vmem>>, vector<5000x128xf32>
    %get3A_2 = arith.constant 0 : index
    %get3A_3 = arith.constant 0 : index
    %get3A_4 = arith.constant 0 : index
    %get3A_5 = vector.load %arg2[%get3A_2, %get3A_3, %get3A_4] : memref<2x5000x128xf32, #tpu.memory_space<vmem>>, vector<1x5000x128xf32>
    %get3A_6 = vector.shape_cast %get3A_5 : vector<1x5000x128xf32> to vector<5000x128xf32>
    %add3A = arith.addf %get3A_1, %get3A_6 : vector<5000x128xf32>
    %get3A_7 = arith.constant 1 : index
    %get3A_8 = arith.constant 0 : index
    %get3A_9 = arith.constant 0 : index
    %get3A_10 = vector.load %arg2[%get3A_7, %get3A_8, %get3A_9] : memref<2x5000x128xf32, #tpu.memory_space<vmem>>, vector<1x5000x128xf32>
    %get3A_11 = vector.shape_cast %get3A_10 : vector<1x5000x128xf32> to vector<5000x128xf32>
    %add3A_12 = arith.addf %add3A, %get3A_11 : vector<5000x128xf32>
    %get3A_13 = arith.constant 0 : index
    %get3A_14 = arith.constant 0 : index
    %get3A_15 = vector.load %arg4[%get3A_13, %get3A_14] : memref<128x128xf32, #tpu.memory_space<vmem>>, vector<128x128xf32>
    %dot_general3A = arith.constant dense<0.000000e+00> : vector<5000x128xf32>
    %dot_general3A_16 = tpu.matmul %add3A_12, %get3A_15, %dot_general3A {dimension_numbers = #tpu.dot_dimension_numbers<[1], [0], [0], [1], [0, 0, 1, 1], [], []>, transpose_lhs_hint = false} : vector<5000x128xf32>, vector<128x128xf32>, vector<5000x128xf32> -> vector<5000x128xf32>
    %get3A_17 = arith.constant 0 : index
    %get3A_18 = arith.constant 0 : index
    %get3A_19 = vector.load %arg3[%get3A_17, %get3A_18] : memref<1x128xf32, #tpu.memory_space<vmem>>, vector<1x128xf32>
    %add3A_20 = vector.broadcast %get3A_19 : vector<1x128xf32> to vector<5000x128xf32>
    %add3A_21 = arith.addf %dot_general3A_16, %add3A_20 : vector<5000x128xf32>
    %max3A = arith.constant 0.000000e+00 : f32
    %max3A_22 = vector.broadcast %max3A : f32 to vector<5000x128xf32>
    %max3A_23 = arith.maximumf %add3A_21, %max3A_22 : vector<5000x128xf32>
    %swap3A = arith.constant 0 : index
    %swap3A_24 = arith.constant 0 : index
    %swap3A_25 = vector.load %arg5[%swap3A, %swap3A_24] : memref<5000x128xf32, #tpu.memory_space<vmem>>, vector<5000x128xf32>
    tpu.vector_store %arg5[%swap3A, %swap3A_24], %max3A_23 {strides = array<i32>} : memref<5000x128xf32, #tpu.memory_space<vmem>>, vector<5000x128xf32>,
    return
  }
  func.func @transform_0(%arg0: i32) -> (i32, i32) {
    %c0_i32 = arith.constant 0 : i32
    %c0_i32_0 = arith.constant 0 : i32
    return %arg0, %c0_i32 : i32, i32
  }
  func.func @transform_1(%arg0: i32) -> (i32, i32, i32) {
    %c0_i32 = arith.constant 0 : i32
    %c0_i32_0 = arith.constant 0 : i32
    %c0_i32_1 = arith.constant 0 : i32
    return %c0_i32, %arg0, %c0_i32_0 : i32, i32, i32
  }
  func.func @transform_2(%arg0: i32) -> (i32, i32) {
    %c0_i32 = arith.constant 0 : i32
    %c0_i32_0 = arith.constant 0 : i32
    %c0_i32_1 = arith.constant 0 : i32
    return %c0_i32, %c0_i32_0 : i32, i32
  }
  func.func @transform_3(%arg0: i32) -> (i32, i32) {
    %c0_i32 = arith.constant 0 : i32
    %c0_i32_0 = arith.constant 0 : i32
    %c0_i32_1 = arith.constant 0 : i32
    return %c0_i32, %c0_i32_0 : i32, i32
  }
  func.func @transform_4(%arg0: i32) -> (i32, i32) {
    %c0_i32 = arith.constant 0 : i32
    %c0_i32_0 = arith.constant 0 : i32
    return %arg0, %c0_i32 : i32, i32
  }
}

</mosaic_0001>

<sc_bundles>
// kernel: kernel.6.cloned.1.call-start
scs
__scs_entry_jumppad:
0x0: {  	(pc) =	sbr.rel $0x88, $3  }
0x1: {  	(tag) =	ssettag $0x0;
	lr =	simm.s32 $0x1  }
0x2: {  	[smem:$0x3F9B] =	sst lr;
	_ =	strace $0xD0000000  }
0x3: {  	_ = 	snop  }
0x4: {  	_ = 	snop  }
0x5: {  	_ = 	snop  }
0x6: {  	_ = 	snop  }
0x7: {  	_ = 	snop  }
__scs_overlays_trampoline_lowered:
0x8: {  	[smem:$0x3FAA] =	sst s0  }
0x9: {  	[smem:$0x3FAB] =	sst s1  }
0xa: {  	[smem:$0x3FAC] =	sst s2  }
0xb: {  	[smem:$0x3FAD] =	sst s3  }
0xc: {  	[smem:$0x3FAE] =	sst s4  }
0xd: {  	[smem:$0x3FAF] =	sst s5  }
0xe: {  	[smem:$0x3FB0] =	sst s6  }
0xf: {  	[smem:$0x3FB1] =	sst s7  }
0x10: {  	[smem:$0x3FB2] =	sst s8  }
0x11: {  	[smem:$0x3FB3] =	sst s9;
	s0 =	simm.s32 @!p0 $0x0  }
0x12: {  	s1 =	sld [smem:$0x3F99];
	s0 =	simm.s32 @p0 $0x1  }
0x13: {  	[smem:$0x3FB4] =	sst s0;
	s0 =	simm.s32 @!p1 $0x0  }
0x14: {  	s2 =	sld [smem:$0x3F98];
	s0 =	simm.s32 @p1 $0x1  }
0x15: {  	[smem:$0x3FB5] =	sst s0;
	s0 =	simm.s32 @!p2 $0x0  }
0x16: {  	s3 =	sld [smem:$0x3FDB];
	s0 =	simm.s32 @p2 $0x1  }
0x17: {  	s4 =	simm.s32 $0x1BF5;
	[smem:$0x3FB7] =	sst s0  }
0x18: {  	s0 =	sld [smem:$0x3F9A];
	_ =	swait.ge [sflag:s4], $0x0  }
0x19: {  	s7 =	sld [smem:$0x3F9B]  }
0x1a: {  	s8 =	sadd.s32 $0xFFFFE003, lr  }
0x1b: {  	s9 =	sadd.s32 $0xFFFFFEF7, lr;
	s5 =	simm.s32 $0xFFFFFFFF;
	p2 =	slt.u32 s8, $0xFFFFF086  }
0x1c: {  	p1 =	slt.u32 s9, $0xF7A;
	s5 =	simm.s32 @!p2 $0x0  }
0x1d: {  	s5 =	simm.s32 @p1 $0x1;
	p0 =	seq.s32 s7, s2  }
0x1e: {  	s7 =	smul.u32 @!p0 $0xF7A, s2;
	p2 =	seq.s32 @!p0 s5, $0x0  }
0x1f: {  	s9 =	smul.u32 $0xF7A, s1;
	s8 =	simm.s32 @!p0 $0x1BF5;
	p2 =	por !p2, p0  }
0x20: {  	[sflag:s8] =	ssyncset.s32 @!p0 $0xFFFFF086;
	s6 =	sadd.s32 @!p0 s3, s7;
	s7 =	simm.s32 @!p0 $0x108  }
0x21: {  	s3 =	sadd.s32 s3, s9;
	s6 =	sadd.s32 @!p0 $0x88, s6;
	s7 =	simm.s32 @p2 $0x1082  }
0x22: {  	[simem:s7], [sflag:s8] =	dma.local @!p0 [hbm:s6], $0xF7A  }
0x23: {  	s9 =	sor.u32 $0xD0000000, s2;
	s6 =	simm.s32 $0x108;
	_ =	swait.ge @!p0 [sflag:s8], $0x0  }
0x24: {  	s3 =	sadd.s32 $0x88, s3;
	s6 =	simm.s32 @!p1 $0x1082;
	[sflag:s4] =	ssyncset.s32 $0xFFFFF086  }
0x25: {  	[simem:s6], [sflag:s4] =	dma.local [hbm:s3], $0xF7A  }
0x26: {  	[smem:$0x3F9B] =	sst s1;
	(tag) =	ssettag s2;
	_ =	strace s9  }
0x27: {  	s1 =	sld [smem:$0x3FAB]  }
0x28: {  	s2 =	sld [smem:$0x3FAC]  }
0x29: {  	s4 =	sld [smem:$0x3FAE]  }
0x2a: {  	p0 =	seq.s32 s5, $0x0;
	s5 =	sld [smem:$0x3FAF]  }
0x2b: {  	s6 =	sld [smem:$0x3FB0]  }
0x2c: {  	s7 =	sld [smem:$0x3FB1]  }
0x2d: {  	s3 =	simm.s32 $0x108;
	s8 =	sld [smem:$0x3FB2]  }
0x2e: {  	s3 =	simm.s32 @!p0 $0x1082;
	s9 =	sld [smem:$0x3FB3]  }
0x2f: {  	lr =	sadd.s32 s0, s3;
	s0 =	sld [smem:$0x3FAA]  }
0x30: {  	s3 =	sld [smem:$0x3FAD]  }
0x31: {  	[smem:$0x3FB6] =	sst s10  }
0x32: {  	s10 =	sld [smem:$0x3FB4];
	_ =	sdelay $0x3  }
0x33: {  	p0 =	seq.s32 s10, $0x1;
	s10 =	sld [smem:$0x3FB6];
	_ =	sdelay $0x3  }
0x34: {  	[smem:$0x3FB6] =	sst s10  }
0x35: {  	s10 =	sld [smem:$0x3FB5];
	_ =	sdelay $0x3  }
0x36: {  	p1 =	seq.s32 s10, $0x1;
	s10 =	sld [smem:$0x3FB6];
	_ =	sdelay $0x3  }
0x37: {  	[smem:$0x3FB6] =	sst s10  }
0x38: {  	s10 =	sld [smem:$0x3FB7]  }
0x39: {  	_ = 	snop;
	(pc) =	sbr.ind lr, $3  }
0x3a: {  	_ = 	snop  }
0x3b: {  	_ = 	snop  }
0x3c: {  	p2 =	seq.s32 s10, $0x1;
	s10 =	sld [smem:$0x3FB6]  }
0x3d: {  	_ =	shalt  }
0x3e: {  	_ =	shalt  }
0x3f: {  	_ =	shalt  }
0x40: {  	_ =	shalt  }
0x41: {  	_ =	shalt  }
0x42: {  	_ =	shalt  }
0x43: {  	_ =	shalt  }
0x44: {  	_ =	shalt  }
0x45: {  	_ =	shalt  }
0x46: {  	_ =	shalt  }
0x47: {  	_ =	shalt  }
0x48: {  	_ =	shalt  }
0x49: {  	_ =	shalt  }
0x4a: {  	_ =	shalt  }
0x4b: {  	_ =	shalt  }
0x4c: {  	_ =	shalt  }
0x4d: {  	_ =	shalt  }
0x4e: {  	_ =	shalt  }
0x4f: {  	_ =	shalt  }
0x50: {  	_ =	shalt  }
0x51: {  	_ =	shalt  }
0x52: {  	_ =	shalt  }
0x53: {  	_ =	shalt  }
0x54: {  	_ =	shalt  }
0x55: {  	_ =	shalt  }
0x56: {  	_ =	shalt  }
0x57: {  	_ =	shalt  }
0x58: {  	_ =	shalt  }
0x59: {  	_ =	shalt  }
0x5a: {  	_ =	shalt  }
0x5b: {  	_ =	shalt  }
0x5c: {  	_ =	shalt  }
0x5d: {  	_ =	shalt  }
0x5e: {  	_ =	shalt  }
0x5f: {  	_ =	shalt  }
0x60: {  	_ =	shalt  }
0x61: {  	_ =	shalt  }
0x62: {  	_ =	shalt  }
0x63: {  	_ =	shalt  }
0x64: {  	_ =	shalt  }
0x65: {  	_ =	shalt  }
0x66: {  	_ =	shalt  }
0x67: {  	_ =	shalt  }
0x68: {  	_ =	shalt  }
0x69: {  	_ =	shalt  }
0x6a: {  	_ =	shalt  }
0x6b: {  	_ =	shalt  }
0x6c: {  	_ =	shalt  }
0x6d: {  	_ =	shalt  }
0x6e: {  	_ =	shalt  }
0x6f: {  	_ =	shalt  }
0x70: {  	_ =	shalt  }
0x71: {  	_ =	shalt  }
0x72: {  	_ =	shalt  }
0x73: {  	_ =	shalt  }
0x74: {  	_ =	shalt  }
0x75: {  	_ =	shalt  }
0x76: {  	_ =	shalt  }
0x77: {  	_ =	shalt  }
0x78: {  	_ =	shalt  }
0x79: {  	_ =	shalt  }
0x7a: {  	_ =	shalt  }
0x7b: {  	_ =	shalt  }
0x7c: {  	_ =	shalt  }
0x7d: {  	_ =	shalt  }
0x7e: {  	_ =	shalt  }
0x7f: {  	_ =	shalt  }
0x80: {  	_ =	shalt  }
0x81: {  	_ =	shalt  }
0x82: {  	_ =	shalt  }
0x83: {  	_ =	shalt  }
0x84: {  	_ =	shalt  }
0x85: {  	_ =	shalt  }
0x86: {  	_ =	shalt  }
0x87: {  	_ =	shalt  }
.Lfunc_end0:
.L_simem_size_0:
called_computation_lowered:
.L_overlay_start_0:
0x88: {  	s2 =	sld [smem:$0x3FD9]  }
0x89: {  	s3 =	sld [smem:$0x3FFE];
	_ =	sdelay $0x1  }
0x8a: {  	s1 =	srdreg.scid  }
0x8b: {  	s0 =	sand.u32 $0x1, s1  }
0x8c: {  	s17 =	sshll.u32 s0, $0xA;
	s2 =	sadd.s32 s3, s2  }
0x8d: {  	s2 =	sadd.s32 s2, s17  }
0x8e: {  	[smem:$0x3FC2] =	sst s2  }
0x8f: {  	_ = 	snop  }
0x90: {  	s2 =	sld [smem:$0x3FC9]  }
0x91: {  	s18 =	sld [smem:$0x3FD0];
	(tm) =	ssettm $0x1  }
0x92: {  	s4 =	sld [smem:$0x3FFB];
	_ =	sdelay $0x3  }
0x93: {  	_ =	strace s4  }
0x94: {  	s4 =	sld [smem:$0x3FFC];
	_ =	sdelay $0x3  }
0x95: {  	_ =	strace s4  }
0x96: {  	s4 =	sld [smem:$0x3FFD];
	_ =	sdelay $0x3  }
0x97: {  	_ =	strace s4  }
0x98: {  	_ =	strace $0x8FFFFFFF  }
0x99: {  	s19 =	sld [smem:$0x3FDB];
	_ =	sdelay $0x1  }
0x9a: {  	s5 =	simm.s32 $_scs_section_size  }
0x9b: {  	s6 =	simm.s32 $_size__tile_overlayer_lowered;
	s7 =	simm.s32 $_tile_overlayer_lowered  }
0x9c: {  	s22 =	simm.s32 $0x1BFF;
	s21 =	sshll.u32 s7, $0x1;
	s4 =	sadd.s32 s5, s19  }
0x9d: {  	s8 =	simm.s32 $0x0;
	s20 =	sshll.u32 s6, $0x1;
	s6 =	sadd.s32 s21, s4  }
0x9e: {  	[timem:s8], [sflag:s22] =	dma.local [hbm:s6], s20  }
0x9f: {  	_ =	swait.ge [sflag:s22], s20  }
0xa0: {  	s5 =	ssub.s32 $0x0, s20;
	[sflag:s22] =	ssyncset.done $0x0  }
0xa1: {  	[sflag:s22] =	ssyncadd.s32 s5;
	_ =	sdelay $0x1  }
0xa2: {  	s23 =	simm.s32 $0x1B8B  }
0xa3: {  	_ =	swait.ge [sflag:s23], $0x1  }
0xa4: {  	[sflag:s23] =	ssyncset.done $0x0  }
0xa5: {  	s25 =	simm.s32 $0x1B8E;
	s24 =	sld [smem:$0x3FFE];
	[sflag:s23] =	ssyncadd.s32 $0xFFFFFFFF  }
0xa6: {  	s26 =	simm.s32 $execute0_lowered;
	[smem:$0x3FD2] =	sst s25  }
0xa7: {  	s6 =	sshll.u32 s26, $0x1;
	_ =	strace $0x80000046;
	[dreg:$0x1] =	wrdreg $0xFFFFFFFF  }
0xa8: {  	s28 =	simm.s32 $_size_execute0_lowered;
	s4 =	sadd.s32 s4, s6;
	[dreg:$0x0] =	wrdreg $0x0  }
0xa9: {  	s6 =	sshll.u32 s28, $0x1;
	[dreg:$0x2] =	wrdreg s4  }
0xaa: {  	[dreg:$0x3] =	wrdreg s6  }
0xab: {  	[dreg:$0x4] =	wrdreg $0xC0  }
0xac: {  	_ =	task [dreg:s8], $0x5FFFF  }
0xad: {  	[dreg:$0x1] =	wrdreg $0xFFFFFFFF  }
0xae: {  	[dreg:$0x0] =	wrdreg $0x60  }
0xaf: {  	[dreg:$0x2] =	wrdreg s2  }
0xb0: {  	[dreg:$0x3] =	wrdreg s18  }
0xb1: {  	[dreg:$0x4] =	wrdreg s24  }
0xb2: {  	[dreg:$0x5] =	wrdreg $0xB8000  }
0xb3: {  	[dreg:$0x6] =	wrdreg $0x9  }
0xb4: {  	_ =	task.clear_ibuf [dreg:s8], $0x7FFFF;
	_ =	strace $0x90000046  }
0xb5: {  	s29 =	simm.s32 $0x9;
	_ =	strace $0x80000048  }
0xb6: {  	_ =	swait.ge [sflag:s29], $0x1  }
0xb7: {  	[sflag:s29] =	ssyncadd.s32 $0xFFFFFFFF  }
0xb8: {  	_ =	strace $0x90000048  }
0xb9: {  	_ =	sfence  }
0xba: {  	s30 =	sld [smem:$0x0];
	_ =	sdelay $0x2  }
0xbb: {  	s31 =	sshll.u32 s1, $0xD;
	s1 =	sshrl.u32 s1, $0x2  }
0xbc: {  	s3 =	sand.u32 $0x4000, s31;
	s1 =	sadd.s32 s1, s30  }
0xbd: {  	s0 =	sor.u32 s3, s0;
	s1 =	sshll.u32 s1, $0x11  }
0xbe: {  	s0 =	sor.u32 s1, s0  }
0xbf: {  	s0 =	sadd.s32 $0x8F2B, s0  }
0xc0: {  	[sflag:s0] =	ssyncadd.remote.s32 $0x1  }
0xc1: {  	_ =	sfence.sel $0xFFFF  }
0xc2: {  	[dreg:$0x0] =	wrdreg $0xFFFFFFFF;
	(pc) =	sbr.abs _section_cstart, $3  }
0xc3: {  	[dreg:$0x1] =	wrdreg $0xFFFFFFFF  }
0xc4: {  	_ =	task.clear_ibuf [dreg:s8], $0x2FFFF;
	_ =	strace $0x9FFFFFFF  }
0xc5: {  	(tm) =	ssettm $0x7FFFFFFF  }
tec
execute0_lowered:
.L_overlay_start_1:
0x0: {  	(tag) =	ssettag $0x1  }
0x1: {  	s0 =	rddreg [dreg:$0x0]  }
0x2: {  	s3 =	rddreg [dreg:$0x1]  }
0x3: {  	s4 =	rddreg [dreg:$0x2]  }
0x4: {  	s5 =	srdreg.scid;
	s1 =	rddreg [dreg:$0x3]  }
0x5: {  	s2 =	simm.s32 $0x0;
	s19 =	stileid.u32;
	s28 =	simm.s32 $0x7  }
0x6: {  	s31 =	simm.s32 $0x9000;
	s30 =	simm.s32 $0x4000;
	s29 =	simm.s32 $0x4  }
0x7: {  	s5 =	sand.u32 $0x1, s5;
	[smem:$0x7FF] =	sst s2;
	s7 =	sadd.s32 $0x1800, s4  }
0x8: {  	s10 =	sshll.u32 s19, $0xE;
	s11 =	smul.u32 $0x14000, s19;
	s4 =	sadd.s32 $0x11800, s4  }
0x9: {  	s6 =	ssub.s32 $0x2, s5;
	s9 =	sshll.u32 s5, $0x12;
	s5 =	smul.u32 $0x140000, s5  }
0xa: {  	s8 =	sshrl.u32 s6, $0x1;
	s12 =	sadd.s32 $0x5000, s11;
	s13 =	sadd.s32 $0x7800, s11  }
0xb: {  	s14 =	sadd.s32 $0xA000, s11;
	s15 =	sadd.s32 $0xC800, s11;
	s16 =	sadd.s32 $0xF000, s11  }
0xc: {  	s6 =	ssub.s32 s6, s8;
	s8 =	sor.u32 s10, s9;
	s10 =	sor.u32 $0x2800, s11  }
0xd: {  	s17 =	sadd.s32 s11, s5;
	s11 =	sadd.s32 $0x11800, s11;
	s22 =	sadd.s32 s5, s12  }
0xe: {  	s24 =	sadd.s32 s5, s13;
	s26 =	sadd.s32 s5, s14;
	s9 =	sshrl.u32 s8, $0x3  }
0xf: {  	s17 =	sshrl.u32 s17, $0x3;
	s18 =	sadd.s32 s5, s10;
	s23 =	sshrl.u32 s22, $0x3  }
0x10: {  	s25 =	sshrl.u32 s24, $0x3;
	s20 =	sshrl.u32 s26, $0x3;
	s17 =	sadd.s32 s4, s17  }
0x11: {  	s21 =	sshrl.u32 s18, $0x3;
	s26 =	sadd.s32 s3, s9;
	s18 =	sadd.s32 s10, s1  }
0x12: {  	[dreg:$0x5] =	wrdreg s17;
	s17 =	sadd.s32 s4, s21;
	s21 =	sadd.s32 s5, s15  }
0x13: {  	[dreg:$0x6] =	wrdreg s17;
	s17 =	sadd.s32 s4, s23;
	s22 =	sshrl.u32 s21, $0x3  }
0x14: {  	s23 =	sadd.s32 s5, s16;
	s5 =	sadd.s32 s5, s11;
	[dreg:$0x7] =	wrdreg s17  }
0x15: {  	s17 =	sadd.s32 s4, s25;
	s24 =	sshrl.u32 s23, $0x3;
	s5 =	sshrl.u32 s5, $0x3  }
0x16: {  	s25 =	sor.u32 $0x800, s8;
	s23 =	sor.u32 $0x400, s8;
	[dreg:$0x8] =	wrdreg s17  }
0x17: {  	s17 =	sadd.s32 s4, s20;
	s21 =	sshrl.u32 s25, $0x3;
	s20 =	sadd.s32 s13, s1  }
0x18: {  	s25 =	smax.u32 s6, $0x1;
	s13 =	simm.s32 $0x50;
	s6 =	simm.s32 $0x2  }
0x19: {  	[dreg:$0x9] =	wrdreg s17;
	s17 =	sadd.s32 s4, s22;
	s3 =	sadd.s32 s21, s3  }
0x1a: {  	s22 =	smul.u32 $0x50000, s19;
	s19 =	sadd.s32 s12, s1;
	[dreg:$0xa] =	wrdreg s17  }
0x1b: {  	s21 =	sadd.s32 s14, s1;
	s17 =	sadd.s32 s4, s24;
	[dreg:$0xe] =	wrdreg s3  }
0x1c: {  	s4 =	sadd.s32 s4, s5;
	s24 =	sadd.s32 s7, s9;
	[dreg:$0xb] =	wrdreg s17  }
0x1d: {  	s5 =	simm.s32 $0x1;
	[dreg:$0xc] =	wrdreg s4;
	s4 =	sshrl.u32 s23, $0x3  }
0x1e: {  	[dreg:$0xf] =	wrdreg s24;
	s3 =	sshrl.u32 s22, $0x2;
	s4 =	sadd.s32 s4, s7  }
.Ltmp0:
0x1f: {  	s3 =	sadd.s32 s3, s1;
	[dreg:$0x10] =	wrdreg s4;
	(pc) =	sbr.rel .LBB2_1-.Ltmp0, $4  }
0x20: {  	s22 =	sadd.s32 s15, s1;
	_ =	strace $0x80000047;
	[dreg:$0x11] =	wrdreg s3  }
0x21: {  	s23 =	sadd.s32 s16, s1;
	s24 =	sadd.s32 s11, s1;
	[dreg:$0x12] =	wrdreg s25  }
0x22: {  	s7 =	simm.s32 $0x0;
	[dreg:$0xd] =	wrdreg s26;
	s26 =	sadd.s32 $0x100, s26  }
0x23: {  	v0 =	vimm.f32 $0.0e+00;
	s4 =	simm.s32 $0x6;
	s3 =	simm.s32 $0x1800;
	[dreg:$0x13] =	wrdreg s26  }
.LBB2_11:
0x24: {  	_ =	swait.ge [sflag:s5], $0x2800  }
0x25: {  	[sflag:s5] =	ssyncset.done $0x0  }
0x26: {  	s8 =	simm.s32 $0x1600;
	[sflag:s5] =	ssyncadd.s32 $0xFFFFD800  }
0x27: {  	[spmem:s1] =	stream.indirect.scatter.add.f32 [tilespmem:s3], [sflag:$0x7], $0x80, s8, s13, $0xb8;
	[tilespmem:$0x1F800] =	vst v63  }
0x28: {  	_ =	swait.ge [sflag:s28], $0x2800  }
0x29: {  	[sflag:s28] =	ssyncset.done $0x0  }
0x2a: {  	[sflag:s28] =	ssyncadd.s32 $0xFFFFD800  }
0x2b: {  	s10 =	stileid.u32;
	[bflag:$0x0] =	sbarrier.arrive $0xFFFF  }
0x2c: {  	s8 =	sshll.u32 s10, $0x6;
	s9 =	rddreg [dreg:$0x11]  }
0x2d: {  	s8 =	sor.u32 $0x1C01, s8;
	s10 =	rddreg [dreg:$0x5];
	s9 =	sshrl.u32 s9, $0x3  }
0x2e: {  	[hbm:s10], [sflag:s8] =	dma.local [spmem:s9], $0x500  }
0x2f: {  	s11 =	sshrl.u32 s18, $0x3;
	s10 =	rddreg [dreg:$0x6]  }
0x30: {  	[hbm:s10], [sflag:s8] =	dma.local [spmem:s11], $0x500  }
0x31: {  	s12 =	sshrl.u32 s19, $0x3;
	s10 =	rddreg [dreg:$0x7]  }
0x32: {  	[hbm:s10], [sflag:s8] =	dma.local [spmem:s12], $0x500  }
0x33: {  	s14 =	sshrl.u32 s20, $0x3;
	s10 =	rddreg [dreg:$0x8]  }
0x34: {  	[hbm:s10], [sflag:s8] =	dma.local [spmem:s14], $0x500  }
0x35: {  	s15 =	sshrl.u32 s21, $0x3;
	s10 =	rddreg [dreg:$0x9]  }
0x36: {  	[hbm:s10], [sflag:s8] =	dma.local [spmem:s15], $0x500  }
0x37: {  	s16 =	sshrl.u32 s22, $0x3;
	s10 =	rddreg [dreg:$0xa]  }
0x38: {  	[hbm:s10], [sflag:s8] =	dma.local [spmem:s16], $0x500  }
0x39: {  	s17 =	sshrl.u32 s23, $0x3;
	s10 =	rddreg [dreg:$0xb]  }
0x3a: {  	[hbm:s10], [sflag:s8] =	dma.local [spmem:s17], $0x500  }
0x3b: {  	s25 =	sshrl.u32 s24, $0x3;
	s10 =	rddreg [dreg:$0xc]  }
0x3c: {  	[hbm:s10], [sflag:s8] =	dma.local [spmem:s25], $0x500  }
0x3d: {  	_ =	swait.ge [sflag:s5], $0x500  }
0x3e: {  	[sflag:s5] =	ssyncset.done $0x0  }
0x3f: {  	[sflag:s5] =	ssyncadd.s32 $0xFFFFFB00  }
0x40: {  	_ =	swait.ge [sflag:s5], $0x500  }
0x41: {  	[sflag:s5] =	ssyncset.done $0x0  }
0x42: {  	[sflag:s5] =	ssyncadd.s32 $0xFFFFFB00  }
0x43: {  	_ =	swait.ge [sflag:s5], $0x500  }
0x44: {  	[sflag:s5] =	ssyncset.done $0x0  }
0x45: {  	[sflag:s5] =	ssyncadd.s32 $0xFFFFFB00  }
0x46: {  	_ =	swait.ge [sflag:s5], $0x500  }
0x47: {  	[sflag:s5] =	ssyncset.done $0x0  }
0x48: {  	[sflag:s5] =	ssyncadd.s32 $0xFFFFFB00  }
0x49: {  	_ =	swait.ge [sflag:s5], $0x500  }
0x4a: {  	[sflag:s5] =	ssyncset.done $0x0  }
0x4b: {  	[sflag:s5] =	ssyncadd.s32 $0xFFFFFB00  }
0x4c: {  	_ =	swait.ge [sflag:s5], $0x500  }
0x4d: {  	[sflag:s5] =	ssyncset.done $0x0  }
0x4e: {  	[sflag:s5] =	ssyncadd.s32 $0xFFFFFB00  }
0x4f: {  	_ =	swait.ge [sflag:s5], $0x500  }
0x50: {  	[sflag:s5] =	ssyncset.done $0x0  }
0x51: {  	[sflag:s5] =	ssyncadd.s32 $0xFFFFFB00  }
0x52: {  	_ =	swait.ge [sflag:s5], $0x500  }
0x53: {  	s7 =	sadd.s32 $0x1, s7;
	s26 =	rddreg [dreg:$0x12]  }
0x54: {  	p0 =	sne.s32 s7, s26  }
.Ltmp1:
0x55: {  	_ = 	snop;
	(pc) =	sbr.rel @!p0 .LBB2_12-.Ltmp1, $3  }
0x56: {  	_ =	sdelay $0x1  }
0x57: {  	[sflag:s5] =	ssyncset.done $0x0  }
0x58: {  	[sflag:s5] =	ssyncadd.s32 $0xFFFFFB00  }
.LBB2_1:
0x59: {  	s8 =	rddreg [dreg:$0xd]  }
0x5a: {  	[tilespmem:s2], [sflag:$0x7] =	stream.linear.gather [hbm4b:s8+s2], $0x800, $0x38;
	[tilespmem:$0x1F800] =	vst v63  }
0x5b: {  	_ =	swait.ge [sflag:s28], $0x800  }
0x5c: {  	s9 =	simm.s32 $0x800;
	[sflag:s28] =	ssyncset.done $0x0  }
0x5d: {  	s26 =	simm.s32 $0x1000;
	s17 =	rddreg [dreg:$0x13];
	[sflag:s28] =	ssyncadd.s32 $0xFFFFF800  }
0x5e: {  	[tilespmem:s9], [sflag:$0x5] =	stream.linear.gather [hbm4b:s17+s2], $0x800, $0x38;
	[tilespmem:$0x1F800] =	vst v63  }
0x5f: {  	s8 =	simm.s32 $0x70;
	s25 =	rddreg [dreg:$0xf];
	s9 =	simm.s32 $0x3C0  }
0x60: {  	[tilespmem:s26], [sflag:$0x6] =	stream.linear.gather [hbm4b:s25+s2], $0x400, $0x38;
	[tilespmem:$0x1F800] =	vst v63  }
.LBB2_2:
0x61: {  	p0 =	sne.s32 s9, $0x9FC0;
	[tilespmem:s8+$0x9000] =	vst v0  }
0x62: {  	[tilespmem:s8+$0x8F90] =	vst v0  }
0x63: {  	[tilespmem:s8+$0x8FA0] =	vst v0  }
.Ltmp2:
0x64: {  	[tilespmem:s8+$0x8FB0] =	vst v0;
	(pc) =	sbr.rel @p0 .LBB2_2-.Ltmp2, $4  }
0x65: {  	[tilespmem:s8+$0x8FC0] =	vst v0  }
0x66: {  	[tilespmem:s8+$0x8FD0] =	vst v0  }
0x67: {  	[tilespmem:s8+$0x8FE0] =	vst v0  }
0x68: {  	[tilespmem:s8+$0x8FF0] =	vst v0;
	s8 =	sshra.s32 s9, $0x2;
	s9 =	sadd.s32 $0x200, s9  }
0x69: {  	[tilespmem:s8+$0x9000] =	vst v0  }
0x6a: {  	[tilespmem:s8+$0x8F90] =	vst v0  }
0x6b: {  	[tilespmem:s8+$0x8FA0] =	vst v0  }
0x6c: {  	[tilespmem:s8+$0x8FB0] =	vst v0  }
0x6d: {  	[tilespmem:s8+$0x8FC0] =	vst v0  }
0x6e: {  	[tilespmem:s8+$0x8FD0] =	vst v0  }
0x6f: {  	[tilespmem:s8+$0x8FE0] =	vst v0  }
0x70: {  	[tilespmem:s8+$0x8FF0] =	vst v0;
	s17 =	rddreg [dreg:$0x11]  }
0x71: {  	[spmem:s17] =	stream.linear.scatter [tilespmem:s31], [sflag:$0x4], $0x2800, $0x38;
	[tilespmem:$0x1F800] =	vst v63  }
0x72: {  	_ = 	snop  }
0x73: {  	[spmem:s18] =	stream.linear.scatter [tilespmem:s31], [sflag:$0x4], $0x2800, $0x38;
	[tilespmem:$0x1F800] =	vst v63  }
0x74: {  	_ = 	snop  }
0x75: {  	[spmem:s19] =	stream.linear.scatter [tilespmem:s31], [sflag:$0x4], $0x2800, $0x38;
	[tilespmem:$0x1F800] =	vst v63  }
0x76: {  	_ = 	snop  }
0x77: {  	[spmem:s20] =	stream.linear.scatter [tilespmem:s31], [sflag:$0x4], $0x2800, $0x38;
	[tilespmem:$0x1F800] =	vst v63  }
0x78: {  	_ = 	snop  }
0x79: {  	[spmem:s21] =	stream.linear.scatter [tilespmem:s31], [sflag:$0x4], $0x2800, $0x38;
	[tilespmem:$0x1F800] =	vst v63  }
0x7a: {  	_ = 	snop  }
0x7b: {  	[spmem:s22] =	stream.linear.scatter [tilespmem:s31], [sflag:$0x4], $0x2800, $0x38;
	[tilespmem:$0x1F800] =	vst v63  }
0x7c: {  	_ = 	snop  }
0x7d: {  	[spmem:s23] =	stream.linear.scatter [tilespmem:s31], [sflag:$0x4], $0x2800, $0x38;
	[tilespmem:$0x1F800] =	vst v63  }
0x7e: {  	_ = 	snop  }
0x7f: {  	[spmem:s24] =	stream.linear.scatter [tilespmem:s31], [sflag:$0x4], $0x2800, $0x38;
	[tilespmem:$0x1F800] =	vst v63  }
0x80: {  	s8 =	simm.s32 $0x0  }
0x81: {  	[tilespmem:s3], [sflag:$0x1] =	stream.indirect.gather [hbm4b:s0+s13], $0x80, s8, s13, $0xb8;
	[tilespmem:$0x1F800] =	vst v63  }
0x82: {  	s9 =	simm.s32 $0x80  }
0x83: {  	[tilespmem:s30], [sflag:$0x2] =	stream.indirect.gather [hbm4b:s0+s13], $0x80, s9, s13, $0xb8;
	[tilespmem:$0x1F800] =	vst v63  }
0x84: {  	s25 =	simm.s32 $0x100;
	s10 =	simm.s32 $0x6800  }
0x85: {  	[tilespmem:s10], [sflag:$0x3] =	stream.indirect.gather [hbm4b:s0+s13], $0x80, s25, s13, $0xb8;
	[tilespmem:$0x1F800] =	vst v63  }
0x86: {  	_ =	swait.ge [sflag:s29], $0x2800  }
0x87: {  	[sflag:s29] =	ssyncset.done $0x0  }
0x88: {  	[sflag:s29] =	ssyncadd.s32 $0xFFFFD800  }
0x89: {  	_ =	swait.ge [sflag:s29], $0x2800  }
0x8a: {  	[sflag:s29] =	ssyncset.done $0x0  }
0x8b: {  	[sflag:s29] =	ssyncadd.s32 $0xFFFFD800  }
0x8c: {  	_ =	swait.ge [sflag:s29], $0x2800  }
0x8d: {  	[sflag:s29] =	ssyncset.done $0x0  }
0x8e: {  	[sflag:s29] =	ssyncadd.s32 $0xFFFFD800  }
0x8f: {  	_ =	swait.ge [sflag:s29], $0x2800  }
0x90: {  	[sflag:s29] =	ssyncset.done $0x0  }
0x91: {  	[sflag:s29] =	ssyncadd.s32 $0xFFFFD800  }
0x92: {  	_ =	swait.ge [sflag:s29], $0x2800  }
0x93: {  	[sflag:s29] =	ssyncset.done $0x0  }
0x94: {  	[sflag:s29] =	ssyncadd.s32 $0xFFFFD800  }
0x95: {  	_ =	swait.ge [sflag:s29], $0x2800  }
0x96: {  	[sflag:s29] =	ssyncset.done $0x0  }
0x97: {  	[sflag:s29] =	ssyncadd.s32 $0xFFFFD800  }
0x98: {  	_ =	swait.ge [sflag:s29], $0x2800  }
0x99: {  	[sflag:s29] =	ssyncset.done $0x0  }
0x9a: {  	[sflag:s29] =	ssyncadd.s32 $0xFFFFD800  }
0x9b: {  	_ =	swait.ge [sflag:s29], $0x2800  }
0x9c: {  	[sflag:s29] =	ssyncset.done $0x0  }
0x9d: {  	s26 =	simm.s32 $0x180;
	[sflag:s29] =	ssyncadd.s32 $0xFFFFD800  }
0x9e: {  	[tilespmem:s31], [sflag:$0x4] =	stream.indirect.gather [hbm4b:s0+s13], $0x80, s26, s13, $0xb8;
	[tilespmem:$0x1F800] =	vst v63  }
0x9f: {  	[bflag:$0x0] =	sbarrier.arrive $0xFFFF  }
0xa0: {  	s16 =	rddreg [dreg:$0x10]  }
0xa1: {  	s15 =	simm.s32 $0x0;
	s9 =	simm.s32 $0xE00;
	s14 =	rddreg [dreg:$0xe]  }
.LBB2_4:
0xa2: {  	s11 =	sand.u32 $0x4, s8  }
0xa3: {  	p1 =	sne.s32 s11, $0x0  }
.Ltmp3:
0xa4: {  	_ = 	snop;
	(pc) =	sbr.rel @p1 .LBB2_8-.Ltmp3, $3  }
0xa5: {  	_ =	sdelay $0x1  }
0xa6: {  	s10 =	sshrl.u32 s15, $0x1  }
0xa7: {  	p0 =	seq.s32 s9, $0xFE00;
	s12 =	sand.u32 $0x1, s10  }
.Ltmp4:
0xa8: {  	(pc) =	sbr.rel @!p0 .LBB2_7-.Ltmp4, $4  }
0xa9: {  	_ = 	snop  }
0xaa: {  	_ =	swait.ge [sflag:s4], $0x400  }
0xab: {  	[sflag:s4] =	ssyncset.done $0x0  }
0xac: {  	[sflag:s4] =	ssyncadd.s32 $0xFFFFFC00  }
.Ltmp5:
0xad: {  	(pc) =	sbr.rel .LBB2_9-.Ltmp5, $2  }
0xae: {  	_ =	sdelay $0x2  }
0xaf: {  	s10 =	simm.s32 $0xC;
	s25 =	simm.s32 $0x1  }
.LBB2_7:
0xb0: {  	s10 =	sshll.u32 s12, $0xA  }
0xb1: {  	s10 =	sxor.u32 $0x1400, s10  }
0xb2: {  	[tilespmem:s10], [sflag:$0x6] =	stream.linear.gather [hbm4b:s16+s2], $0x400, $0x38;
	[tilespmem:$0x1F800] =	vst v63  }
.LBB2_8:
0xb3: {  	s25 =	sadd.s32 $0x4, s8  }
0xb4: {  	s10 =	sand.u32 $0xC, s25  }
0xb5: {  	p1 =	sne.s32 s10, $0x0  }
0xb6: {  	p2 =	sgt.u32 @p1 s15, $0x1B  }
0xb7: {  	p3 =	por p2, !p1  }
0xb8: {  	p3 =	sne.s32 @!p3 s10, $0x4  }
0xb9: {  	s25 =	sshrl.u32 s25, $0x4;
	p4 =	por @p1 p3, p2  }
0xba: {  	s25 =	sand.u32 $0x1, s25;
	p4 =	por p4, !p1  }
0xbb: {  	s26 =	sshll.u32 @!p4 s25, $0xB  }
0xbc: {  	p3 =	por @p1 !p3, p2;
	s17 =	simm.s32 @!p4 $0x0;
	s26 =	sxor.u32 @!p4 $0x800, s26  }
0xbd: {  	[tilespmem:s26], [sflag:$0x5] =	stream.linear.gather @!p4 [hbm4b:s14+s17], $0x800, $0x38;
	[tilespmem:$0x1F800] =	vst v63  }
0xbe: {  	p3 =	por !p3, !p1;
	s17 =	smov.u32 s10;
	s26 =	simm.s32 @!p1 $0x5  }
0xbf: {  	p2 =	por !p2, !p1;
	s17 =	simm.s32 @!p3 $0x4;
	_ =	swait.ge @!p1 [sflag:s26], $0x800  }
0xc0: {  	s10 =	smov.u32 @p2 s17;
	[sflag:s26] =	ssyncset.done @!p1 $0x0  }
0xc1: {  	[sflag:s26] =	ssyncadd.s32 @!p1 $0xFFFFF800;
	s10 =	simm.s32 @!p1 $0x0  }
.LBB2_9:
0xc2: {  	_ =	swait.ge [sflag:s5], $0x2800;
	s12 =	sshll.u32 s12, $0xA;
	s11 =	sshll.u32 s11, $0x7  }
0xc3: {  	[sflag:s5] =	ssyncset.done $0x0;
	s11 =	sor.u32 s11, s12  }
0xc4: {  	[sflag:s5] =	ssyncadd.s32 $0xFFFFD800;
	s11 =	sor.u32 $0x1000, s11  }
0xc5: {  	[spmem:s1] =	stream.indirect.scatter.add.f32 [tilespmem:s3], [sflag:$0x7], $0x80, s11, s13, $0xb8;
	[tilespmem:$0x1F800] =	vst v63  }
0xc6: {  	_ =	swait.ge [sflag:s28], $0x2800  }
0xc7: {  	s17 =	sshll.u32 s25, $0xB;
	s10 =	sshll.u32 s10, $0x7;
	[sflag:s28] =	ssyncset.done $0x0  }
0xc8: {  	s25 =	sadd.s32 $0xFFFFF200, s9;
	s10 =	sor.u32 s10, s17;
	[sflag:s28] =	ssyncadd.s32 $0xFFFFD800  }
0xc9: {  	[tilespmem:s3], [sflag:$0x1] =	stream.indirect.gather [hbm4b:s0+s13], $0x80, s10, s13, $0xb8;
	[tilespmem:$0x1F800] =	vst v63  }
0xca: {  	s10 =	sand.u32 $0x1800, s25;
	_ =	swait.ge [sflag:s6], $0x2800  }
0xcb: {  	s10 =	sshrl.u32 s10, $0x2;
	[sflag:s6] =	ssyncset.done $0x0  }
0xcc: {  	s26 =	sor.u32 $0x1080, s10;
	[sflag:s6] =	ssyncadd.s32 $0xFFFFD800  }
0xcd: {  	[spmem:s1] =	stream.indirect.scatter.add.f32 [tilespmem:s30], [sflag:$0x7], $0x80, s26, s13, $0xb8;
	[tilespmem:$0x1F800] =	vst v63  }
0xce: {  	_ =	swait.ge [sflag:s28], $0x2800  }
0xcf: {  	[sflag:s28] =	ssyncset.done $0x0  }
0xd0: {  	s11 =	simm.s32 @p0 $0x3;
	[sflag:s28] =	ssyncadd.s32 $0xFFFFD800  }
0xd1: {  	_ =	swait.ge @p0 [sflag:s11], $0x2800  }
0xd2: {  	s12 =	simm.s32 @p0 $0x50;
	s10 =	sor.u32 $0x1000, s10;
	[sflag:s11] =	ssyncset.done @p0 $0x0  }
0xd3: {  	s17 =	simm.s32 @p0 $0x6800;
	[sflag:s11] =	ssyncadd.s32 @p0 $0xFFFFD800;
	s11 =	sadd.s32 @p0 $0x100, s10  }
0xd4: {  	[spmem:s1] =	stream.indirect.scatter.add.f32 @p0 [tilespmem:s17], [sflag:$0x7], $0x80, s11, s12, $0xb8;
	[tilespmem:$0x1F800] =	vst v63  }
0xd5: {  	s11 =	simm.s32 @p0 $0x7  }
0xd6: {  	_ =	swait.ge @p0 [sflag:s11], $0x2800  }
0xd7: {  	s12 =	sadd.s32 @!p0 $0xFFFFFC00, s9;
	[sflag:s11] =	ssyncset.done @p0 $0x0  }
0xd8: {  	[sflag:s11] =	ssyncadd.s32 @p0 $0xFFFFD800;
	s11 =	sand.u32 @!p0 $0x3A00, s12  }
0xd9: {  	s17 =	simm.s32 @!p0 $0x4000;
	s12 =	simm.s32 @!p0 $0x50;
	s11 =	sshrl.u32 @!p0 s11, $0x2  }
0xda: {  	[tilespmem:s17], [sflag:$0x2] =	stream.indirect.gather @!p0 [hbm4b:s0+s12], $0x80, s11, s12, $0xb8;
	[tilespmem:$0x1F800] =	vst v63  }
0xdb: {  	s11 =	simm.s32 @!p0 $0x3  }
0xdc: {  	_ =	swait.ge @!p0 [sflag:s11], $0x2800  }
0xdd: {  	[sflag:s11] =	ssyncset.done @!p0 $0x0  }
0xde: {  	s17 =	simm.s32 @!p0 $0x6800;
	[sflag:s11] =	ssyncadd.s32 @!p0 $0xFFFFD800;
	s11 =	sadd.s32 @!p0 $0x100, s10  }
0xdf: {  	[spmem:s1] =	stream.indirect.scatter.add.f32 @!p0 [tilespmem:s17], [sflag:$0x7], $0x80, s11, s12, $0xb8;
	[tilespmem:$0x1F800] =	vst v63  }
0xe0: {  	s11 =	simm.s32 @!p0 $0x7  }
0xe1: {  	s25 =	sadd.s32 @!p0 $0xFFFFFE00, s9;
	_ =	swait.ge @!p0 [sflag:s11], $0x2800  }
0xe2: {  	s25 =	sand.u32 @!p0 $0x3C00, s25;
	[sflag:s11] =	ssyncset.done @!p0 $0x0  }
0xe3: {  	[sflag:s11] =	ssyncadd.s32 @!p0 $0xFFFFD800;
	s11 =	sshrl.u32 @!p0 s25, $0x2  }
0xe4: {  	[tilespmem:s17], [sflag:$0x3] =	stream.indirect.gather @!p0 [hbm4b:s0+s12], $0x80, s11, s12, $0xb8;
	[tilespmem:$0x1F800] =	vst v63  }
0xe5: {  	_ =	swait.ge [sflag:s29], $0x2800  }
0xe6: {  	[sflag:s29] =	ssyncset.done $0x0  }
.Ltmp6:
0xe7: {  	s10 =	sadd.s32 $0x180, s10;
	[sflag:s29] =	ssyncadd.s32 $0xFFFFD800;
	(pc) =	sbr.rel @p0 .LBB2_11-.Ltmp6, $4  }
0xe8: {  	[spmem:s1] =	stream.indirect.scatter.add.f32 [tilespmem:s31], [sflag:$0x7], $0x80, s10, s13, $0xb8;
	[tilespmem:$0x1F800] =	vst v63  }
0xe9: {  	_ =	swait.ge [sflag:s28], $0x2800  }
0xea: {  	[sflag:s28] =	ssyncset.done $0x0  }
0xeb: {  	[sflag:s28] =	ssyncadd.s32 $0xFFFFD800  }
.Ltmp7:
0xec: {  	(pc) =	sbr.rel .LBB2_4-.Ltmp7, $4  }
0xed: {  	s10 =	sand.u32 $0x3E00, s9  }
0xee: {  	s15 =	sadd.s32 $0x1, s15;
	s14 =	sadd.s32 $0x40, s14;
	s16 =	sadd.s32 $0x40, s16  }
0xef: {  	s8 =	sadd.s32 $0x4, s8;
	s9 =	sadd.s32 $0x800, s9;
	s10 =	sshrl.u32 s10, $0x2  }
0xf0: {  	[tilespmem:s31], [sflag:$0x4] =	stream.indirect.gather [hbm4b:s0+s13], $0x80, s10, s13, $0xb8;
	[tilespmem:$0x1F800] =	vst v63  }
.LBB2_12:
0xf1: {  	_ =	sfence.sel $0x180000  }
0xf2: {  	[bflag:$0x0] =	sbarrier.arrive $0xFFFF  }
0xf3: {  	_ =	strace $0x90000047  }
0xf4: {  	s0 =	stileid.u32;
	[bflag:$0x2] =	sbarrier.arrive $0xFFFF  }
0xf5: {  	p0 =	sne.s32 s0, $0x0;
	s0 =	rddreg [dreg:$0x4]  }
0xf6: {  	s0 =	sadd.s32 @!p0 $0x100000, s0  }
0xf7: {  	[sflag:s0] =	ssyncadd.tile.s32 @!p0 $0x1;
	_ =	shalt  }
.Lfunc_end2:
_tile_overlayer_lowered:
.L_overlay_start_2:
0xf8: {  	(tag) =	ssettag $0x2  }
0xf9: {  	s0 =	rddreg [dreg:$0x0];
	s2 =	stileid.u32  }
0xfa: {  	s1 =	rddreg [dreg:$0x1];
	p0 =	sne.s32 s2, $0x0  }
0xfb: {  	s3 =	rddreg [dreg:$0x2];
	[bflag:$0x3] =	sbarrier.arrive $0xFFFF;
	s2 =	simm.s32 @!p0 $0x1C07  }
0xfc: {  	[timem:s3], [sflag:s2] =	dma.local @!p0 [hbm:s0], s1  }
0xfd: {  	s0 =	simm.s32 @!p0 $0x7  }
0xfe: {  	_ =	swait.ge @!p0 [sflag:s0], s1  }
0xff: {  	s1 =	ssub.s32 @!p0 $0x0, s1;
	[sflag:s0] =	ssyncset.done @!p0 $0x0  }
0x100: {  	[sflag:s0] =	ssyncadd.s32 @!p0 s1  }
0x101: {  	[bflag:$0x3] =	sbarrier.arrive $0xFFFF  }
0x102: {  	_ =	shalt  }

// kernel: kernel.9.cloned.1.call-start
scs
__scs_entry_jumppad:
0x0: {  	(pc) =	sbr.rel $0x88, $3  }
0x1: {  	(tag) =	ssettag $0x0;
	lr =	simm.s32 $0x1  }
0x2: {  	[smem:$0x3F9B] =	sst lr;
	_ =	strace $0xD0000000  }
0x3: {  	_ = 	snop  }
0x4: {  	_ = 	snop  }
0x5: {  	_ = 	snop  }
0x6: {  	_ = 	snop  }
0x7: {  	_ = 	snop  }
__scs_overlays_trampoline_lowered:
0x8: {  	[smem:$0x3FAA] =	sst s0  }
0x9: {  	[smem:$0x3FAB] =	sst s1  }
0xa: {  	[smem:$0x3FAC] =	sst s2  }
0xb: {  	[smem:$0x3FAD] =	sst s3  }
0xc: {  	[smem:$0x3FAE] =	sst s4  }
0xd: {  	[smem:$0x3FAF] =	sst s5  }
0xe: {  	[smem:$0x3FB0] =	sst s6  }
0xf: {  	[smem:$0x3FB1] =	sst s7  }
0x10: {  	[smem:$0x3FB2] =	sst s8  }
0x11: {  	[smem:$0x3FB3] =	sst s9;
	s0 =	simm.s32 @!p0 $0x0  }
0x12: {  	s1 =	sld [smem:$0x3F99];
	s0 =	simm.s32 @p0 $0x1  }
0x13: {  	[smem:$0x3FB4] =	sst s0;
	s0 =	simm.s32 @!p1 $0x0  }
0x14: {  	s2 =	sld [smem:$0x3F98];
	s0 =	simm.s32 @p1 $0x1  }
0x15: {  	[smem:$0x3FB5] =	sst s0;
	s0 =	simm.s32 @!p2 $0x0  }
0x16: {  	s3 =	sld [smem:$0x3FDB];
	s0 =	simm.s32 @p2 $0x1  }
0x17: {  	s4 =	simm.s32 $0x1BF5;
	[smem:$0x3FB7] =	sst s0  }
0x18: {  	s0 =	sld [smem:$0x3F9A];
	_ =	swait.ge [sflag:s4], $0x0  }
0x19: {  	s7 =	sld [smem:$0x3F9B]  }
0x1a: {  	s8 =	sadd.s32 $0xFFFFE003, lr  }
0x1b: {  	s9 =	sadd.s32 $0xFFFFFEF7, lr;
	s5 =	simm.s32 $0xFFFFFFFF;
	p2 =	slt.u32 s8, $0xFFFFF086  }
0x1c: {  	p1 =	slt.u32 s9, $0xF7A;
	s5 =	simm.s32 @!p2 $0x0  }
0x1d: {  	s5 =	simm.s32 @p1 $0x1;
	p0 =	seq.s32 s7, s2  }
0x1e: {  	s7 =	smul.u32 @!p0 $0xF7A, s2;
	p2 =	seq.s32 @!p0 s5, $0x0  }
0x1f: {  	s9 =	smul.u32 $0xF7A, s1;
	s8 =	simm.s32 @!p0 $0x1BF5;
	p2 =	por !p2, p0  }
0x20: {  	[sflag:s8] =	ssyncset.s32 @!p0 $0xFFFFF086;
	s6 =	sadd.s32 @!p0 s3, s7;
	s7 =	simm.s32 @!p0 $0x108  }
0x21: {  	s3 =	sadd.s32 s3, s9;
	s6 =	sadd.s32 @!p0 $0x88, s6;
	s7 =	simm.s32 @p2 $0x1082  }
0x22: {  	[simem:s7], [sflag:s8] =	dma.local @!p0 [hbm:s6], $0xF7A  }
0x23: {  	s9 =	sor.u32 $0xD0000000, s2;
	s6 =	simm.s32 $0x108;
	_ =	swait.ge @!p0 [sflag:s8], $0x0  }
0x24: {  	s3 =	sadd.s32 $0x88, s3;
	s6 =	simm.s32 @!p1 $0x1082;
	[sflag:s4] =	ssyncset.s32 $0xFFFFF086  }
0x25: {  	[simem:s6], [sflag:s4] =	dma.local [hbm:s3], $0xF7A  }
0x26: {  	[smem:$0x3F9B] =	sst s1;
	(tag) =	ssettag s2;
	_ =	strace s9  }
0x27: {  	s1 =	sld [smem:$0x3FAB]  }
0x28: {  	s2 =	sld [smem:$0x3FAC]  }
0x29: {  	s4 =	sld [smem:$0x3FAE]  }
0x2a: {  	p0 =	seq.s32 s5, $0x0;
	s5 =	sld [smem:$0x3FAF]  }
0x2b: {  	s6 =	sld [smem:$0x3FB0]  }
0x2c: {  	s7 =	sld [smem:$0x3FB1]  }
0x2d: {  	s3 =	simm.s32 $0x108;
	s8 =	sld [smem:$0x3FB2]  }
0x2e: {  	s3 =	simm.s32 @!p0 $0x1082;
	s9 =	sld [smem:$0x3FB3]  }
0x2f: {  	lr =	sadd.s32 s0, s3;
	s0 =	sld [smem:$0x3FAA]  }
0x30: {  	s3 =	sld [smem:$0x3FAD]  }
0x31: {  	[smem:$0x3FB6] =	sst s10  }
0x32: {  	s10 =	sld [smem:$0x3FB4];
	_ =	sdelay $0x3  }
0x33: {  	p0 =	seq.s32 s10, $0x1;
	s10 =	sld [smem:$0x3FB6];
	_ =	sdelay $0x3  }
0x34: {  	[smem:$0x3FB6] =	sst s10  }
0x35: {  	s10 =	sld [smem:$0x3FB5];
	_ =	sdelay $0x3  }
0x36: {  	p1 =	seq.s32 s10, $0x1;
	s10 =	sld [smem:$0x3FB6];
	_ =	sdelay $0x3  }
0x37: {  	[smem:$0x3FB6] =	sst s10  }
0x38: {  	s10 =	sld [smem:$0x3FB7]  }
0x39: {  	_ = 	snop;
	(pc) =	sbr.ind lr, $3  }
0x3a: {  	_ = 	snop  }
0x3b: {  	_ = 	snop  }
0x3c: {  	p2 =	seq.s32 s10, $0x1;
	s10 =	sld [smem:$0x3FB6]  }
0x3d: {  	_ =	shalt  }
0x3e: {  	_ =	shalt  }
0x3f: {  	_ =	shalt  }
0x40: {  	_ =	shalt  }
0x41: {  	_ =	shalt  }
0x42: {  	_ =	shalt  }
0x43: {  	_ =	shalt  }
0x44: {  	_ =	shalt  }
0x45: {  	_ =	shalt  }
0x46: {  	_ =	shalt  }
0x47: {  	_ =	shalt  }
0x48: {  	_ =	shalt  }
0x49: {  	_ =	shalt  }
0x4a: {  	_ =	shalt  }
0x4b: {  	_ =	shalt  }
0x4c: {  	_ =	shalt  }
0x4d: {  	_ =	shalt  }
0x4e: {  	_ =	shalt  }
0x4f: {  	_ =	shalt  }
0x50: {  	_ =	shalt  }
0x51: {  	_ =	shalt  }
0x52: {  	_ =	shalt  }
0x53: {  	_ =	shalt  }
0x54: {  	_ =	shalt  }
0x55: {  	_ =	shalt  }
0x56: {  	_ =	shalt  }
0x57: {  	_ =	shalt  }
0x58: {  	_ =	shalt  }
0x59: {  	_ =	shalt  }
0x5a: {  	_ =	shalt  }
0x5b: {  	_ =	shalt  }
0x5c: {  	_ =	shalt  }
0x5d: {  	_ =	shalt  }
0x5e: {  	_ =	shalt  }
0x5f: {  	_ =	shalt  }
0x60: {  	_ =	shalt  }
0x61: {  	_ =	shalt  }
0x62: {  	_ =	shalt  }
0x63: {  	_ =	shalt  }
0x64: {  	_ =	shalt  }
0x65: {  	_ =	shalt  }
0x66: {  	_ =	shalt  }
0x67: {  	_ =	shalt  }
0x68: {  	_ =	shalt  }
0x69: {  	_ =	shalt  }
0x6a: {  	_ =	shalt  }
0x6b: {  	_ =	shalt  }
0x6c: {  	_ =	shalt  }
0x6d: {  	_ =	shalt  }
0x6e: {  	_ =	shalt  }
0x6f: {  	_ =	shalt  }
0x70: {  	_ =	shalt  }
0x71: {  	_ =	shalt  }
0x72: {  	_ =	shalt  }
0x73: {  	_ =	shalt  }
0x74: {  	_ =	shalt  }
0x75: {  	_ =	shalt  }
0x76: {  	_ =	shalt  }
0x77: {  	_ =	shalt  }
0x78: {  	_ =	shalt  }
0x79: {  	_ =	shalt  }
0x7a: {  	_ =	shalt  }
0x7b: {  	_ =	shalt  }
0x7c: {  	_ =	shalt  }
0x7d: {  	_ =	shalt  }
0x7e: {  	_ =	shalt  }
0x7f: {  	_ =	shalt  }
0x80: {  	_ =	shalt  }
0x81: {  	_ =	shalt  }
0x82: {  	_ =	shalt  }
0x83: {  	_ =	shalt  }
0x84: {  	_ =	shalt  }
0x85: {  	_ =	shalt  }
0x86: {  	_ =	shalt  }
0x87: {  	_ =	shalt  }
.Lfunc_end0:
.L_simem_size_0:
called_computation.1_lowered:
.L_overlay_start_0:
0x88: {  	s2 =	sld [smem:$0x3FD9]  }
0x89: {  	s3 =	sld [smem:$0x3FFE];
	_ =	sdelay $0x1  }
0x8a: {  	s1 =	srdreg.scid  }
0x8b: {  	s0 =	sand.u32 $0x1, s1  }
0x8c: {  	s17 =	sshll.u32 s0, $0xA;
	s2 =	sadd.s32 s3, s2  }
0x8d: {  	s2 =	sadd.s32 s2, s17  }
0x8e: {  	[smem:$0x3FC2] =	sst s2  }
0x8f: {  	_ = 	snop  }
0x90: {  	s2 =	sld [smem:$0x3FD0];
	(tm) =	ssettm $0x1  }
0x91: {  	s18 =	sld [smem:$0x3FFB];
	_ =	sdelay $0x3  }
0x92: {  	_ =	strace s18  }
0x93: {  	s3 =	sld [smem:$0x3FFC];
	_ =	sdelay $0x3  }
0x94: {  	_ =	strace s3  }
0x95: {  	s3 =	sld [smem:$0x3FFD];
	_ =	sdelay $0x3  }
0x96: {  	_ =	strace s3  }
0x97: {  	_ =	strace $0x8FFFFFFF  }
0x98: {  	s19 =	sld [smem:$0x3FDB];
	_ =	sdelay $0x1  }
0x99: {  	s4 =	simm.s32 $_scs_section_size  }
0x9a: {  	s5 =	simm.s32 $_size__tile_overlayer_lowered;
	s6 =	simm.s32 $_tile_overlayer_lowered  }
0x9b: {  	s22 =	simm.s32 $0x1BFF;
	s21 =	sshll.u32 s6, $0x1;
	s3 =	sadd.s32 s4, s19  }
0x9c: {  	s7 =	simm.s32 $0x0;
	s20 =	sshll.u32 s5, $0x1;
	s5 =	sadd.s32 s21, s3  }
0x9d: {  	[timem:s7], [sflag:s22] =	dma.local [hbm:s5], s20  }
0x9e: {  	_ =	swait.ge [sflag:s22], s20  }
0x9f: {  	s4 =	ssub.s32 $0x0, s20;
	[sflag:s22] =	ssyncset.done $0x0  }
0xa0: {  	[sflag:s22] =	ssyncadd.s32 s4;
	_ =	sdelay $0x1  }
0xa1: {  	s23 =	simm.s32 $0x1B8B  }
0xa2: {  	_ =	swait.ge [sflag:s23], $0x1  }
0xa3: {  	[sflag:s23] =	ssyncset.done $0x0  }
0xa4: {  	s25 =	simm.s32 $0x1B8E;
	s24 =	sld [smem:$0x3FFE];
	[sflag:s23] =	ssyncadd.s32 $0xFFFFFFFF  }
0xa5: {  	s26 =	simm.s32 $execute0_lowered;
	[smem:$0x3FD2] =	sst s25  }
0xa6: {  	s5 =	sshll.u32 s26, $0x1;
	_ =	strace $0x80000049;
	[dreg:$0x1] =	wrdreg $0xFFFFFFFF  }
0xa7: {  	s28 =	simm.s32 $_size_execute0_lowered;
	s3 =	sadd.s32 s3, s5;
	[dreg:$0x0] =	wrdreg $0x0  }
0xa8: {  	s5 =	sshll.u32 s28, $0x1;
	[dreg:$0x2] =	wrdreg s3  }
0xa9: {  	[dreg:$0x3] =	wrdreg s5  }
0xaa: {  	[dreg:$0x4] =	wrdreg $0xC0  }
0xab: {  	_ =	task [dreg:s7], $0x5FFFF  }
0xac: {  	[dreg:$0x1] =	wrdreg $0xFFFFFFFF  }
0xad: {  	[dreg:$0x0] =	wrdreg $0x60  }
0xae: {  	[dreg:$0x2] =	wrdreg s24  }
0xaf: {  	[dreg:$0x3] =	wrdreg s2  }
0xb0: {  	[dreg:$0x4] =	wrdreg $0xB8000  }
0xb1: {  	[dreg:$0x5] =	wrdreg $0x9  }
0xb2: {  	_ =	task.clear_ibuf [dreg:s7], $0x6FFFF;
	_ =	strace $0x90000049  }
0xb3: {  	s29 =	simm.s32 $0x9;
	_ =	strace $0x8000004B  }
0xb4: {  	_ =	swait.ge [sflag:s29], $0x1  }
0xb5: {  	[sflag:s29] =	ssyncadd.s32 $0xFFFFFFFF  }
0xb6: {  	_ =	strace $0x9000004B  }
0xb7: {  	_ =	sfence  }
0xb8: {  	s30 =	sld [smem:$0x0];
	_ =	sdelay $0x2  }
0xb9: {  	s31 =	sshll.u32 s1, $0xD;
	s1 =	sshrl.u32 s1, $0x2  }
0xba: {  	s3 =	sand.u32 $0x4000, s31;
	s1 =	sadd.s32 s1, s30  }
0xbb: {  	s0 =	sor.u32 s3, s0;
	s1 =	sshll.u32 s1, $0x11  }
0xbc: {  	s0 =	sor.u32 s1, s0  }
0xbd: {  	s0 =	sadd.s32 $0x8F2B, s0  }
0xbe: {  	[sflag:s0] =	ssyncadd.remote.s32 $0x1  }
0xbf: {  	_ =	sfence.sel $0xFFFF  }
0xc0: {  	[dreg:$0x0] =	wrdreg $0xFFFFFFFF;
	(pc) =	sbr.abs _section_cstart, $3  }
0xc1: {  	[dreg:$0x1] =	wrdreg $0xFFFFFFFF  }
0xc2: {  	_ =	task.clear_ibuf [dreg:s7], $0x2FFFF;
	_ =	strace $0x9FFFFFFF  }
0xc3: {  	(tm) =	ssettm $0x7FFFFFFF  }
tec
execute0_lowered:
.L_overlay_start_1:
0x0: {  	(tag) =	ssettag $0x1  }
0x1: {  	s0 =	rddreg [dreg:$0x0]  }
0x2: {  	s2 =	rddreg [dreg:$0x1]  }
0x3: {  	s1 =	rddreg [dreg:$0x2];
	s3 =	simm.s32 $0x0;
	s4 =	srdreg.scid  }
0x4: {  	s18 =	stileid.u32;
	s28 =	simm.s32 $0x7;
	s31 =	simm.s32 $0x9000  }
0x5: {  	s30 =	simm.s32 $0x4000;
	s29 =	simm.s32 $0x4;
	s5 =	sadd.s32 $0x1800, s0  }
0x6: {  	s4 =	sand.u32 $0x1, s4;
	s6 =	sadd.s32 $0x38A00, s0;
	s8 =	smul.u32 $0x14000, s18  }
0x7: {  	s11 =	sshll.u32 s18, $0xE;
	[smem:$0x7FF] =	sst s3;
	s7 =	ssub.s32 $0x2, s4  }
0x8: {  	s10 =	sshll.u32 s4, $0x12;
	s4 =	smul.u32 $0x140000, s4;
	s9 =	sshrl.u32 s7, $0x1  }
0x9: {  	s12 =	sadd.s32 $0x7800, s8;
	s13 =	sadd.s32 $0xA000, s8;
	s14 =	sadd.s32 $0xC800, s8  }
0xa: {  	s15 =	sadd.s32 $0xF000, s8;
	s24 =	sadd.s32 $0x11800, s8;
	s7 =	ssub.s32 s7, s9  }
0xb: {  	s9 =	sor.u32 s11, s10;
	s10 =	sor.u32 $0x2800, s8;
	s11 =	sadd.s32 $0x5000, s8  }
0xc: {  	s8 =	sadd.s32 s8, s4;
	s19 =	sadd.s32 s4, s12;
	s20 =	sadd.s32 s4, s13  }
0xd: {  	s21 =	sadd.s32 s4, s14;
	s25 =	sadd.s32 s4, s15;
	s16 =	sadd.s32 s4, s10  }
0xe: {  	s8 =	sshrl.u32 s8, $0x3;
	s17 =	sadd.s32 s4, s11;
	s23 =	sshrl.u32 s21, $0x3  }
0xf: {  	s4 =	sadd.s32 s4, s24;
	s26 =	sor.u32 $0x800, s9;
	s24 =	sadd.s32 s24, s1  }
0x10: {  	s16 =	sshrl.u32 s16, $0x3;
	s8 =	sadd.s32 s6, s8;
	s17 =	sshrl.u32 s17, $0x3  }
0x11: {  	s4 =	sshrl.u32 s4, $0x3;
	[dreg:$0x4] =	wrdreg s8;
	s16 =	sadd.s32 s6, s16  }
0x12: {  	s8 =	sadd.s32 s6, s17;
	s4 =	sadd.s32 s6, s4;
	[dreg:$0x5] =	wrdreg s16  }
0x13: {  	[dreg:$0x6] =	wrdreg s8;
	s8 =	sshrl.u32 s19, $0x3;
	s16 =	sshrl.u32 s20, $0x3  }
0x14: {  	[dreg:$0xb] =	wrdreg s4;
	s19 =	sadd.s32 s11, s1;
	s8 =	sadd.s32 s6, s8  }
0x15: {  	s20 =	sadd.s32 s12, s1;
	s22 =	sadd.s32 s6, s16;
	[dreg:$0x7] =	wrdreg s8  }
0x16: {  	s16 =	sor.u32 $0x400, s9;
	[dreg:$0x8] =	wrdreg s22;
	s8 =	sadd.s32 s6, s23  }
0x17: {  	s21 =	sshrl.u32 s16, $0x3;
	s22 =	smul.u32 $0x50000, s18;
	s16 =	sadd.s32 $0x11800, s0  }
0x18: {  	s18 =	sadd.s32 s10, s1;
	[dreg:$0x9] =	wrdreg s8;
	s8 =	sshrl.u32 s25, $0x3  }
0x19: {  	s25 =	smax.u32 s7, $0x1;
	s7 =	simm.s32 $0x0;
	s8 =	sadd.s32 s6, s8  }
0x1a: {  	s6 =	sshrl.u32 s26, $0x3;
	s23 =	sshrl.u32 s22, $0x2;
	s22 =	sadd.s32 s14, s1  }
0x1b: {  	[dreg:$0xa] =	wrdreg s8;
	s8 =	sshrl.u32 s9, $0x3;
	s4 =	sadd.s32 s6, s2  }
0x1c: {  	s0 =	sadd.s32 s23, s1;
	[dreg:$0xc] =	wrdreg s4;
	s6 =	sadd.s32 s5, s8  }
0x1d: {  	s17 =	sadd.s32 s2, s8;
	s2 =	sadd.s32 s21, s5;
	[dreg:$0xe] =	wrdreg s6  }
.Ltmp0:
0x1e: {  	s23 =	sadd.s32 s15, s1;
	[dreg:$0xf] =	wrdreg s2;
	(pc) =	sbr.rel .LBB2_1-.Ltmp0, $4  }
0x1f: {  	s21 =	sadd.s32 s13, s1;
	_ =	strace $0x8000004A;
	[dreg:$0x10] =	wrdreg s0  }
0x20: {  	s4 =	simm.s32 $0x6;
	s5 =	simm.s32 $0x1;
	[dreg:$0x11] =	wrdreg s25  }
0x21: {  	s26 =	sadd.s32 $0x100, s17;
	s2 =	simm.s32 $0x1800;
	[dreg:$0xd] =	wrdreg s17  }
0x22: {  	v0 =	vimm.f32 $0.0e+00;
	s6 =	simm.s32 $0x2;
	[dreg:$0x12] =	wrdreg s26;
	s0 =	simm.s32 $0x50  }
.LBB2_11:
0x23: {  	_ =	swait.ge [sflag:s5], $0x2800  }
0x24: {  	[sflag:s5] =	ssyncset.done $0x0  }
0x25: {  	s8 =	simm.s32 $0x1600;
	[sflag:s5] =	ssyncadd.s32 $0xFFFFD800  }
0x26: {  	[spmem:s1] =	stream.indirect.scatter.add.f32 [tilespmem:s2], [sflag:$0x7], $0x80, s8, s0, $0xb8;
	[tilespmem:$0x1F800] =	vst v63  }
0x27: {  	_ =	swait.ge [sflag:s28], $0x2800  }
0x28: {  	[sflag:s28] =	ssyncset.done $0x0  }
0x29: {  	[sflag:s28] =	ssyncadd.s32 $0xFFFFD800  }
0x2a: {  	s10 =	stileid.u32;
	[bflag:$0x0] =	sbarrier.arrive $0xFFFF  }
0x2b: {  	s8 =	sshll.u32 s10, $0x6;
	s9 =	rddreg [dreg:$0x10]  }
0x2c: {  	s8 =	sor.u32 $0x1C01, s8;
	s10 =	rddreg [dreg:$0x4];
	s9 =	sshrl.u32 s9, $0x3  }
0x2d: {  	[hbm:s10], [sflag:s8] =	dma.local [spmem:s9], $0x500  }
0x2e: {  	s11 =	sshrl.u32 s18, $0x3;
	s10 =	rddreg [dreg:$0x5]  }
0x2f: {  	[hbm:s10], [sflag:s8] =	dma.local [spmem:s11], $0x500  }
0x30: {  	s12 =	sshrl.u32 s19, $0x3;
	s10 =	rddreg [dreg:$0x6]  }
0x31: {  	[hbm:s10], [sflag:s8] =	dma.local [spmem:s12], $0x500  }
0x32: {  	s13 =	sshrl.u32 s20, $0x3;
	s10 =	rddreg [dreg:$0x7]  }
0x33: {  	[hbm:s10], [sflag:s8] =	dma.local [spmem:s13], $0x500  }
0x34: {  	s14 =	sshrl.u32 s21, $0x3;
	s10 =	rddreg [dreg:$0x8]  }
0x35: {  	[hbm:s10], [sflag:s8] =	dma.local [spmem:s14], $0x500  }
0x36: {  	s15 =	sshrl.u32 s22, $0x3;
	s10 =	rddreg [dreg:$0x9]  }
0x37: {  	[hbm:s10], [sflag:s8] =	dma.local [spmem:s15], $0x500  }
0x38: {  	s17 =	sshrl.u32 s23, $0x3;
	s10 =	rddreg [dreg:$0xa]  }
0x39: {  	[hbm:s10], [sflag:s8] =	dma.local [spmem:s17], $0x500  }
0x3a: {  	s25 =	sshrl.u32 s24, $0x3;
	s10 =	rddreg [dreg:$0xb]  }
0x3b: {  	[hbm:s10], [sflag:s8] =	dma.local [spmem:s25], $0x500  }
0x3c: {  	_ =	swait.ge [sflag:s5], $0x500  }
0x3d: {  	[sflag:s5] =	ssyncset.done $0x0  }
0x3e: {  	[sflag:s5] =	ssyncadd.s32 $0xFFFFFB00  }
0x3f: {  	_ =	swait.ge [sflag:s5], $0x500  }
0x40: {  	[sflag:s5] =	ssyncset.done $0x0  }
0x41: {  	[sflag:s5] =	ssyncadd.s32 $0xFFFFFB00  }
0x42: {  	_ =	swait.ge [sflag:s5], $0x500  }
0x43: {  	[sflag:s5] =	ssyncset.done $0x0  }
0x44: {  	[sflag:s5] =	ssyncadd.s32 $0xFFFFFB00  }
0x45: {  	_ =	swait.ge [sflag:s5], $0x500  }
0x46: {  	[sflag:s5] =	ssyncset.done $0x0  }
0x47: {  	[sflag:s5] =	ssyncadd.s32 $0xFFFFFB00  }
0x48: {  	_ =	swait.ge [sflag:s5], $0x500  }
0x49: {  	[sflag:s5] =	ssyncset.done $0x0  }
0x4a: {  	[sflag:s5] =	ssyncadd.s32 $0xFFFFFB00  }
0x4b: {  	_ =	swait.ge [sflag:s5], $0x500  }
0x4c: {  	[sflag:s5] =	ssyncset.done $0x0  }
0x4d: {  	[sflag:s5] =	ssyncadd.s32 $0xFFFFFB00  }
0x4e: {  	_ =	swait.ge [sflag:s5], $0x500  }
0x4f: {  	[sflag:s5] =	ssyncset.done $0x0  }
0x50: {  	[sflag:s5] =	ssyncadd.s32 $0xFFFFFB00  }
0x51: {  	_ =	swait.ge [sflag:s5], $0x500  }
0x52: {  	s7 =	sadd.s32 $0x1, s7;
	s26 =	rddreg [dreg:$0x11]  }
0x53: {  	p0 =	sne.s32 s7, s26  }
.Ltmp1:
0x54: {  	_ = 	snop;
	(pc) =	sbr.rel @!p0 .LBB2_12-.Ltmp1, $3  }
0x55: {  	_ =	sdelay $0x1  }
0x56: {  	[sflag:s5] =	ssyncset.done $0x0  }
0x57: {  	[sflag:s5] =	ssyncadd.s32 $0xFFFFFB00  }
.LBB2_1:
0x58: {  	s8 =	rddreg [dreg:$0xd]  }
0x59: {  	[tilespmem:s3], [sflag:$0x7] =	stream.linear.gather [hbm4b:s8+s3], $0x800, $0x38;
	[tilespmem:$0x1F800] =	vst v63  }
0x5a: {  	_ =	swait.ge [sflag:s28], $0x800  }
0x5b: {  	s9 =	simm.s32 $0x800;
	[sflag:s28] =	ssyncset.done $0x0  }
0x5c: {  	s26 =	simm.s32 $0x1000;
	s17 =	rddreg [dreg:$0x12];
	[sflag:s28] =	ssyncadd.s32 $0xFFFFF800  }
0x5d: {  	[tilespmem:s9], [sflag:$0x5] =	stream.linear.gather [hbm4b:s17+s3], $0x800, $0x38;
	[tilespmem:$0x1F800] =	vst v63  }
0x5e: {  	s8 =	simm.s32 $0x70;
	s25 =	rddreg [dreg:$0xe];
	s9 =	simm.s32 $0x3C0  }
0x5f: {  	[tilespmem:s26], [sflag:$0x6] =	stream.linear.gather [hbm4b:s25+s3], $0x400, $0x38;
	[tilespmem:$0x1F800] =	vst v63  }
.LBB2_2:
0x60: {  	p0 =	sne.s32 s9, $0x9FC0;
	[tilespmem:s8+$0x9000] =	vst v0  }
0x61: {  	[tilespmem:s8+$0x8F90] =	vst v0  }
0x62: {  	[tilespmem:s8+$0x8FA0] =	vst v0  }
.Ltmp2:
0x63: {  	[tilespmem:s8+$0x8FB0] =	vst v0;
	(pc) =	sbr.rel @p0 .LBB2_2-.Ltmp2, $4  }
0x64: {  	[tilespmem:s8+$0x8FC0] =	vst v0  }
0x65: {  	[tilespmem:s8+$0x8FD0] =	vst v0  }
0x66: {  	[tilespmem:s8+$0x8FE0] =	vst v0  }
0x67: {  	[tilespmem:s8+$0x8FF0] =	vst v0;
	s8 =	sshra.s32 s9, $0x2;
	s9 =	sadd.s32 $0x200, s9  }
0x68: {  	[tilespmem:s8+$0x9000] =	vst v0  }
0x69: {  	[tilespmem:s8+$0x8F90] =	vst v0  }
0x6a: {  	[tilespmem:s8+$0x8FA0] =	vst v0  }
0x6b: {  	[tilespmem:s8+$0x8FB0] =	vst v0  }
0x6c: {  	[tilespmem:s8+$0x8FC0] =	vst v0  }
0x6d: {  	[tilespmem:s8+$0x8FD0] =	vst v0  }
0x6e: {  	[tilespmem:s8+$0x8FE0] =	vst v0  }
0x6f: {  	[tilespmem:s8+$0x8FF0] =	vst v0;
	s17 =	rddreg [dreg:$0x10]  }
0x70: {  	[spmem:s17] =	stream.linear.scatter [tilespmem:s31], [sflag:$0x4], $0x2800, $0x38;
	[tilespmem:$0x1F800] =	vst v63  }
0x71: {  	_ = 	snop  }
0x72: {  	[spmem:s18] =	stream.linear.scatter [tilespmem:s31], [sflag:$0x4], $0x2800, $0x38;
	[tilespmem:$0x1F800] =	vst v63  }
0x73: {  	_ = 	snop  }
0x74: {  	[spmem:s19] =	stream.linear.scatter [tilespmem:s31], [sflag:$0x4], $0x2800, $0x38;
	[tilespmem:$0x1F800] =	vst v63  }
0x75: {  	_ = 	snop  }
0x76: {  	[spmem:s20] =	stream.linear.scatter [tilespmem:s31], [sflag:$0x4], $0x2800, $0x38;
	[tilespmem:$0x1F800] =	vst v63  }
0x77: {  	_ = 	snop  }
0x78: {  	[spmem:s21] =	stream.linear.scatter [tilespmem:s31], [sflag:$0x4], $0x2800, $0x38;
	[tilespmem:$0x1F800] =	vst v63  }
0x79: {  	_ = 	snop  }
0x7a: {  	[spmem:s22] =	stream.linear.scatter [tilespmem:s31], [sflag:$0x4], $0x2800, $0x38;
	[tilespmem:$0x1F800] =	vst v63  }
0x7b: {  	_ = 	snop  }
0x7c: {  	[spmem:s23] =	stream.linear.scatter [tilespmem:s31], [sflag:$0x4], $0x2800, $0x38;
	[tilespmem:$0x1F800] =	vst v63  }
0x7d: {  	_ = 	snop  }
0x7e: {  	[spmem:s24] =	stream.linear.scatter [tilespmem:s31], [sflag:$0x4], $0x2800, $0x38;
	[tilespmem:$0x1F800] =	vst v63  }
0x7f: {  	s8 =	simm.s32 $0x0  }
0x80: {  	[tilespmem:s2], [sflag:$0x1] =	stream.indirect.gather [hbm4b:s16+s0], $0x80, s8, s0, $0xb8;
	[tilespmem:$0x1F800] =	vst v63  }
0x81: {  	s9 =	simm.s32 $0x80  }
0x82: {  	[tilespmem:s30], [sflag:$0x2] =	stream.indirect.gather [hbm4b:s16+s0], $0x80, s9, s0, $0xb8;
	[tilespmem:$0x1F800] =	vst v63  }
0x83: {  	s25 =	simm.s32 $0x100;
	s10 =	simm.s32 $0x6800  }
0x84: {  	[tilespmem:s10], [sflag:$0x3] =	stream.indirect.gather [hbm4b:s16+s0], $0x80, s25, s0, $0xb8;
	[tilespmem:$0x1F800] =	vst v63  }
0x85: {  	_ =	swait.ge [sflag:s29], $0x2800  }
0x86: {  	[sflag:s29] =	ssyncset.done $0x0  }
0x87: {  	[sflag:s29] =	ssyncadd.s32 $0xFFFFD800  }
0x88: {  	_ =	swait.ge [sflag:s29], $0x2800  }
0x89: {  	[sflag:s29] =	ssyncset.done $0x0  }
0x8a: {  	[sflag:s29] =	ssyncadd.s32 $0xFFFFD800  }
0x8b: {  	_ =	swait.ge [sflag:s29], $0x2800  }
0x8c: {  	[sflag:s29] =	ssyncset.done $0x0  }
0x8d: {  	[sflag:s29] =	ssyncadd.s32 $0xFFFFD800  }
0x8e: {  	_ =	swait.ge [sflag:s29], $0x2800  }
0x8f: {  	[sflag:s29] =	ssyncset.done $0x0  }
0x90: {  	[sflag:s29] =	ssyncadd.s32 $0xFFFFD800  }
0x91: {  	_ =	swait.ge [sflag:s29], $0x2800  }
0x92: {  	[sflag:s29] =	ssyncset.done $0x0  }
0x93: {  	[sflag:s29] =	ssyncadd.s32 $0xFFFFD800  }
0x94: {  	_ =	swait.ge [sflag:s29], $0x2800  }
0x95: {  	[sflag:s29] =	ssyncset.done $0x0  }
0x96: {  	[sflag:s29] =	ssyncadd.s32 $0xFFFFD800  }
0x97: {  	_ =	swait.ge [sflag:s29], $0x2800  }
0x98: {  	[sflag:s29] =	ssyncset.done $0x0  }
0x99: {  	[sflag:s29] =	ssyncadd.s32 $0xFFFFD800  }
0x9a: {  	_ =	swait.ge [sflag:s29], $0x2800  }
0x9b: {  	[sflag:s29] =	ssyncset.done $0x0  }
0x9c: {  	s26 =	simm.s32 $0x180;
	[sflag:s29] =	ssyncadd.s32 $0xFFFFD800  }
0x9d: {  	[tilespmem:s31], [sflag:$0x4] =	stream.indirect.gather [hbm4b:s16+s0], $0x80, s26, s0, $0xb8;
	[tilespmem:$0x1F800] =	vst v63  }
0x9e: {  	[bflag:$0x0] =	sbarrier.arrive $0xFFFF  }
0x9f: {  	s15 =	rddreg [dreg:$0xf]  }
0xa0: {  	s11 =	simm.s32 $0x0;
	s9 =	simm.s32 $0xE00;
	s12 =	rddreg [dreg:$0xc]  }
.LBB2_4:
0xa1: {  	s14 =	sand.u32 $0x4, s8  }
0xa2: {  	p1 =	sne.s32 s14, $0x0  }
.Ltmp3:
0xa3: {  	_ = 	snop;
	(pc) =	sbr.rel @p1 .LBB2_8-.Ltmp3, $3  }
0xa4: {  	_ =	sdelay $0x1  }
0xa5: {  	s10 =	sshrl.u32 s11, $0x1  }
0xa6: {  	p0 =	seq.s32 s9, $0xFE00;
	s10 =	sand.u32 $0x1, s10  }
.Ltmp4:
0xa7: {  	(pc) =	sbr.rel @!p0 .LBB2_7-.Ltmp4, $4  }
0xa8: {  	_ = 	snop  }
0xa9: {  	_ =	swait.ge [sflag:s4], $0x400  }
0xaa: {  	[sflag:s4] =	ssyncset.done $0x0  }
0xab: {  	[sflag:s4] =	ssyncadd.s32 $0xFFFFFC00  }
.Ltmp5:
0xac: {  	(pc) =	sbr.rel .LBB2_9-.Ltmp5, $2  }
0xad: {  	_ =	sdelay $0x2  }
0xae: {  	s13 =	simm.s32 $0xC;
	s25 =	simm.s32 $0x1  }
.LBB2_7:
0xaf: {  	s13 =	sshll.u32 s10, $0xA  }
0xb0: {  	s13 =	sxor.u32 $0x1400, s13  }
0xb1: {  	[tilespmem:s13], [sflag:$0x6] =	stream.linear.gather [hbm4b:s15+s3], $0x400, $0x38;
	[tilespmem:$0x1F800] =	vst v63  }
.LBB2_8:
0xb2: {  	s25 =	sadd.s32 $0x4, s8  }
0xb3: {  	s13 =	sand.u32 $0xC, s25  }
0xb4: {  	p1 =	sne.s32 s13, $0x0  }
0xb5: {  	p2 =	sgt.u32 @p1 s11, $0x1B  }
0xb6: {  	p3 =	por p2, !p1  }
0xb7: {  	p3 =	sne.s32 @!p3 s13, $0x4  }
0xb8: {  	s25 =	sshrl.u32 s25, $0x4;
	p4 =	por @p1 p3, p2  }
0xb9: {  	s25 =	sand.u32 $0x1, s25;
	p4 =	por p4, !p1  }
0xba: {  	s26 =	sshll.u32 @!p4 s25, $0xB  }
0xbb: {  	p3 =	por @p1 !p3, p2;
	s17 =	simm.s32 @!p4 $0x0;
	s26 =	sxor.u32 @!p4 $0x800, s26  }
0xbc: {  	[tilespmem:s26], [sflag:$0x5] =	stream.linear.gather @!p4 [hbm4b:s12+s17], $0x800, $0x38;
	[tilespmem:$0x1F800] =	vst v63  }
0xbd: {  	p3 =	por !p3, !p1;
	s17 =	smov.u32 s13;
	s26 =	simm.s32 @!p1 $0x5  }
0xbe: {  	p2 =	por !p2, !p1;
	s17 =	simm.s32 @!p3 $0x4;
	_ =	swait.ge @!p1 [sflag:s26], $0x800  }
0xbf: {  	s13 =	smov.u32 @p2 s17;
	[sflag:s26] =	ssyncset.done @!p1 $0x0  }
0xc0: {  	[sflag:s26] =	ssyncadd.s32 @!p1 $0xFFFFF800;
	s13 =	simm.s32 @!p1 $0x0  }
.LBB2_9:
0xc1: {  	_ =	swait.ge [sflag:s5], $0x2800;
	s10 =	sshll.u32 s10, $0xA;
	s14 =	sshll.u32 s14, $0x7  }
0xc2: {  	[sflag:s5] =	ssyncset.done $0x0;
	s10 =	sor.u32 s14, s10  }
0xc3: {  	[sflag:s5] =	ssyncadd.s32 $0xFFFFD800;
	s10 =	sor.u32 $0x1000, s10  }
0xc4: {  	[spmem:s1] =	stream.indirect.scatter.add.f32 [tilespmem:s2], [sflag:$0x7], $0x80, s10, s0, $0xb8;
	[tilespmem:$0x1F800] =	vst v63  }
0xc5: {  	_ =	swait.ge [sflag:s28], $0x2800  }
0xc6: {  	s17 =	sshll.u32 s25, $0xB;
	s13 =	sshll.u32 s13, $0x7;
	[sflag:s28] =	ssyncset.done $0x0  }
0xc7: {  	s25 =	sadd.s32 $0xFFFFF200, s9;
	s10 =	sor.u32 s13, s17;
	[sflag:s28] =	ssyncadd.s32 $0xFFFFD800  }
0xc8: {  	[tilespmem:s2], [sflag:$0x1] =	stream.indirect.gather [hbm4b:s16+s0], $0x80, s10, s0, $0xb8;
	[tilespmem:$0x1F800] =	vst v63  }
0xc9: {  	s10 =	sand.u32 $0x1800, s25;
	_ =	swait.ge [sflag:s6], $0x2800  }
0xca: {  	s10 =	sshrl.u32 s10, $0x2;
	[sflag:s6] =	ssyncset.done $0x0  }
0xcb: {  	s26 =	sor.u32 $0x1080, s10;
	[sflag:s6] =	ssyncadd.s32 $0xFFFFD800  }
0xcc: {  	[spmem:s1] =	stream.indirect.scatter.add.f32 [tilespmem:s30], [sflag:$0x7], $0x80, s26, s0, $0xb8;
	[tilespmem:$0x1F800] =	vst v63  }
0xcd: {  	_ =	swait.ge [sflag:s28], $0x2800  }
0xce: {  	[sflag:s28] =	ssyncset.done $0x0  }
0xcf: {  	s13 =	simm.s32 @p0 $0x3;
	[sflag:s28] =	ssyncadd.s32 $0xFFFFD800  }
0xd0: {  	_ =	swait.ge @p0 [sflag:s13], $0x2800  }
0xd1: {  	s14 =	simm.s32 @p0 $0x50;
	s10 =	sor.u32 $0x1000, s10;
	[sflag:s13] =	ssyncset.done @p0 $0x0  }
0xd2: {  	s17 =	simm.s32 @p0 $0x6800;
	[sflag:s13] =	ssyncadd.s32 @p0 $0xFFFFD800;
	s13 =	sadd.s32 @p0 $0x100, s10  }
0xd3: {  	[spmem:s1] =	stream.indirect.scatter.add.f32 @p0 [tilespmem:s17], [sflag:$0x7], $0x80, s13, s14, $0xb8;
	[tilespmem:$0x1F800] =	vst v63  }
0xd4: {  	s13 =	simm.s32 @p0 $0x7  }
0xd5: {  	_ =	swait.ge @p0 [sflag:s13], $0x2800  }
0xd6: {  	s14 =	sadd.s32 @!p0 $0xFFFFFC00, s9;
	[sflag:s13] =	ssyncset.done @p0 $0x0  }
0xd7: {  	[sflag:s13] =	ssyncadd.s32 @p0 $0xFFFFD800;
	s13 =	sand.u32 @!p0 $0x3A00, s14  }
0xd8: {  	s17 =	simm.s32 @!p0 $0x4000;
	s14 =	simm.s32 @!p0 $0x50;
	s13 =	sshrl.u32 @!p0 s13, $0x2  }
0xd9: {  	[tilespmem:s17], [sflag:$0x2] =	stream.indirect.gather @!p0 [hbm4b:s16+s14], $0x80, s13, s14, $0xb8;
	[tilespmem:$0x1F800] =	vst v63  }
0xda: {  	s13 =	simm.s32 @!p0 $0x3  }
0xdb: {  	_ =	swait.ge @!p0 [sflag:s13], $0x2800  }
0xdc: {  	[sflag:s13] =	ssyncset.done @!p0 $0x0  }
0xdd: {  	s17 =	simm.s32 @!p0 $0x6800;
	[sflag:s13] =	ssyncadd.s32 @!p0 $0xFFFFD800;
	s13 =	sadd.s32 @!p0 $0x100, s10  }
0xde: {  	[spmem:s1] =	stream.indirect.scatter.add.f32 @!p0 [tilespmem:s17], [sflag:$0x7], $0x80, s13, s14, $0xb8;
	[tilespmem:$0x1F800] =	vst v63  }
0xdf: {  	s13 =	simm.s32 @!p0 $0x7  }
0xe0: {  	s25 =	sadd.s32 @!p0 $0xFFFFFE00, s9;
	_ =	swait.ge @!p0 [sflag:s13], $0x2800  }
0xe1: {  	s25 =	sand.u32 @!p0 $0x3C00, s25;
	[sflag:s13] =	ssyncset.done @!p0 $0x0  }
0xe2: {  	[sflag:s13] =	ssyncadd.s32 @!p0 $0xFFFFD800;
	s13 =	sshrl.u32 @!p0 s25, $0x2  }
0xe3: {  	[tilespmem:s17], [sflag:$0x3] =	stream.indirect.gather @!p0 [hbm4b:s16+s14], $0x80, s13, s14, $0xb8;
	[tilespmem:$0x1F800] =	vst v63  }
0xe4: {  	_ =	swait.ge [sflag:s29], $0x2800  }
0xe5: {  	[sflag:s29] =	ssyncset.done $0x0  }
.Ltmp6:
0xe6: {  	s10 =	sadd.s32 $0x180, s10;
	[sflag:s29] =	ssyncadd.s32 $0xFFFFD800;
	(pc) =	sbr.rel @p0 .LBB2_11-.Ltmp6, $4  }
0xe7: {  	[spmem:s1] =	stream.indirect.scatter.add.f32 [tilespmem:s31], [sflag:$0x7], $0x80, s10, s0, $0xb8;
	[tilespmem:$0x1F800] =	vst v63  }
0xe8: {  	_ =	swait.ge [sflag:s28], $0x2800  }
0xe9: {  	[sflag:s28] =	ssyncset.done $0x0  }
0xea: {  	[sflag:s28] =	ssyncadd.s32 $0xFFFFD800  }
.Ltmp7:
0xeb: {  	(pc) =	sbr.rel .LBB2_4-.Ltmp7, $4  }
0xec: {  	s10 =	sand.u32 $0x3E00, s9  }
0xed: {  	s11 =	sadd.s32 $0x1, s11;
	s12 =	sadd.s32 $0x40, s12;
	s15 =	sadd.s32 $0x40, s15  }
0xee: {  	s8 =	sadd.s32 $0x4, s8;
	s9 =	sadd.s32 $0x800, s9;
	s10 =	sshrl.u32 s10, $0x2  }
0xef: {  	[tilespmem:s31], [sflag:$0x4] =	stream.indirect.gather [hbm4b:s16+s0], $0x80, s10, s0, $0xb8;
	[tilespmem:$0x1F800] =	vst v63  }
.LBB2_12:
0xf0: {  	_ =	sfence.sel $0x180000  }
0xf1: {  	[bflag:$0x0] =	sbarrier.arrive $0xFFFF  }
0xf2: {  	_ =	strace $0x9000004A  }
0xf3: {  	s0 =	stileid.u32;
	[bflag:$0x2] =	sbarrier.arrive $0xFFFF  }
0xf4: {  	p0 =	sne.s32 s0, $0x0;
	s0 =	rddreg [dreg:$0x3]  }
0xf5: {  	s0 =	sadd.s32 @!p0 $0x100000, s0  }
0xf6: {  	[sflag:s0] =	ssyncadd.tile.s32 @!p0 $0x1;
	_ =	shalt  }
.Lfunc_end2:
_tile_overlayer_lowered:
.L_overlay_start_2:
0xf7: {  	(tag) =	ssettag $0x2  }
0xf8: {  	s0 =	rddreg [dreg:$0x0];
	s2 =	stileid.u32  }
0xf9: {  	s1 =	rddreg [dreg:$0x1];
	p0 =	sne.s32 s2, $0x0  }
0xfa: {  	s3 =	rddreg [dreg:$0x2];
	[bflag:$0x3] =	sbarrier.arrive $0xFFFF;
	s2 =	simm.s32 @!p0 $0x1C07  }
0xfb: {  	[timem:s3], [sflag:s2] =	dma.local @!p0 [hbm:s0], s1  }
0xfc: {  	s0 =	simm.s32 @!p0 $0x7  }
0xfd: {  	_ =	swait.ge @!p0 [sflag:s0], s1  }
0xfe: {  	s1 =	ssub.s32 @!p0 $0x0, s1;
	[sflag:s0] =	ssyncset.done @!p0 $0x0  }
0xff: {  	[sflag:s0] =	ssyncadd.s32 @!p0 s1  }
0x100: {  	[bflag:$0x3] =	sbarrier.arrive $0xFFFF  }
0x101: {  	_ =	shalt  }

</sc_bundles>
